<compile_context>
chip_gen: v7x
topology: tpu7x:2x2x1
jax: 0.10.2.dev20260603
libtpu: 0.0.44.dev20260713+nightly
codegen_flags: <defaults>
</compile_context>

<pallas_src>
import functools

import jax
import jax.numpy as jnp
from jax import lax
from jax.experimental import pallas as pl
from jax.experimental.pallas import tpu as pltpu
from jax.experimental.pallas import tpu_sc as plsc

B = 32
V = 25000
F = 50000
L = 16
NC, NS = 2, 16

CH = 1536
NFULL = F // CH
REM = F - NFULL * CH


def _body(vT, fT, oT, verts_v, faces_v, out_v, verts_sp, faces_sp, out_sp):
    c = lax.axis_index("c")
    s = lax.axis_index("s")
    b0 = c * NS

    for h in range(4):
        for k in range(3):
            @pl.when(s == k)
            def _():
                pltpu.sync_copy(
                    vT.at[k, pl.ds(b0 + 4 * h, 4), :], verts_sp.at[k]
                )

        plsc.subcore_barrier()

        @pl.when((s >= 4 * h) & (s < 4 * h + 4))
        def _():
            for k in range(3):
                pltpu.sync_copy(verts_sp.at[k, s - 4 * h], verts_v.at[k])

        plsc.subcore_barrier()

    def do_chunk(f0, w):
        nj = w // L

        for j in range(3):
            @pl.when(s == j)
            def _():
                pltpu.sync_copy(
                    fT.at[j, pl.ds(b0, NS), pl.ds(f0, w)],
                    faces_sp.at[:, j, pl.ds(0, w)],
                )

        plsc.subcore_barrier()
        pltpu.sync_copy(
            faces_sp.at[s, :, pl.ds(0, w)], faces_v.at[:, pl.ds(0, w)]
        )

        @plsc.parallel_loop(0, nj, step=1, unroll=8)
        def _loop(i):
            for j in range(3):
                fj = faces_v[j, pl.ds(i * L, L)]
                for k in range(3):
                    row = jnp.full((L,), k, jnp.int32)
                    vals = plsc.load_gather(verts_v, [row, fj])
                    out_v[3 * j + k, pl.ds(i * L, L)] = vals

        pltpu.sync_copy(
            out_v.at[:, pl.ds(0, w)], out_sp.at[s, :, pl.ds(0, w)]
        )
        plsc.subcore_barrier()

        for r in range(9):
            @pl.when(s == r)
            def _():
                pltpu.sync_copy(
                    out_sp.at[:, r, pl.ds(0, w)],
                    oT.at[r, pl.ds(b0, NS), pl.ds(f0, w)],
                )

    def chunk_step(ci, carry):
        do_chunk(pl.multiple_of(ci * CH, 128), CH)
        return carry

    lax.fori_loop(0, NFULL, chunk_step, 0)
    if REM:
        do_chunk(NFULL * CH, REM)


@functools.partial(jax.jit, static_argnames=())
def kernel(vertices, faces):
    vT = vertices.transpose(2, 0, 1)
    fT = faces.transpose(2, 0, 1)
    mesh = plsc.VectorSubcoreMesh(
        core_axis_name="c", subcore_axis_name="s", num_cores=NC, num_subcores=NS
    )
    outT = pl.kernel(
        _body,
        out_type=jax.ShapeDtypeStruct((9, B, F), jnp.float32),
        mesh=mesh,
        compiler_params=pltpu.CompilerParams(
            needs_layout_passes=False, use_tc_tiling_on_sc=False
        ),
        scratch_types=[
            pltpu.VMEM((3, V), jnp.float32),
            pltpu.VMEM((3, CH), jnp.int32),
            pltpu.VMEM((9, CH), jnp.float32),
            pltpu.VMEM_SHARED((3, 4, V), jnp.float32),
            pltpu.VMEM_SHARED((NS, 3, CH), jnp.int32),
            pltpu.VMEM_SHARED((NS, 9, CH), jnp.float32),
        ],
    )(vT, fT)
    return outT.transpose(1, 2, 0)

# --- scband reference (transcript-rebuilt; emitter-appended) ---
"""Pipeline reference for scband-middle-net-mesh-77790447665205 (READ-ONLY COPY).

The authoritative reference and input builder live on the scoring server;
editing this copy changes nothing except your own understanding.
"""

import jax, jax.numpy as jnp
import numpy as np


def setup_inputs(seed: int = 0) -> dict:
    key = jax.random.key(seed)
    k1, k2 = jax.random.split(key)
    vertices = jax.random.normal(k1, (32, 25000, 3), dtype=jnp.float32)
    faces = jax.random.randint(k2, (32, 50000, 3), 0, 25000, dtype=jnp.int32)
    return {"vertices": vertices, "faces": faces}


def reference(vertices, faces):
    # Faithful translation of:
    #   mesh[1] = vertices[torch.arange(F)[:, None, None], faces].reshape(F, faces.size(1), 9)
    # i.e. per-mesh gather of the 3 vertex coordinates for each face's 3 vertices,
    # flattened to a 9-dim per-face feature.
    B = faces.shape[0]
    Fc = faces.shape[1]
    gathered = jax.vmap(lambda v, f: jnp.take(v, f, axis=0))(vertices, faces)  # [B, F, 3, 3]
    return gathered.reshape(B, Fc, 9)

if __name__ == "__main__":
    import jax
    _d = setup_inputs()
    print(jax.jit(kernel)(*tuple(_d.values())))

</pallas_src>

<mosaic_0001>
#map = affine_map<(d0, d1) -> (0, 0, 0)>
module attributes {stable_mosaic.version = 14 : i64} {
  func.func @_body(%arg0: i32, %arg1: i32, %arg2: memref<3x32x25000xf32, #tpu.memory_space<hbm>>, %arg3: memref<3x32x50000xi32, #tpu.memory_space<hbm>>, %arg4: memref<9x32x50000xf32, #tpu.memory_space<hbm>>, %arg5: memref<3x25000xf32, #tpu.memory_space<vmem>>, %arg6: memref<3x1536xi32, #tpu.memory_space<vmem>>, %arg7: memref<9x1536xf32, #tpu.memory_space<vmem>>, %arg8: memref<3x4x25000xf32, #tpu.memory_space<vmem_shared>>, %arg9: memref<16x3x1536xi32, #tpu.memory_space<vmem_shared>>, %arg10: memref<16x9x1536xf32, #tpu.memory_space<vmem_shared>>) attributes {dimension_semantics = [#tpu.dimension_semantics<core_parallel>, #tpu.dimension_semantics<subcore_parallel>], iteration_bounds = array<i64: 2, 16>, scalar_prefetch = 0 : i64, scratch_operands = 6 : i64, tpu.core_type = #tpu.core_type<sc_vector_subcore>, window_params = [{transform_indices = #map}, {transform_indices = #map}, {transform_indices = #map}]} {
    %mul3A = arith.constant 16 : i32
    %mul3A_0 = arith.muli %arg0, %mul3A : i32
    %eq3A = arith.constant 0 : i32
    %eq3A_1 = arith.cmpi eq, %arg1, %eq3A : i32
    %convert_element_type3A = arith.extui %eq3A_1 : i1 to i32
    %cond3A = arith.constant 0 : i32
    %cond3A_2 = arith.cmpi ne, %convert_element_type3A, %cond3A : i32
    scf.if %cond3A_2 {
      %add3A = arith.constant 0 : i32
      %add3A_163 = arith.addi %mul3A_0, %add3A : i32
      %run_scoped3A = arith.constant 0 : i32
      %run_scoped3A_164 = arith.constant 0 : i32
      "tpu.region"() ({
        %run_scoped3A_165 = tpu.sem_alloc : memref<!tpu.dma_semaphore, #tpu.memory_space<semaphore_mem>>
        %dma_start3A = arith.constant 0 : i32
        %dma_start3A_166 = arith.constant 0 : i32
        %dma_start3A_167 = tpu.memref_slice %arg8[%run_scoped3A_164, %dma_start3A, %dma_start3A_166] : memref<3x4x25000xf32, #tpu.memory_space<vmem_shared>> -> memref<1x4x25000xf32, #tpu.memory_space<vmem_shared>>
        %dma_start3A_168 = tpu.memref_squeeze %dma_start3A_167 : memref<1x4x25000xf32, #tpu.memory_space<vmem_shared>> -> memref<4x25000xf32, #tpu.memory_space<vmem_shared>>
        %dma_start3A_169 = arith.constant 0 : i32
        %dma_start3A_170 = tpu.memref_slice %arg2[%run_scoped3A, %add3A_163, %dma_start3A_169] : memref<3x32x25000xf32, #tpu.memory_space<hbm>> -> memref<1x4x25000xf32, #tpu.memory_space<hbm>>
        %dma_start3A_171 = tpu.memref_squeeze %dma_start3A_170 : memref<1x4x25000xf32, #tpu.memory_space<hbm>> -> memref<4x25000xf32, #tpu.memory_space<hbm>>
        tpu.enqueue_dma source(%dma_start3A_171 : memref<4x25000xf32, #tpu.memory_space<hbm>>) target(%dma_start3A_168 : memref<4x25000xf32, #tpu.memory_space<vmem_shared>>) target_semaphore(%run_scoped3A_165 : memref<!tpu.dma_semaphore, #tpu.memory_space<semaphore_mem>>)
        %dma_wait3A = arith.constant 0 : i32
        %dma_wait3A_172 = arith.constant 0 : i32
        %dma_wait3A_173 = tpu.memref_slice %arg8[%run_scoped3A_164, %dma_wait3A, %dma_wait3A_172] : memref<3x4x25000xf32, #tpu.memory_space<vmem_shared>> -> memref<1x4x25000xf32, #tpu.memory_space<vmem_shared>>
        %dma_wait3A_174 = tpu.memref_squeeze %dma_wait3A_173 : memref<1x4x25000xf32, #tpu.memory_space<vmem_shared>> -> memref<4x25000xf32, #tpu.memory_space<vmem_shared>>
        %dma_wait3A_175 = arith.constant 0 : i32
        %dma_wait3A_176 = tpu.memref_slice %arg2[%run_scoped3A, %add3A_163, %dma_wait3A_175] : memref<3x32x25000xf32, #tpu.memory_space<hbm>> -> memref<1x4x25000xf32, #tpu.memory_space<hbm>>
        %dma_wait3A_177 = tpu.memref_squeeze %dma_wait3A_176 : memref<1x4x25000xf32, #tpu.memory_space<hbm>> -> memref<4x25000xf32, #tpu.memory_space<hbm>>
        tpu.wait_dma2 semaphore(%run_scoped3A_165 : memref<!tpu.dma_semaphore, #tpu.memory_space<semaphore_mem>>) src(%dma_wait3A_177 : memref<4x25000xf32, #tpu.memory_space<hbm>>) dst(%dma_wait3A_174 : memref<4x25000xf32, #tpu.memory_space<vmem_shared>>)
        tpu.yield
      }) : () -> ()
    } else {
    }
    %eq3A_3 = arith.constant 1 : i32
    %eq3A_4 = arith.cmpi eq, %arg1, %eq3A_3 : i32
    %convert_element_type3A_5 = arith.extui %eq3A_4 : i1 to i32
    %cond3A_6 = arith.constant 0 : i32
    %cond3A_7 = arith.cmpi ne, %convert_element_type3A_5, %cond3A_6 : i32
    scf.if %cond3A_7 {
      %add3A = arith.constant 0 : i32
      %add3A_163 = arith.addi %mul3A_0, %add3A : i32
      %run_scoped3A = arith.constant 1 : i32
      %run_scoped3A_164 = arith.constant 1 : i32
      "tpu.region"() ({
        %run_scoped3A_165 = tpu.sem_alloc : memref<!tpu.dma_semaphore, #tpu.memory_space<semaphore_mem>>
        %dma_start3A = arith.constant 0 : i32
        %dma_start3A_166 = arith.constant 0 : i32
        %dma_start3A_167 = tpu.memref_slice %arg8[%run_scoped3A_164, %dma_start3A, %dma_start3A_166] : memref<3x4x25000xf32, #tpu.memory_space<vmem_shared>> -> memref<1x4x25000xf32, #tpu.memory_space<vmem_shared>>
        %dma_start3A_168 = tpu.memref_squeeze %dma_start3A_167 : memref<1x4x25000xf32, #tpu.memory_space<vmem_shared>> -> memref<4x25000xf32, #tpu.memory_space<vmem_shared>>
        %dma_start3A_169 = arith.constant 0 : i32
        %dma_start3A_170 = tpu.memref_slice %arg2[%run_scoped3A, %add3A_163, %dma_start3A_169] : memref<3x32x25000xf32, #tpu.memory_space<hbm>> -> memref<1x4x25000xf32, #tpu.memory_space<hbm>>
        %dma_start3A_171 = tpu.memref_squeeze %dma_start3A_170 : memref<1x4x25000xf32, #tpu.memory_space<hbm>> -> memref<4x25000xf32, #tpu.memory_space<hbm>>
        tpu.enqueue_dma source(%dma_start3A_171 : memref<4x25000xf32, #tpu.memory_space<hbm>>) target(%dma_start3A_168 : memref<4x25000xf32, #tpu.memory_space<vmem_shared>>) target_semaphore(%run_scoped3A_165 : memref<!tpu.dma_semaphore, #tpu.memory_space<semaphore_mem>>)
        %dma_wait3A = arith.constant 0 : i32
        %dma_wait3A_172 = arith.constant 0 : i32
        %dma_wait3A_173 = tpu.memref_slice %arg8[%run_scoped3A_164, %dma_wait3A, %dma_wait3A_172] : memref<3x4x25000xf32, #tpu.memory_space<vmem_shared>> -> memref<1x4x25000xf32, #tpu.memory_space<vmem_shared>>
        %dma_wait3A_174 = tpu.memref_squeeze %dma_wait3A_173 : memref<1x4x25000xf32, #tpu.memory_space<vmem_shared>> -> memref<4x25000xf32, #tpu.memory_space<vmem_shared>>
        %dma_wait3A_175 = arith.constant 0 : i32
        %dma_wait3A_176 = tpu.memref_slice %arg2[%run_scoped3A, %add3A_163, %dma_wait3A_175] : memref<3x32x25000xf32, #tpu.memory_space<hbm>> -> memref<1x4x25000xf32, #tpu.memory_space<hbm>>
        %dma_wait3A_177 = tpu.memref_squeeze %dma_wait3A_176 : memref<1x4x25000xf32, #tpu.memory_space<hbm>> -> memref<4x25000xf32, #tpu.memory_space<hbm>>
        tpu.wait_dma2 semaphore(%run_scoped3A_165 : memref<!tpu.dma_semaphore, #tpu.memory_space<semaphore_mem>>) src(%dma_wait3A_177 : memref<4x25000xf32, #tpu.memory_space<hbm>>) dst(%dma_wait3A_174 : memref<4x25000xf32, #tpu.memory_space<vmem_shared>>)
        tpu.yield
      }) : () -> ()
    } else {
    }
    %eq3A_8 = arith.constant 2 : i32
    %eq3A_9 = arith.cmpi eq, %arg1, %eq3A_8 : i32
    %convert_element_type3A_10 = arith.extui %eq3A_9 : i1 to i32
    %cond3A_11 = arith.constant 0 : i32
    %cond3A_12 = arith.cmpi ne, %convert_element_type3A_10, %cond3A_11 : i32
    scf.if %cond3A_12 {
      %add3A = arith.constant 0 : i32
      %add3A_163 = arith.addi %mul3A_0, %add3A : i32
      %run_scoped3A = arith.constant 2 : i32
      %run_scoped3A_164 = arith.constant 2 : i32
      "tpu.region"() ({
        %run_scoped3A_165 = tpu.sem_alloc : memref<!tpu.dma_semaphore, #tpu.memory_space<semaphore_mem>>
        %dma_start3A = arith.constant 0 : i32
        %dma_start3A_166 = arith.constant 0 : i32
        %dma_start3A_167 = tpu.memref_slice %arg8[%run_scoped3A_164, %dma_start3A, %dma_start3A_166] : memref<3x4x25000xf32, #tpu.memory_space<vmem_shared>> -> memref<1x4x25000xf32, #tpu.memory_space<vmem_shared>>
        %dma_start3A_168 = tpu.memref_squeeze %dma_start3A_167 : memref<1x4x25000xf32, #tpu.memory_space<vmem_shared>> -> memref<4x25000xf32, #tpu.memory_space<vmem_shared>>
        %dma_start3A_169 = arith.constant 0 : i32
        %dma_start3A_170 = tpu.memref_slice %arg2[%run_scoped3A, %add3A_163, %dma_start3A_169] : memref<3x32x25000xf32, #tpu.memory_space<hbm>> -> memref<1x4x25000xf32, #tpu.memory_space<hbm>>
        %dma_start3A_171 = tpu.memref_squeeze %dma_start3A_170 : memref<1x4x25000xf32, #tpu.memory_space<hbm>> -> memref<4x25000xf32, #tpu.memory_space<hbm>>
        tpu.enqueue_dma source(%dma_start3A_171 : memref<4x25000xf32, #tpu.memory_space<hbm>>) target(%dma_start3A_168 : memref<4x25000xf32, #tpu.memory_space<vmem_shared>>) target_semaphore(%run_scoped3A_165 : memref<!tpu.dma_semaphore, #tpu.memory_space<semaphore_mem>>)
        %dma_wait3A = arith.constant 0 : i32
        %dma_wait3A_172 = arith.constant 0 : i32
        %dma_wait3A_173 = tpu.memref_slice %arg8[%run_scoped3A_164, %dma_wait3A, %dma_wait3A_172] : memref<3x4x25000xf32, #tpu.memory_space<vmem_shared>> -> memref<1x4x25000xf32, #tpu.memory_space<vmem_shared>>
        %dma_wait3A_174 = tpu.memref_squeeze %dma_wait3A_173 : memref<1x4x25000xf32, #tpu.memory_space<vmem_shared>> -> memref<4x25000xf32, #tpu.memory_space<vmem_shared>>
        %dma_wait3A_175 = arith.constant 0 : i32
        %dma_wait3A_176 = tpu.memref_slice %arg2[%run_scoped3A, %add3A_163, %dma_wait3A_175] : memref<3x32x25000xf32, #tpu.memory_space<hbm>> -> memref<1x4x25000xf32, #tpu.memory_space<hbm>>
        %dma_wait3A_177 = tpu.memref_squeeze %dma_wait3A_176 : memref<1x4x25000xf32, #tpu.memory_space<hbm>> -> memref<4x25000xf32, #tpu.memory_space<hbm>>
        tpu.wait_dma2 semaphore(%run_scoped3A_165 : memref<!tpu.dma_semaphore, #tpu.memory_space<semaphore_mem>>) src(%dma_wait3A_177 : memref<4x25000xf32, #tpu.memory_space<hbm>>) dst(%dma_wait3A_174 : memref<4x25000xf32, #tpu.memory_space<vmem_shared>>)
        tpu.yield
      }) : () -> ()
    } else {
    }
    %barrier3A = arith.constant 0 : index
    tpu.barrier barrier_id(%barrier3A)
    %ge3A = arith.constant 0 : i32
    %ge3A_13 = arith.cmpi sge, %arg1, %ge3A : i32
    %lt3A = arith.constant 4 : i32
    %lt3A_14 = arith.cmpi slt, %arg1, %lt3A : i32
    %and3A = arith.andi %ge3A_13, %lt3A_14 : i1
    %convert_element_type3A_15 = arith.extui %and3A : i1 to i32
    %cond3A_16 = arith.constant 0 : i32
    %cond3A_17 = arith.cmpi ne, %convert_element_type3A_15, %cond3A_16 : i32
    scf.if %cond3A_17 {
      %sub3A = arith.constant 0 : i32
      %sub3A_163 = arith.subi %arg1, %sub3A : i32
      %run_scoped3A = arith.constant 0 : i32
      %run_scoped3A_164 = arith.constant 0 : i32
      "tpu.region"() ({
        %run_scoped3A_173 = tpu.sem_alloc : memref<!tpu.dma_semaphore, #tpu.memory_space<semaphore_mem>>
        %dma_start3A = arith.constant 0 : i32
        %dma_start3A_174 = tpu.memref_slice %arg5[%run_scoped3A_164, %dma_start3A] : memref<3x25000xf32, #tpu.memory_space<vmem>> -> memref<1x25000xf32, #tpu.memory_space<vmem>>
        %dma_start3A_175 = tpu.memref_squeeze %dma_start3A_174 : memref<1x25000xf32, #tpu.memory_space<vmem>> -> memref<25000xf32, #tpu.memory_space<vmem>>
        %dma_start3A_176 = arith.constant 0 : i32
        %dma_start3A_177 = tpu.memref_slice %arg8[%run_scoped3A, %sub3A_163, %dma_start3A_176] : memref<3x4x25000xf32, #tpu.memory_space<vmem_shared>> -> memref<1x1x25000xf32, #tpu.memory_space<vmem_shared>>
        %dma_start3A_178 = tpu.memref_squeeze %dma_start3A_177 : memref<1x1x25000xf32, #tpu.memory_space<vmem_shared>> -> memref<25000xf32, #tpu.memory_space<vmem_shared>>
        %dma_start3A_179 = arith.constant 0 : i32
        %dma_start3A_180 = tpu.memref_slice %arg5[%run_scoped3A_164, %dma_start3A_179] : memref<3x25000xf32, #tpu.memory_space<vmem>> -> memref<1x25000xf32, #tpu.memory_space<vmem>>
        %dma_start3A_181 = tpu.memref_squeeze %dma_start3A_180 : memref<1x25000xf32, #tpu.memory_space<vmem>> -> memref<25000xf32, #tpu.memory_space<vmem>>
        %dma_start3A_182 = arith.constant 0 : i32
        %dma_start3A_183 = tpu.memref_slice %arg8[%run_scoped3A, %sub3A_163, %dma_start3A_182] : memref<3x4x25000xf32, #tpu.memory_space<vmem_shared>> -> memref<1x1x25000xf32, #tpu.memory_space<vmem_shared>>
        %dma_start3A_184 = tpu.memref_squeeze %dma_start3A_183 : memref<1x1x25000xf32, #tpu.memory_space<vmem_shared>> -> memref<25000xf32, #tpu.memory_space<vmem_shared>>
        tpu.enqueue_dma source(%dma_start3A_184 : memref<25000xf32, #tpu.memory_space<vmem_shared>>) target(%dma_start3A_181 : memref<25000xf32, #tpu.memory_space<vmem>>) target_semaphore(%run_scoped3A_173 : memref<!tpu.dma_semaphore, #tpu.memory_space<semaphore_mem>>)
        %dma_wait3A = arith.constant 0 : i32
        %dma_wait3A_185 = tpu.memref_slice %arg5[%run_scoped3A_164, %dma_wait3A] : memref<3x25000xf32, #tpu.memory_space<vmem>> -> memref<1x25000xf32, #tpu.memory_space<vmem>>
        %dma_wait3A_186 = tpu.memref_squeeze %dma_wait3A_185 : memref<1x25000xf32, #tpu.memory_space<vmem>> -> memref<25000xf32, #tpu.memory_space<vmem>>
        %dma_wait3A_187 = arith.constant 0 : i32
        %dma_wait3A_188 = tpu.memref_slice %arg8[%run_scoped3A, %sub3A_163, %dma_wait3A_187] : memref<3x4x25000xf32, #tpu.memory_space<vmem_shared>> -> memref<1x1x25000xf32, #tpu.memory_space<vmem_shared>>
        %dma_wait3A_189 = tpu.memref_squeeze %dma_wait3A_188 : memref<1x1x25000xf32, #tpu.memory_space<vmem_shared>> -> memref<25000xf32, #tpu.memory_space<vmem_shared>>
        %dma_wait3A_190 = arith.constant 0 : i32
        %dma_wait3A_191 = tpu.memref_slice %arg5[%run_scoped3A_164, %dma_wait3A_190] : memref<3x25000xf32, #tpu.memory_space<vmem>> -> memref<1x25000xf32, #tpu.memory_space<vmem>>
        %dma_wait3A_192 = tpu.memref_squeeze %dma_wait3A_191 : memref<1x25000xf32, #tpu.memory_space<vmem>> -> memref<25000xf32, #tpu.memory_space<vmem>>
        %dma_wait3A_193 = arith.constant 0 : i32
        %dma_wait3A_194 = tpu.memref_slice %arg8[%run_scoped3A, %sub3A_163, %dma_wait3A_193] : memref<3x4x25000xf32, #tpu.memory_space<vmem_shared>> -> memref<1x1x25000xf32, #tpu.memory_space<vmem_shared>>
        %dma_wait3A_195 = tpu.memref_squeeze %dma_wait3A_194 : memref<1x1x25000xf32, #tpu.memory_space<vmem_shared>> -> memref<25000xf32, #tpu.memory_space<vmem_shared>>
        tpu.wait_dma2 semaphore(%run_scoped3A_173 : memref<!tpu.dma_semaphore, #tpu.memory_space<semaphore_mem>>) src(%dma_wait3A_195 : memref<25000xf32, #tpu.memory_space<vmem_shared>>) dst(%dma_wait3A_192 : memref<25000xf32, #tpu.memory_space<vmem>>)
        tpu.yield
      }) : () -> ()
      %sub3A_165 = arith.constant 0 : i32
      %sub3A_166 = arith.subi %arg1, %sub3A_165 : i32
      %run_scoped3A_167 = arith.constant 1 : i32
      %run_scoped3A_168 = arith.constant 1 : i32
      "tpu.region"() ({
        %run_scoped3A_173 = tpu.sem_alloc : memref<!tpu.dma_semaphore, #tpu.memory_space<semaphore_mem>>
        %dma_start3A = arith.constant 0 : i32
        %dma_start3A_174 = tpu.memref_slice %arg5[%run_scoped3A_168, %dma_start3A] : memref<3x25000xf32, #tpu.memory_space<vmem>> -> memref<1x25000xf32, #tpu.memory_space<vmem>>
        %dma_start3A_175 = tpu.memref_squeeze %dma_start3A_174 : memref<1x25000xf32, #tpu.memory_space<vmem>> -> memref<25000xf32, #tpu.memory_space<vmem>>
        %dma_start3A_176 = arith.constant 0 : i32
        %dma_start3A_177 = tpu.memref_slice %arg8[%run_scoped3A_167, %sub3A_166, %dma_start3A_176] : memref<3x4x25000xf32, #tpu.memory_space<vmem_shared>> -> memref<1x1x25000xf32, #tpu.memory_space<vmem_shared>>
        %dma_start3A_178 = tpu.memref_squeeze %dma_start3A_177 : memref<1x1x25000xf32, #tpu.memory_space<vmem_shared>> -> memref<25000xf32, #tpu.memory_space<vmem_shared>>
        %dma_start3A_179 = arith.constant 0 : i32
        %dma_start3A_180 = tpu.memref_slice %arg5[%run_scoped3A_168, %dma_start3A_179] : memref<3x25000xf32, #tpu.memory_space<vmem>> -> memref<1x25000xf32, #tpu.memory_space<vmem>>
        %dma_start3A_181 = tpu.memref_squeeze %dma_start3A_180 : memref<1x25000xf32, #tpu.memory_space<vmem>> -> memref<25000xf32, #tpu.memory_space<vmem>>
        %dma_start3A_182 = arith.constant 0 : i32
        %dma_start3A_183 = tpu.memref_slice %arg8[%run_scoped3A_167, %sub3A_166, %dma_start3A_182] : memref<3x4x25000xf32, #tpu.memory_space<vmem_shared>> -> memref<1x1x25000xf32, #tpu.memory_space<vmem_shared>>
        %dma_start3A_184 = tpu.memref_squeeze %dma_start3A_183 : memref<1x1x25000xf32, #tpu.memory_space<vmem_shared>> -> memref<25000xf32, #tpu.memory_space<vmem_shared>>
        tpu.enqueue_dma source(%dma_start3A_184 : memref<25000xf32, #tpu.memory_space<vmem_shared>>) target(%dma_start3A_181 : memref<25000xf32, #tpu.memory_space<vmem>>) target_semaphore(%run_scoped3A_173 : memref<!tpu.dma_semaphore, #tpu.memory_space<semaphore_mem>>)
        %dma_wait3A = arith.constant 0 : i32
        %dma_wait3A_185 = tpu.memref_slice %arg5[%run_scoped3A_168, %dma_wait3A] : memref<3x25000xf32, #tpu.memory_space<vmem>> -> memref<1x25000xf32, #tpu.memory_space<vmem>>
        %dma_wait3A_186 = tpu.memref_squeeze %dma_wait3A_185 : memref<1x25000xf32, #tpu.memory_space<vmem>> -> memref<25000xf32, #tpu.memory_space<vmem>>
        %dma_wait3A_187 = arith.constant 0 : i32
        %dma_wait3A_188 = tpu.memref_slice %arg8[%run_scoped3A_167, %sub3A_166, %dma_wait3A_187] : memref<3x4x25000xf32, #tpu.memory_space<vmem_shared>> -> memref<1x1x25000xf32, #tpu.memory_space<vmem_shared>>
        %dma_wait3A_189 = tpu.memref_squeeze %dma_wait3A_188 : memref<1x1x25000xf32, #tpu.memory_space<vmem_shared>> -> memref<25000xf32, #tpu.memory_space<vmem_shared>>
        %dma_wait3A_190 = arith.constant 0 : i32
        %dma_wait3A_191 = tpu.memref_slice %arg5[%run_scoped3A_168, %dma_wait3A_190] : memref<3x25000xf32, #tpu.memory_space<vmem>> -> memref<1x25000xf32, #tpu.memory_space<vmem>>
        %dma_wait3A_192 = tpu.memref_squeeze %dma_wait3A_191 : memref<1x25000xf32, #tpu.memory_space<vmem>> -> memref<25000xf32, #tpu.memory_space<vmem>>
        %dma_wait3A_193 = arith.constant 0 : i32
        %dma_wait3A_194 = tpu.memref_slice %arg8[%run_scoped3A_167, %sub3A_166, %dma_wait3A_193] : memref<3x4x25000xf32, #tpu.memory_space<vmem_shared>> -> memref<1x1x25000xf32, #tpu.memory_space<vmem_shared>>
        %dma_wait3A_195 = tpu.memref_squeeze %dma_wait3A_194 : memref<1x1x25000xf32, #tpu.memory_space<vmem_shared>> -> memref<25000xf32, #tpu.memory_space<vmem_shared>>
        tpu.wait_dma2 semaphore(%run_scoped3A_173 : memref<!tpu.dma_semaphore, #tpu.memory_space<semaphore_mem>>) src(%dma_wait3A_195 : memref<25000xf32, #tpu.memory_space<vmem_shared>>) dst(%dma_wait3A_192 : memref<25000xf32, #tpu.memory_space<vmem>>)
        tpu.yield
      }) : () -> ()
      %sub3A_169 = arith.constant 0 : i32
      %sub3A_170 = arith.subi %arg1, %sub3A_169 : i32
      %run_scoped3A_171 = arith.constant 2 : i32
      %run_scoped3A_172 = arith.constant 2 : i32
      "tpu.region"() ({
        %run_scoped3A_173 = tpu.sem_alloc : memref<!tpu.dma_semaphore, #tpu.memory_space<semaphore_mem>>
        %dma_start3A = arith.constant 0 : i32
        %dma_start3A_174 = tpu.memref_slice %arg5[%run_scoped3A_172, %dma_start3A] : memref<3x25000xf32, #tpu.memory_space<vmem>> -> memref<1x25000xf32, #tpu.memory_space<vmem>>
        %dma_start3A_175 = tpu.memref_squeeze %dma_start3A_174 : memref<1x25000xf32, #tpu.memory_space<vmem>> -> memref<25000xf32, #tpu.memory_space<vmem>>
        %dma_start3A_176 = arith.constant 0 : i32
        %dma_start3A_177 = tpu.memref_slice %arg8[%run_scoped3A_171, %sub3A_170, %dma_start3A_176] : memref<3x4x25000xf32, #tpu.memory_space<vmem_shared>> -> memref<1x1x25000xf32, #tpu.memory_space<vmem_shared>>
        %dma_start3A_178 = tpu.memref_squeeze %dma_start3A_177 : memref<1x1x25000xf32, #tpu.memory_space<vmem_shared>> -> memref<25000xf32, #tpu.memory_space<vmem_shared>>
        %dma_start3A_179 = arith.constant 0 : i32
        %dma_start3A_180 = tpu.memref_slice %arg5[%run_scoped3A_172, %dma_start3A_179] : memref<3x25000xf32, #tpu.memory_space<vmem>> -> memref<1x25000xf32, #tpu.memory_space<vmem>>
        %dma_start3A_181 = tpu.memref_squeeze %dma_start3A_180 : memref<1x25000xf32, #tpu.memory_space<vmem>> -> memref<25000xf32, #tpu.memory_space<vmem>>
        %dma_start3A_182 = arith.constant 0 : i32
        %dma_start3A_183 = tpu.memref_slice %arg8[%run_scoped3A_171, %sub3A_170, %dma_start3A_182] : memref<3x4x25000xf32, #tpu.memory_space<vmem_shared>> -> memref<1x1x25000xf32, #tpu.memory_space<vmem_shared>>
        %dma_start3A_184 = tpu.memref_squeeze %dma_start3A_183 : memref<1x1x25000xf32, #tpu.memory_space<vmem_shared>> -> memref<25000xf32, #tpu.memory_space<vmem_shared>>
        tpu.enqueue_dma source(%dma_start3A_184 : memref<25000xf32, #tpu.memory_space<vmem_shared>>) target(%dma_start3A_181 : memref<25000xf32, #tpu.memory_space<vmem>>) target_semaphore(%run_scoped3A_173 : memref<!tpu.dma_semaphore, #tpu.memory_space<semaphore_mem>>)
        %dma_wait3A = arith.constant 0 : i32
        %dma_wait3A_185 = tpu.memref_slice %arg5[%run_scoped3A_172, %dma_wait3A] : memref<3x25000xf32, #tpu.memory_space<vmem>> -> memref<1x25000xf32, #tpu.memory_space<vmem>>
        %dma_wait3A_186 = tpu.memref_squeeze %dma_wait3A_185 : memref<1x25000xf32, #tpu.memory_space<vmem>> -> memref<25000xf32, #tpu.memory_space<vmem>>
        %dma_wait3A_187 = arith.constant 0 : i32
        %dma_wait3A_188 = tpu.memref_slice %arg8[%run_scoped3A_171, %sub3A_170, %dma_wait3A_187] : memref<3x4x25000xf32, #tpu.memory_space<vmem_shared>> -> memref<1x1x25000xf32, #tpu.memory_space<vmem_shared>>
        %dma_wait3A_189 = tpu.memref_squeeze %dma_wait3A_188 : memref<1x1x25000xf32, #tpu.memory_space<vmem_shared>> -> memref<25000xf32, #tpu.memory_space<vmem_shared>>
        %dma_wait3A_190 = arith.constant 0 : i32
        %dma_wait3A_191 = tpu.memref_slice %arg5[%run_scoped3A_172, %dma_wait3A_190] : memref<3x25000xf32, #tpu.memory_space<vmem>> -> memref<1x25000xf32, #tpu.memory_space<vmem>>
        %dma_wait3A_192 = tpu.memref_squeeze %dma_wait3A_191 : memref<1x25000xf32, #tpu.memory_space<vmem>> -> memref<25000xf32, #tpu.memory_space<vmem>>
        %dma_wait3A_193 = arith.constant 0 : i32
        %dma_wait3A_194 = tpu.memref_slice %arg8[%run_scoped3A_171, %sub3A_170, %dma_wait3A_193] : memref<3x4x25000xf32, #tpu.memory_space<vmem_shared>> -> memref<1x1x25000xf32, #tpu.memory_space<vmem_shared>>
        %dma_wait3A_195 = tpu.memref_squeeze %dma_wait3A_194 : memref<1x1x25000xf32, #tpu.memory_space<vmem_shared>> -> memref<25000xf32, #tpu.memory_space<vmem_shared>>
        tpu.wait_dma2 semaphore(%run_scoped3A_173 : memref<!tpu.dma_semaphore, #tpu.memory_space<semaphore_mem>>) src(%dma_wait3A_195 : memref<25000xf32, #tpu.memory_space<vmem_shared>>) dst(%dma_wait3A_192 : memref<25000xf32, #tpu.memory_space<vmem>>)
        tpu.yield
      }) : () -> ()
    } else {
    }
    %barrier3A_18 = arith.constant 0 : index
    tpu.barrier barrier_id(%barrier3A_18)
    %eq3A_19 = arith.constant 0 : i32
    %eq3A_20 = arith.cmpi eq, %arg1, %eq3A_19 : i32
    %convert_element_type3A_21 = arith.extui %eq3A_20 : i1 to i32
    %cond3A_22 = arith.constant 0 : i32
    %cond3A_23 = arith.cmpi ne, %convert_element_type3A_21, %cond3A_22 : i32
    scf.if %cond3A_23 {
      %add3A = arith.constant 4 : i32
      %add3A_163 = arith.addi %mul3A_0, %add3A : i32
      %run_scoped3A = arith.constant 0 : i32
      %run_scoped3A_164 = arith.constant 0 : i32
      "tpu.region"() ({
        %run_scoped3A_165 = tpu.sem_alloc : memref<!tpu.dma_semaphore, #tpu.memory_space<semaphore_mem>>
        %dma_start3A = arith.constant 0 : i32
        %dma_start3A_166 = arith.constant 0 : i32
        %dma_start3A_167 = tpu.memref_slice %arg8[%run_scoped3A_164, %dma_start3A, %dma_start3A_166] : memref<3x4x25000xf32, #tpu.memory_space<vmem_shared>> -> memref<1x4x25000xf32, #tpu.memory_space<vmem_shared>>
        %dma_start3A_168 = tpu.memref_squeeze %dma_start3A_167 : memref<1x4x25000xf32, #tpu.memory_space<vmem_shared>> -> memref<4x25000xf32, #tpu.memory_space<vmem_shared>>
        %dma_start3A_169 = arith.constant 0 : i32
        %dma_start3A_170 = tpu.memref_slice %arg2[%run_scoped3A, %add3A_163, %dma_start3A_169] : memref<3x32x25000xf32, #tpu.memory_space<hbm>> -> memref<1x4x25000xf32, #tpu.memory_space<hbm>>
        %dma_start3A_171 = tpu.memref_squeeze %dma_start3A_170 : memref<1x4x25000xf32, #tpu.memory_space<hbm>> -> memref<4x25000xf32, #tpu.memory_space<hbm>>
        tpu.enqueue_dma source(%dma_start3A_171 : memref<4x25000xf32, #tpu.memory_space<hbm>>) target(%dma_start3A_168 : memref<4x25000xf32, #tpu.memory_space<vmem_shared>>) target_semaphore(%run_scoped3A_165 : memref<!tpu.dma_semaphore, #tpu.memory_space<semaphore_mem>>)
        %dma_wait3A = arith.constant 0 : i32
        %dma_wait3A_172 = arith.constant 0 : i32
        %dma_wait3A_173 = tpu.memref_slice %arg8[%run_scoped3A_164, %dma_wait3A, %dma_wait3A_172] : memref<3x4x25000xf32, #tpu.memory_space<vmem_shared>> -> memref<1x4x25000xf32, #tpu.memory_space<vmem_shared>>
        %dma_wait3A_174 = tpu.memref_squeeze %dma_wait3A_173 : memref<1x4x25000xf32, #tpu.memory_space<vmem_shared>> -> memref<4x25000xf32, #tpu.memory_space<vmem_shared>>
        %dma_wait3A_175 = arith.constant 0 : i32
        %dma_wait3A_176 = tpu.memref_slice %arg2[%run_scoped3A, %add3A_163, %dma_wait3A_175] : memref<3x32x25000xf32, #tpu.memory_space<hbm>> -> memref<1x4x25000xf32, #tpu.memory_space<hbm>>
        %dma_wait3A_177 = tpu.memref_squeeze %dma_wait3A_176 : memref<1x4x25000xf32, #tpu.memory_space<hbm>> -> memref<4x25000xf32, #tpu.memory_space<hbm>>
        tpu.wait_dma2 semaphore(%run_scoped3A_165 : memref<!tpu.dma_semaphore, #tpu.memory_space<semaphore_mem>>) src(%dma_wait3A_177 : memref<4x25000xf32, #tpu.memory_space<hbm>>) dst(%dma_wait3A_174 : memref<4x25000xf32, #tpu.memory_space<vmem_shared>>)
        tpu.yield
      }) : () -> ()
    } else {
    }
    %eq3A_24 = arith.constant 1 : i32
    %eq3A_25 = arith.cmpi eq, %arg1, %eq3A_24 : i32
    %convert_element_type3A_26 = arith.extui %eq3A_25 : i1 to i32
    %cond3A_27 = arith.constant 0 : i32
    %cond3A_28 = arith.cmpi ne, %convert_element_type3A_26, %cond3A_27 : i32
    scf.if %cond3A_28 {
      %add3A = arith.constant 4 : i32
      %add3A_163 = arith.addi %mul3A_0, %add3A : i32
      %run_scoped3A = arith.constant 1 : i32
      %run_scoped3A_164 = arith.constant 1 : i32
      "tpu.region"() ({
        %run_scoped3A_165 = tpu.sem_alloc : memref<!tpu.dma_semaphore, #tpu.memory_space<semaphore_mem>>
        %dma_start3A = arith.constant 0 : i32
        %dma_start3A_166 = arith.constant 0 : i32
        %dma_start3A_167 = tpu.memref_slice %arg8[%run_scoped3A_164, %dma_start3A, %dma_start3A_166] : memref<3x4x25000xf32, #tpu.memory_space<vmem_shared>> -> memref<1x4x25000xf32, #tpu.memory_space<vmem_shared>>
        %dma_start3A_168 = tpu.memref_squeeze %dma_start3A_167 : memref<1x4x25000xf32, #tpu.memory_space<vmem_shared>> -> memref<4x25000xf32, #tpu.memory_space<vmem_shared>>
        %dma_start3A_169 = arith.constant 0 : i32
        %dma_start3A_170 = tpu.memref_slice %arg2[%run_scoped3A, %add3A_163, %dma_start3A_169] : memref<3x32x25000xf32, #tpu.memory_space<hbm>> -> memref<1x4x25000xf32, #tpu.memory_space<hbm>>
        %dma_start3A_171 = tpu.memref_squeeze %dma_start3A_170 : memref<1x4x25000xf32, #tpu.memory_space<hbm>> -> memref<4x25000xf32, #tpu.memory_space<hbm>>
        tpu.enqueue_dma source(%dma_start3A_171 : memref<4x25000xf32, #tpu.memory_space<hbm>>) target(%dma_start3A_168 : memref<4x25000xf32, #tpu.memory_space<vmem_shared>>) target_semaphore(%run_scoped3A_165 : memref<!tpu.dma_semaphore, #tpu.memory_space<semaphore_mem>>)
        %dma_wait3A = arith.constant 0 : i32
        %dma_wait3A_172 = arith.constant 0 : i32
        %dma_wait3A_173 = tpu.memref_slice %arg8[%run_scoped3A_164, %dma_wait3A, %dma_wait3A_172] : memref<3x4x25000xf32, #tpu.memory_space<vmem_shared>> -> memref<1x4x25000xf32, #tpu.memory_space<vmem_shared>>
        %dma_wait3A_174 = tpu.memref_squeeze %dma_wait3A_173 : memref<1x4x25000xf32, #tpu.memory_space<vmem_shared>> -> memref<4x25000xf32, #tpu.memory_space<vmem_shared>>
        %dma_wait3A_175 = arith.constant 0 : i32
        %dma_wait3A_176 = tpu.memref_slice %arg2[%run_scoped3A, %add3A_163, %dma_wait3A_175] : memref<3x32x25000xf32, #tpu.memory_space<hbm>> -> memref<1x4x25000xf32, #tpu.memory_space<hbm>>
        %dma_wait3A_177 = tpu.memref_squeeze %dma_wait3A_176 : memref<1x4x25000xf32, #tpu.memory_space<hbm>> -> memref<4x25000xf32, #tpu.memory_space<hbm>>
        tpu.wait_dma2 semaphore(%run_scoped3A_165 : memref<!tpu.dma_semaphore, #tpu.memory_space<semaphore_mem>>) src(%dma_wait3A_177 : memref<4x25000xf32, #tpu.memory_space<hbm>>) dst(%dma_wait3A_174 : memref<4x25000xf32, #tpu.memory_space<vmem_shared>>)
        tpu.yield
      }) : () -> ()
    } else {
    }
    %eq3A_29 = arith.constant 2 : i32
    %eq3A_30 = arith.cmpi eq, %arg1, %eq3A_29 : i32
    %convert_element_type3A_31 = arith.extui %eq3A_30 : i1 to i32
    %cond3A_32 = arith.constant 0 : i32
    %cond3A_33 = arith.cmpi ne, %convert_element_type3A_31, %cond3A_32 : i32
    scf.if %cond3A_33 {
      %add3A = arith.constant 4 : i32
      %add3A_163 = arith.addi %mul3A_0, %add3A : i32
      %run_scoped3A = arith.constant 2 : i32
      %run_scoped3A_164 = arith.constant 2 : i32
      "tpu.region"() ({
        %run_scoped3A_165 = tpu.sem_alloc : memref<!tpu.dma_semaphore, #tpu.memory_space<semaphore_mem>>
        %dma_start3A = arith.constant 0 : i32
        %dma_start3A_166 = arith.constant 0 : i32
        %dma_start3A_167 = tpu.memref_slice %arg8[%run_scoped3A_164, %dma_start3A, %dma_start3A_166] : memref<3x4x25000xf32, #tpu.memory_space<vmem_shared>> -> memref<1x4x25000xf32, #tpu.memory_space<vmem_shared>>
        %dma_start3A_168 = tpu.memref_squeeze %dma_start3A_167 : memref<1x4x25000xf32, #tpu.memory_space<vmem_shared>> -> memref<4x25000xf32, #tpu.memory_space<vmem_shared>>
        %dma_start3A_169 = arith.constant 0 : i32
        %dma_start3A_170 = tpu.memref_slice %arg2[%run_scoped3A, %add3A_163, %dma_start3A_169] : memref<3x32x25000xf32, #tpu.memory_space<hbm>> -> memref<1x4x25000xf32, #tpu.memory_space<hbm>>
        %dma_start3A_171 = tpu.memref_squeeze %dma_start3A_170 : memref<1x4x25000xf32, #tpu.memory_space<hbm>> -> memref<4x25000xf32, #tpu.memory_space<hbm>>
        tpu.enqueue_dma source(%dma_start3A_171 : memref<4x25000xf32, #tpu.memory_space<hbm>>) target(%dma_start3A_168 : memref<4x25000xf32, #tpu.memory_space<vmem_shared>>) target_semaphore(%run_scoped3A_165 : memref<!tpu.dma_semaphore, #tpu.memory_space<semaphore_mem>>)
        %dma_wait3A = arith.constant 0 : i32
        %dma_wait3A_172 = arith.constant 0 : i32
        %dma_wait3A_173 = tpu.memref_slice %arg8[%run_scoped3A_164, %dma_wait3A, %dma_wait3A_172] : memref<3x4x25000xf32, #tpu.memory_space<vmem_shared>> -> memref<1x4x25000xf32, #tpu.memory_space<vmem_shared>>
        %dma_wait3A_174 = tpu.memref_squeeze %dma_wait3A_173 : memref<1x4x25000xf32, #tpu.memory_space<vmem_shared>> -> memref<4x25000xf32, #tpu.memory_space<vmem_shared>>
        %dma_wait3A_175 = arith.constant 0 : i32
        %dma_wait3A_176 = tpu.memref_slice %arg2[%run_scoped3A, %add3A_163, %dma_wait3A_175] : memref<3x32x25000xf32, #tpu.memory_space<hbm>> -> memref<1x4x25000xf32, #tpu.memory_space<hbm>>
        %dma_wait3A_177 = tpu.memref_squeeze %dma_wait3A_176 : memref<1x4x25000xf32, #tpu.memory_space<hbm>> -> memref<4x25000xf32, #tpu.memory_space<hbm>>
        tpu.wait_dma2 semaphore(%run_scoped3A_165 : memref<!tpu.dma_semaphore, #tpu.memory_space<semaphore_mem>>) src(%dma_wait3A_177 : memref<4x25000xf32, #tpu.memory_space<hbm>>) dst(%dma_wait3A_174 : memref<4x25000xf32, #tpu.memory_space<vmem_shared>>)
        tpu.yield
      }) : () -> ()
    } else {
    }
    %barrier3A_34 = arith.constant 0 : index
    tpu.barrier barrier_id(%barrier3A_34)
    %ge3A_35 = arith.constant 4 : i32
    %ge3A_36 = arith.cmpi sge, %arg1, %ge3A_35 : i32
    %lt3A_37 = arith.constant 8 : i32
    %lt3A_38 = arith.cmpi slt, %arg1, %lt3A_37 : i32
    %and3A_39 = arith.andi %ge3A_36, %lt3A_38 : i1
    %convert_element_type3A_40 = arith.extui %and3A_39 : i1 to i32
    %cond3A_41 = arith.constant 0 : i32
    %cond3A_42 = arith.cmpi ne, %convert_element_type3A_40, %cond3A_41 : i32
    scf.if %cond3A_42 {
      %sub3A = arith.constant 4 : i32
      %sub3A_163 = arith.subi %arg1, %sub3A : i32
      %run_scoped3A = arith.constant 0 : i32
      %run_scoped3A_164 = arith.constant 0 : i32
      "tpu.region"() ({
        %run_scoped3A_173 = tpu.sem_alloc : memref<!tpu.dma_semaphore, #tpu.memory_space<semaphore_mem>>
        %dma_start3A = arith.constant 0 : i32
        %dma_start3A_174 = tpu.memref_slice %arg5[%run_scoped3A_164, %dma_start3A] : memref<3x25000xf32, #tpu.memory_space<vmem>> -> memref<1x25000xf32, #tpu.memory_space<vmem>>
        %dma_start3A_175 = tpu.memref_squeeze %dma_start3A_174 : memref<1x25000xf32, #tpu.memory_space<vmem>> -> memref<25000xf32, #tpu.memory_space<vmem>>
        %dma_start3A_176 = arith.constant 0 : i32
        %dma_start3A_177 = tpu.memref_slice %arg8[%run_scoped3A, %sub3A_163, %dma_start3A_176] : memref<3x4x25000xf32, #tpu.memory_space<vmem_shared>> -> memref<1x1x25000xf32, #tpu.memory_space<vmem_shared>>
        %dma_start3A_178 = tpu.memref_squeeze %dma_start3A_177 : memref<1x1x25000xf32, #tpu.memory_space<vmem_shared>> -> memref<25000xf32, #tpu.memory_space<vmem_shared>>
        %dma_start3A_179 = arith.constant 0 : i32
        %dma_start3A_180 = tpu.memref_slice %arg5[%run_scoped3A_164, %dma_start3A_179] : memref<3x25000xf32, #tpu.memory_space<vmem>> -> memref<1x25000xf32, #tpu.memory_space<vmem>>
        %dma_start3A_181 = tpu.memref_squeeze %dma_start3A_180 : memref<1x25000xf32, #tpu.memory_space<vmem>> -> memref<25000xf32, #tpu.memory_space<vmem>>
        %dma_start3A_182 = arith.constant 0 : i32
        %dma_start3A_183 = tpu.memref_slice %arg8[%run_scoped3A, %sub3A_163, %dma_start3A_182] : memref<3x4x25000xf32, #tpu.memory_space<vmem_shared>> -> memref<1x1x25000xf32, #tpu.memory_space<vmem_shared>>
        %dma_start3A_184 = tpu.memref_squeeze %dma_start3A_183 : memref<1x1x25000xf32, #tpu.memory_space<vmem_shared>> -> memref<25000xf32, #tpu.memory_space<vmem_shared>>
        tpu.enqueue_dma source(%dma_start3A_184 : memref<25000xf32, #tpu.memory_space<vmem_shared>>) target(%dma_start3A_181 : memref<25000xf32, #tpu.memory_space<vmem>>) target_semaphore(%run_scoped3A_173 : memref<!tpu.dma_semaphore, #tpu.memory_space<semaphore_mem>>)
        %dma_wait3A = arith.constant 0 : i32
        %dma_wait3A_185 = tpu.memref_slice %arg5[%run_scoped3A_164, %dma_wait3A] : memref<3x25000xf32, #tpu.memory_space<vmem>> -> memref<1x25000xf32, #tpu.memory_space<vmem>>
        %dma_wait3A_186 = tpu.memref_squeeze %dma_wait3A_185 : memref<1x25000xf32, #tpu.memory_space<vmem>> -> memref<25000xf32, #tpu.memory_space<vmem>>
        %dma_wait3A_187 = arith.constant 0 : i32
        %dma_wait3A_188 = tpu.memref_slice %arg8[%run_scoped3A, %sub3A_163, %dma_wait3A_187] : memref<3x4x25000xf32, #tpu.memory_space<vmem_shared>> -> memref<1x1x25000xf32, #tpu.memory_space<vmem_shared>>
        %dma_wait3A_189 = tpu.memref_squeeze %dma_wait3A_188 : memref<1x1x25000xf32, #tpu.memory_space<vmem_shared>> -> memref<25000xf32, #tpu.memory_space<vmem_shared>>
        %dma_wait3A_190 = arith.constant 0 : i32
        %dma_wait3A_191 = tpu.memref_slice %arg5[%run_scoped3A_164, %dma_wait3A_190] : memref<3x25000xf32, #tpu.memory_space<vmem>> -> memref<1x25000xf32, #tpu.memory_space<vmem>>
        %dma_wait3A_192 = tpu.memref_squeeze %dma_wait3A_191 : memref<1x25000xf32, #tpu.memory_space<vmem>> -> memref<25000xf32, #tpu.memory_space<vmem>>
        %dma_wait3A_193 = arith.constant 0 : i32
        %dma_wait3A_194 = tpu.memref_slice %arg8[%run_scoped3A, %sub3A_163, %dma_wait3A_193] : memref<3x4x25000xf32, #tpu.memory_space<vmem_shared>> -> memref<1x1x25000xf32, #tpu.memory_space<vmem_shared>>
        %dma_wait3A_195 = tpu.memref_squeeze %dma_wait3A_194 : memref<1x1x25000xf32, #tpu.memory_space<vmem_shared>> -> memref<25000xf32, #tpu.memory_space<vmem_shared>>
        tpu.wait_dma2 semaphore(%run_scoped3A_173 : memref<!tpu.dma_semaphore, #tpu.memory_space<semaphore_mem>>) src(%dma_wait3A_195 : memref<25000xf32, #tpu.memory_space<vmem_shared>>) dst(%dma_wait3A_192 : memref<25000xf32, #tpu.memory_space<vmem>>)
        tpu.yield
      }) : () -> ()
      %sub3A_165 = arith.constant 4 : i32
      %sub3A_166 = arith.subi %arg1, %sub3A_165 : i32
      %run_scoped3A_167 = arith.constant 1 : i32
      %run_scoped3A_168 = arith.constant 1 : i32
      "tpu.region"() ({
        %run_scoped3A_173 = tpu.sem_alloc : memref<!tpu.dma_semaphore, #tpu.memory_space<semaphore_mem>>
        %dma_start3A = arith.constant 0 : i32
        %dma_start3A_174 = tpu.memref_slice %arg5[%run_scoped3A_168, %dma_start3A] : memref<3x25000xf32, #tpu.memory_space<vmem>> -> memref<1x25000xf32, #tpu.memory_space<vmem>>
        %dma_start3A_175 = tpu.memref_squeeze %dma_start3A_174 : memref<1x25000xf32, #tpu.memory_space<vmem>> -> memref<25000xf32, #tpu.memory_space<vmem>>
        %dma_start3A_176 = arith.constant 0 : i32
        %dma_start3A_177 = tpu.memref_slice %arg8[%run_scoped3A_167, %sub3A_166, %dma_start3A_176] : memref<3x4x25000xf32, #tpu.memory_space<vmem_shared>> -> memref<1x1x25000xf32, #tpu.memory_space<vmem_shared>>
        %dma_start3A_178 = tpu.memref_squeeze %dma_start3A_177 : memref<1x1x25000xf32, #tpu.memory_space<vmem_shared>> -> memref<25000xf32, #tpu.memory_space<vmem_shared>>
        %dma_start3A_179 = arith.constant 0 : i32
        %dma_start3A_180 = tpu.memref_slice %arg5[%run_scoped3A_168, %dma_start3A_179] : memref<3x25000xf32, #tpu.memory_space<vmem>> -> memref<1x25000xf32, #tpu.memory_space<vmem>>
        %dma_start3A_181 = tpu.memref_squeeze %dma_start3A_180 : memref<1x25000xf32, #tpu.memory_space<vmem>> -> memref<25000xf32, #tpu.memory_space<vmem>>
        %dma_start3A_182 = arith.constant 0 : i32
        %dma_start3A_183 = tpu.memref_slice %arg8[%run_scoped3A_167, %sub3A_166, %dma_start3A_182] : memref<3x4x25000xf32, #tpu.memory_space<vmem_shared>> -> memref<1x1x25000xf32, #tpu.memory_space<vmem_shared>>
        %dma_start3A_184 = tpu.memref_squeeze %dma_start3A_183 : memref<1x1x25000xf32, #tpu.memory_space<vmem_shared>> -> memref<25000xf32, #tpu.memory_space<vmem_shared>>
        tpu.enqueue_dma source(%dma_start3A_184 : memref<25000xf32, #tpu.memory_space<vmem_shared>>) target(%dma_start3A_181 : memref<25000xf32, #tpu.memory_space<vmem>>) target_semaphore(%run_scoped3A_173 : memref<!tpu.dma_semaphore, #tpu.memory_space<semaphore_mem>>)
        %dma_wait3A = arith.constant 0 : i32
        %dma_wait3A_185 = tpu.memref_slice %arg5[%run_scoped3A_168, %dma_wait3A] : memref<3x25000xf32, #tpu.memory_space<vmem>> -> memref<1x25000xf32, #tpu.memory_space<vmem>>
        %dma_wait3A_186 = tpu.memref_squeeze %dma_wait3A_185 : memref<1x25000xf32, #tpu.memory_space<vmem>> -> memref<25000xf32, #tpu.memory_space<vmem>>
        %dma_wait3A_187 = arith.constant 0 : i32
        %dma_wait3A_188 = tpu.memref_slice %arg8[%run_scoped3A_167, %sub3A_166, %dma_wait3A_187] : memref<3x4x25000xf32, #tpu.memory_space<vmem_shared>> -> memref<1x1x25000xf32, #tpu.memory_space<vmem_shared>>
        %dma_wait3A_189 = tpu.memref_squeeze %dma_wait3A_188 : memref<1x1x25000xf32, #tpu.memory_space<vmem_shared>> -> memref<25000xf32, #tpu.memory_space<vmem_shared>>
        %dma_wait3A_190 = arith.constant 0 : i32
        %dma_wait3A_191 = tpu.memref_slice %arg5[%run_scoped3A_168, %dma_wait3A_190] : memref<3x25000xf32, #tpu.memory_space<vmem>> -> memref<1x25000xf32, #tpu.memory_space<vmem>>
        %dma_wait3A_192 = tpu.memref_squeeze %dma_wait3A_191 : memref<1x25000xf32, #tpu.memory_space<vmem>> -> memref<25000xf32, #tpu.memory_space<vmem>>
        %dma_wait3A_193 = arith.constant 0 : i32
        %dma_wait3A_194 = tpu.memref_slice %arg8[%run_scoped3A_167, %sub3A_166, %dma_wait3A_193] : memref<3x4x25000xf32, #tpu.memory_space<vmem_shared>> -> memref<1x1x25000xf32, #tpu.memory_space<vmem_shared>>
        %dma_wait3A_195 = tpu.memref_squeeze %dma_wait3A_194 : memref<1x1x25000xf32, #tpu.memory_space<vmem_shared>> -> memref<25000xf32, #tpu.memory_space<vmem_shared>>
        tpu.wait_dma2 semaphore(%run_scoped3A_173 : memref<!tpu.dma_semaphore, #tpu.memory_space<semaphore_mem>>) src(%dma_wait3A_195 : memref<25000xf32, #tpu.memory_space<vmem_shared>>) dst(%dma_wait3A_192 : memref<25000xf32, #tpu.memory_space<vmem>>)
        tpu.yield
      }) : () -> ()
      %sub3A_169 = arith.constant 4 : i32
      %sub3A_170 = arith.subi %arg1, %sub3A_169 : i32
      %run_scoped3A_171 = arith.constant 2 : i32
      %run_scoped3A_172 = arith.constant 2 : i32
      "tpu.region"() ({
        %run_scoped3A_173 = tpu.sem_alloc : memref<!tpu.dma_semaphore, #tpu.memory_space<semaphore_mem>>
        %dma_start3A = arith.constant 0 : i32
        %dma_start3A_174 = tpu.memref_slice %arg5[%run_scoped3A_172, %dma_start3A] : memref<3x25000xf32, #tpu.memory_space<vmem>> -> memref<1x25000xf32, #tpu.memory_space<vmem>>
        %dma_start3A_175 = tpu.memref_squeeze %dma_start3A_174 : memref<1x25000xf32, #tpu.memory_space<vmem>> -> memref<25000xf32, #tpu.memory_space<vmem>>
        %dma_start3A_176 = arith.constant 0 : i32
        %dma_start3A_177 = tpu.memref_slice %arg8[%run_scoped3A_171, %sub3A_170, %dma_start3A_176] : memref<3x4x25000xf32, #tpu.memory_space<vmem_shared>> -> memref<1x1x25000xf32, #tpu.memory_space<vmem_shared>>
        %dma_start3A_178 = tpu.memref_squeeze %dma_start3A_177 : memref<1x1x25000xf32, #tpu.memory_space<vmem_shared>> -> memref<25000xf32, #tpu.memory_space<vmem_shared>>
        %dma_start3A_179 = arith.constant 0 : i32
        %dma_start3A_180 = tpu.memref_slice %arg5[%run_scoped3A_172, %dma_start3A_179] : memref<3x25000xf32, #tpu.memory_space<vmem>> -> memref<1x25000xf32, #tpu.memory_space<vmem>>
        %dma_start3A_181 = tpu.memref_squeeze %dma_start3A_180 : memref<1x25000xf32, #tpu.memory_space<vmem>> -> memref<25000xf32, #tpu.memory_space<vmem>>
        %dma_start3A_182 = arith.constant 0 : i32
        %dma_start3A_183 = tpu.memref_slice %arg8[%run_scoped3A_171, %sub3A_170, %dma_start3A_182] : memref<3x4x25000xf32, #tpu.memory_space<vmem_shared>> -> memref<1x1x25000xf32, #tpu.memory_space<vmem_shared>>
        %dma_start3A_184 = tpu.memref_squeeze %dma_start3A_183 : memref<1x1x25000xf32, #tpu.memory_space<vmem_shared>> -> memref<25000xf32, #tpu.memory_space<vmem_shared>>
        tpu.enqueue_dma source(%dma_start3A_184 : memref<25000xf32, #tpu.memory_space<vmem_shared>>) target(%dma_start3A_181 : memref<25000xf32, #tpu.memory_space<vmem>>) target_semaphore(%run_scoped3A_173 : memref<!tpu.dma_semaphore, #tpu.memory_space<semaphore_mem>>)
        %dma_wait3A = arith.constant 0 : i32
        %dma_wait3A_185 = tpu.memref_slice %arg5[%run_scoped3A_172, %dma_wait3A] : memref<3x25000xf32, #tpu.memory_space<vmem>> -> memref<1x25000xf32, #tpu.memory_space<vmem>>
        %dma_wait3A_186 = tpu.memref_squeeze %dma_wait3A_185 : memref<1x25000xf32, #tpu.memory_space<vmem>> -> memref<25000xf32, #tpu.memory_space<vmem>>
        %dma_wait3A_187 = arith.constant 0 : i32
        %dma_wait3A_188 = tpu.memref_slice %arg8[%run_scoped3A_171, %sub3A_170, %dma_wait3A_187] : memref<3x4x25000xf32, #tpu.memory_space<vmem_shared>> -> memref<1x1x25000xf32, #tpu.memory_space<vmem_shared>>
        %dma_wait3A_189 = tpu.memref_squeeze %dma_wait3A_188 : memref<1x1x25000xf32, #tpu.memory_space<vmem_shared>> -> memref<25000xf32, #tpu.memory_space<vmem_shared>>
        %dma_wait3A_190 = arith.constant 0 : i32
        %dma_wait3A_191 = tpu.memref_slice %arg5[%run_scoped3A_172, %dma_wait3A_190] : memref<3x25000xf32, #tpu.memory_space<vmem>> -> memref<1x25000xf32, #tpu.memory_space<vmem>>
        %dma_wait3A_192 = tpu.memref_squeeze %dma_wait3A_191 : memref<1x25000xf32, #tpu.memory_space<vmem>> -> memref<25000xf32, #tpu.memory_space<vmem>>
        %dma_wait3A_193 = arith.constant 0 : i32
        %dma_wait3A_194 = tpu.memref_slice %arg8[%run_scoped3A_171, %sub3A_170, %dma_wait3A_193] : memref<3x4x25000xf32, #tpu.memory_space<vmem_shared>> -> memref<1x1x25000xf32, #tpu.memory_space<vmem_shared>>
        %dma_wait3A_195 = tpu.memref_squeeze %dma_wait3A_194 : memref<1x1x25000xf32, #tpu.memory_space<vmem_shared>> -> memref<25000xf32, #tpu.memory_space<vmem_shared>>
        tpu.wait_dma2 semaphore(%run_scoped3A_173 : memref<!tpu.dma_semaphore, #tpu.memory_space<semaphore_mem>>) src(%dma_wait3A_195 : memref<25000xf32, #tpu.memory_space<vmem_shared>>) dst(%dma_wait3A_192 : memref<25000xf32, #tpu.memory_space<vmem>>)
        tpu.yield
      }) : () -> ()
    } else {
    }
    %barrier3A_43 = arith.constant 0 : index
    tpu.barrier barrier_id(%barrier3A_43)
    %eq3A_44 = arith.constant 0 : i32
    %eq3A_45 = arith.cmpi eq, %arg1, %eq3A_44 : i32
    %convert_element_type3A_46 = arith.extui %eq3A_45 : i1 to i32
    %cond3A_47 = arith.constant 0 : i32
    %cond3A_48 = arith.cmpi ne, %convert_element_type3A_46, %cond3A_47 : i32
    scf.if %cond3A_48 {
      %add3A = arith.constant 8 : i32
      %add3A_163 = arith.addi %mul3A_0, %add3A : i32
      %run_scoped3A = arith.constant 0 : i32
      %run_scoped3A_164 = arith.constant 0 : i32
      "tpu.region"() ({
        %run_scoped3A_165 = tpu.sem_alloc : memref<!tpu.dma_semaphore, #tpu.memory_space<semaphore_mem>>
        %dma_start3A = arith.constant 0 : i32
        %dma_start3A_166 = arith.constant 0 : i32
        %dma_start3A_167 = tpu.memref_slice %arg8[%run_scoped3A_164, %dma_start3A, %dma_start3A_166] : memref<3x4x25000xf32, #tpu.memory_space<vmem_shared>> -> memref<1x4x25000xf32, #tpu.memory_space<vmem_shared>>
        %dma_start3A_168 = tpu.memref_squeeze %dma_start3A_167 : memref<1x4x25000xf32, #tpu.memory_space<vmem_shared>> -> memref<4x25000xf32, #tpu.memory_space<vmem_shared>>
        %dma_start3A_169 = arith.constant 0 : i32
        %dma_start3A_170 = tpu.memref_slice %arg2[%run_scoped3A, %add3A_163, %dma_start3A_169] : memref<3x32x25000xf32, #tpu.memory_space<hbm>> -> memref<1x4x25000xf32, #tpu.memory_space<hbm>>
        %dma_start3A_171 = tpu.memref_squeeze %dma_start3A_170 : memref<1x4x25000xf32, #tpu.memory_space<hbm>> -> memref<4x25000xf32, #tpu.memory_space<hbm>>
        tpu.enqueue_dma source(%dma_start3A_171 : memref<4x25000xf32, #tpu.memory_space<hbm>>) target(%dma_start3A_168 : memref<4x25000xf32, #tpu.memory_space<vmem_shared>>) target_semaphore(%run_scoped3A_165 : memref<!tpu.dma_semaphore, #tpu.memory_space<semaphore_mem>>)
        %dma_wait3A = arith.constant 0 : i32
        %dma_wait3A_172 = arith.constant 0 : i32
        %dma_wait3A_173 = tpu.memref_slice %arg8[%run_scoped3A_164, %dma_wait3A, %dma_wait3A_172] : memref<3x4x25000xf32, #tpu.memory_space<vmem_shared>> -> memref<1x4x25000xf32, #tpu.memory_space<vmem_shared>>
        %dma_wait3A_174 = tpu.memref_squeeze %dma_wait3A_173 : memref<1x4x25000xf32, #tpu.memory_space<vmem_shared>> -> memref<4x25000xf32, #tpu.memory_space<vmem_shared>>
        %dma_wait3A_175 = arith.constant 0 : i32
        %dma_wait3A_176 = tpu.memref_slice %arg2[%run_scoped3A, %add3A_163, %dma_wait3A_175] : memref<3x32x25000xf32, #tpu.memory_space<hbm>> -> memref<1x4x25000xf32, #tpu.memory_space<hbm>>
        %dma_wait3A_177 = tpu.memref_squeeze %dma_wait3A_176 : memref<1x4x25000xf32, #tpu.memory_space<hbm>> -> memref<4x25000xf32, #tpu.memory_space<hbm>>
        tpu.wait_dma2 semaphore(%run_scoped3A_165 : memref<!tpu.dma_semaphore, #tpu.memory_space<semaphore_mem>>) src(%dma_wait3A_177 : memref<4x25000xf32, #tpu.memory_space<hbm>>) dst(%dma_wait3A_174 : memref<4x25000xf32, #tpu.memory_space<vmem_shared>>)
        tpu.yield
      }) : () -> ()
    } else {
    }
    %eq3A_49 = arith.constant 1 : i32
    %eq3A_50 = arith.cmpi eq, %arg1, %eq3A_49 : i32
    %convert_element_type3A_51 = arith.extui %eq3A_50 : i1 to i32
    %cond3A_52 = arith.constant 0 : i32
    %cond3A_53 = arith.cmpi ne, %convert_element_type3A_51, %cond3A_52 : i32
    scf.if %cond3A_53 {
      %add3A = arith.constant 8 : i32
      %add3A_163 = arith.addi %mul3A_0, %add3A : i32
      %run_scoped3A = arith.constant 1 : i32
      %run_scoped3A_164 = arith.constant 1 : i32
      "tpu.region"() ({
        %run_scoped3A_165 = tpu.sem_alloc : memref<!tpu.dma_semaphore, #tpu.memory_space<semaphore_mem>>
        %dma_start3A = arith.constant 0 : i32
        %dma_start3A_166 = arith.constant 0 : i32
        %dma_start3A_167 = tpu.memref_slice %arg8[%run_scoped3A_164, %dma_start3A, %dma_start3A_166] : memref<3x4x25000xf32, #tpu.memory_space<vmem_shared>> -> memref<1x4x25000xf32, #tpu.memory_space<vmem_shared>>
        %dma_start3A_168 = tpu.memref_squeeze %dma_start3A_167 : memref<1x4x25000xf32, #tpu.memory_space<vmem_shared>> -> memref<4x25000xf32, #tpu.memory_space<vmem_shared>>
        %dma_start3A_169 = arith.constant 0 : i32
        %dma_start3A_170 = tpu.memref_slice %arg2[%run_scoped3A, %add3A_163, %dma_start3A_169] : memref<3x32x25000xf32, #tpu.memory_space<hbm>> -> memref<1x4x25000xf32, #tpu.memory_space<hbm>>
        %dma_start3A_171 = tpu.memref_squeeze %dma_start3A_170 : memref<1x4x25000xf32, #tpu.memory_space<hbm>> -> memref<4x25000xf32, #tpu.memory_space<hbm>>
        tpu.enqueue_dma source(%dma_start3A_171 : memref<4x25000xf32, #tpu.memory_space<hbm>>) target(%dma_start3A_168 : memref<4x25000xf32, #tpu.memory_space<vmem_shared>>) target_semaphore(%run_scoped3A_165 : memref<!tpu.dma_semaphore, #tpu.memory_space<semaphore_mem>>)
        %dma_wait3A = arith.constant 0 : i32
        %dma_wait3A_172 = arith.constant 0 : i32
        %dma_wait3A_173 = tpu.memref_slice %arg8[%run_scoped3A_164, %dma_wait3A, %dma_wait3A_172] : memref<3x4x25000xf32, #tpu.memory_space<vmem_shared>> -> memref<1x4x25000xf32, #tpu.memory_space<vmem_shared>>
        %dma_wait3A_174 = tpu.memref_squeeze %dma_wait3A_173 : memref<1x4x25000xf32, #tpu.memory_space<vmem_shared>> -> memref<4x25000xf32, #tpu.memory_space<vmem_shared>>
        %dma_wait3A_175 = arith.constant 0 : i32
        %dma_wait3A_176 = tpu.memref_slice %arg2[%run_scoped3A, %add3A_163, %dma_wait3A_175] : memref<3x32x25000xf32, #tpu.memory_space<hbm>> -> memref<1x4x25000xf32, #tpu.memory_space<hbm>>
        %dma_wait3A_177 = tpu.memref_squeeze %dma_wait3A_176 : memref<1x4x25000xf32, #tpu.memory_space<hbm>> -> memref<4x25000xf32, #tpu.memory_space<hbm>>
        tpu.wait_dma2 semaphore(%run_scoped3A_165 : memref<!tpu.dma_semaphore, #tpu.memory_space<semaphore_mem>>) src(%dma_wait3A_177 : memref<4x25000xf32, #tpu.memory_space<hbm>>) dst(%dma_wait3A_174 : memref<4x25000xf32, #tpu.memory_space<vmem_shared>>)
        tpu.yield
      }) : () -> ()
    } else {
    }
    %eq3A_54 = arith.constant 2 : i32
    %eq3A_55 = arith.cmpi eq, %arg1, %eq3A_54 : i32
    %convert_element_type3A_56 = arith.extui %eq3A_55 : i1 to i32
    %cond3A_57 = arith.constant 0 : i32
    %cond3A_58 = arith.cmpi ne, %convert_element_type3A_56, %cond3A_57 : i32
    scf.if %cond3A_58 {
      %add3A = arith.constant 8 : i32
      %add3A_163 = arith.addi %mul3A_0, %add3A : i32
      %run_scoped3A = arith.constant 2 : i32
      %run_scoped3A_164 = arith.constant 2 : i32
      "tpu.region"() ({
        %run_scoped3A_165 = tpu.sem_alloc : memref<!tpu.dma_semaphore, #tpu.memory_space<semaphore_mem>>
        %dma_start3A = arith.constant 0 : i32
        %dma_start3A_166 = arith.constant 0 : i32
        %dma_start3A_167 = tpu.memref_slice %arg8[%run_scoped3A_164, %dma_start3A, %dma_start3A_166] : memref<3x4x25000xf32, #tpu.memory_space<vmem_shared>> -> memref<1x4x25000xf32, #tpu.memory_space<vmem_shared>>
        %dma_start3A_168 = tpu.memref_squeeze %dma_start3A_167 : memref<1x4x25000xf32, #tpu.memory_space<vmem_shared>> -> memref<4x25000xf32, #tpu.memory_space<vmem_shared>>
        %dma_start3A_169 = arith.constant 0 : i32
        %dma_start3A_170 = tpu.memref_slice %arg2[%run_scoped3A, %add3A_163, %dma_start3A_169] : memref<3x32x25000xf32, #tpu.memory_space<hbm>> -> memref<1x4x25000xf32, #tpu.memory_space<hbm>>
        %dma_start3A_171 = tpu.memref_squeeze %dma_start3A_170 : memref<1x4x25000xf32, #tpu.memory_space<hbm>> -> memref<4x25000xf32, #tpu.memory_space<hbm>>
        tpu.enqueue_dma source(%dma_start3A_171 : memref<4x25000xf32, #tpu.memory_space<hbm>>) target(%dma_start3A_168 : memref<4x25000xf32, #tpu.memory_space<vmem_shared>>) target_semaphore(%run_scoped3A_165 : memref<!tpu.dma_semaphore, #tpu.memory_space<semaphore_mem>>)
        %dma_wait3A = arith.constant 0 : i32
        %dma_wait3A_172 = arith.constant 0 : i32
        %dma_wait3A_173 = tpu.memref_slice %arg8[%run_scoped3A_164, %dma_wait3A, %dma_wait3A_172] : memref<3x4x25000xf32, #tpu.memory_space<vmem_shared>> -> memref<1x4x25000xf32, #tpu.memory_space<vmem_shared>>
        %dma_wait3A_174 = tpu.memref_squeeze %dma_wait3A_173 : memref<1x4x25000xf32, #tpu.memory_space<vmem_shared>> -> memref<4x25000xf32, #tpu.memory_space<vmem_shared>>
        %dma_wait3A_175 = arith.constant 0 : i32
        %dma_wait3A_176 = tpu.memref_slice %arg2[%run_scoped3A, %add3A_163, %dma_wait3A_175] : memref<3x32x25000xf32, #tpu.memory_space<hbm>> -> memref<1x4x25000xf32, #tpu.memory_space<hbm>>
        %dma_wait3A_177 = tpu.memref_squeeze %dma_wait3A_176 : memref<1x4x25000xf32, #tpu.memory_space<hbm>> -> memref<4x25000xf32, #tpu.memory_space<hbm>>
        tpu.wait_dma2 semaphore(%run_scoped3A_165 : memref<!tpu.dma_semaphore, #tpu.memory_space<semaphore_mem>>) src(%dma_wait3A_177 : memref<4x25000xf32, #tpu.memory_space<hbm>>) dst(%dma_wait3A_174 : memref<4x25000xf32, #tpu.memory_space<vmem_shared>>)
        tpu.yield
      }) : () -> ()
    } else {
    }
    %barrier3A_59 = arith.constant 0 : index
    tpu.barrier barrier_id(%barrier3A_59)
    %ge3A_60 = arith.constant 8 : i32
    %ge3A_61 = arith.cmpi sge, %arg1, %ge3A_60 : i32
    %lt3A_62 = arith.constant 12 : i32
    %lt3A_63 = arith.cmpi slt, %arg1, %lt3A_62 : i32
    %and3A_64 = arith.andi %ge3A_61, %lt3A_63 : i1
    %convert_element_type3A_65 = arith.extui %and3A_64 : i1 to i32
    %cond3A_66 = arith.constant 0 : i32
    %cond3A_67 = arith.cmpi ne, %convert_element_type3A_65, %cond3A_66 : i32
    scf.if %cond3A_67 {
      %sub3A = arith.constant 8 : i32
      %sub3A_163 = arith.subi %arg1, %sub3A : i32
      %run_scoped3A = arith.constant 0 : i32
      %run_scoped3A_164 = arith.constant 0 : i32
      "tpu.region"() ({
        %run_scoped3A_173 = tpu.sem_alloc : memref<!tpu.dma_semaphore, #tpu.memory_space<semaphore_mem>>
        %dma_start3A = arith.constant 0 : i32
        %dma_start3A_174 = tpu.memref_slice %arg5[%run_scoped3A_164, %dma_start3A] : memref<3x25000xf32, #tpu.memory_space<vmem>> -> memref<1x25000xf32, #tpu.memory_space<vmem>>
        %dma_start3A_175 = tpu.memref_squeeze %dma_start3A_174 : memref<1x25000xf32, #tpu.memory_space<vmem>> -> memref<25000xf32, #tpu.memory_space<vmem>>
        %dma_start3A_176 = arith.constant 0 : i32
        %dma_start3A_177 = tpu.memref_slice %arg8[%run_scoped3A, %sub3A_163, %dma_start3A_176] : memref<3x4x25000xf32, #tpu.memory_space<vmem_shared>> -> memref<1x1x25000xf32, #tpu.memory_space<vmem_shared>>
        %dma_start3A_178 = tpu.memref_squeeze %dma_start3A_177 : memref<1x1x25000xf32, #tpu.memory_space<vmem_shared>> -> memref<25000xf32, #tpu.memory_space<vmem_shared>>
        %dma_start3A_179 = arith.constant 0 : i32
        %dma_start3A_180 = tpu.memref_slice %arg5[%run_scoped3A_164, %dma_start3A_179] : memref<3x25000xf32, #tpu.memory_space<vmem>> -> memref<1x25000xf32, #tpu.memory_space<vmem>>
        %dma_start3A_181 = tpu.memref_squeeze %dma_start3A_180 : memref<1x25000xf32, #tpu.memory_space<vmem>> -> memref<25000xf32, #tpu.memory_space<vmem>>
        %dma_start3A_182 = arith.constant 0 : i32
        %dma_start3A_183 = tpu.memref_slice %arg8[%run_scoped3A, %sub3A_163, %dma_start3A_182] : memref<3x4x25000xf32, #tpu.memory_space<vmem_shared>> -> memref<1x1x25000xf32, #tpu.memory_space<vmem_shared>>
        %dma_start3A_184 = tpu.memref_squeeze %dma_start3A_183 : memref<1x1x25000xf32, #tpu.memory_space<vmem_shared>> -> memref<25000xf32, #tpu.memory_space<vmem_shared>>
        tpu.enqueue_dma source(%dma_start3A_184 : memref<25000xf32, #tpu.memory_space<vmem_shared>>) target(%dma_start3A_181 : memref<25000xf32, #tpu.memory_space<vmem>>) target_semaphore(%run_scoped3A_173 : memref<!tpu.dma_semaphore, #tpu.memory_space<semaphore_mem>>)
        %dma_wait3A = arith.constant 0 : i32
        %dma_wait3A_185 = tpu.memref_slice %arg5[%run_scoped3A_164, %dma_wait3A] : memref<3x25000xf32, #tpu.memory_space<vmem>> -> memref<1x25000xf32, #tpu.memory_space<vmem>>
        %dma_wait3A_186 = tpu.memref_squeeze %dma_wait3A_185 : memref<1x25000xf32, #tpu.memory_space<vmem>> -> memref<25000xf32, #tpu.memory_space<vmem>>
        %dma_wait3A_187 = arith.constant 0 : i32
        %dma_wait3A_188 = tpu.memref_slice %arg8[%run_scoped3A, %sub3A_163, %dma_wait3A_187] : memref<3x4x25000xf32, #tpu.memory_space<vmem_shared>> -> memref<1x1x25000xf32, #tpu.memory_space<vmem_shared>>
        %dma_wait3A_189 = tpu.memref_squeeze %dma_wait3A_188 : memref<1x1x25000xf32, #tpu.memory_space<vmem_shared>> -> memref<25000xf32, #tpu.memory_space<vmem_shared>>
        %dma_wait3A_190 = arith.constant 0 : i32
        %dma_wait3A_191 = tpu.memref_slice %arg5[%run_scoped3A_164, %dma_wait3A_190] : memref<3x25000xf32, #tpu.memory_space<vmem>> -> memref<1x25000xf32, #tpu.memory_space<vmem>>
        %dma_wait3A_192 = tpu.memref_squeeze %dma_wait3A_191 : memref<1x25000xf32, #tpu.memory_space<vmem>> -> memref<25000xf32, #tpu.memory_space<vmem>>
        %dma_wait3A_193 = arith.constant 0 : i32
        %dma_wait3A_194 = tpu.memref_slice %arg8[%run_scoped3A, %sub3A_163, %dma_wait3A_193] : memref<3x4x25000xf32, #tpu.memory_space<vmem_shared>> -> memref<1x1x25000xf32, #tpu.memory_space<vmem_shared>>
        %dma_wait3A_195 = tpu.memref_squeeze %dma_wait3A_194 : memref<1x1x25000xf32, #tpu.memory_space<vmem_shared>> -> memref<25000xf32, #tpu.memory_space<vmem_shared>>
        tpu.wait_dma2 semaphore(%run_scoped3A_173 : memref<!tpu.dma_semaphore, #tpu.memory_space<semaphore_mem>>) src(%dma_wait3A_195 : memref<25000xf32, #tpu.memory_space<vmem_shared>>) dst(%dma_wait3A_192 : memref<25000xf32, #tpu.memory_space<vmem>>)
        tpu.yield
      }) : () -> ()
      %sub3A_165 = arith.constant 8 : i32
      %sub3A_166 = arith.subi %arg1, %sub3A_165 : i32
      %run_scoped3A_167 = arith.constant 1 : i32
      %run_scoped3A_168 = arith.constant 1 : i32
      "tpu.region"() ({
        %run_scoped3A_173 = tpu.sem_alloc : memref<!tpu.dma_semaphore, #tpu.memory_space<semaphore_mem>>
        %dma_start3A = arith.constant 0 : i32
        %dma_start3A_174 = tpu.memref_slice %arg5[%run_scoped3A_168, %dma_start3A] : memref<3x25000xf32, #tpu.memory_space<vmem>> -> memref<1x25000xf32, #tpu.memory_space<vmem>>
        %dma_start3A_175 = tpu.memref_squeeze %dma_start3A_174 : memref<1x25000xf32, #tpu.memory_space<vmem>> -> memref<25000xf32, #tpu.memory_space<vmem>>
        %dma_start3A_176 = arith.constant 0 : i32
        %dma_start3A_177 = tpu.memref_slice %arg8[%run_scoped3A_167, %sub3A_166, %dma_start3A_176] : memref<3x4x25000xf32, #tpu.memory_space<vmem_shared>> -> memref<1x1x25000xf32, #tpu.memory_space<vmem_shared>>
        %dma_start3A_178 = tpu.memref_squeeze %dma_start3A_177 : memref<1x1x25000xf32, #tpu.memory_space<vmem_shared>> -> memref<25000xf32, #tpu.memory_space<vmem_shared>>
        %dma_start3A_179 = arith.constant 0 : i32
        %dma_start3A_180 = tpu.memref_slice %arg5[%run_scoped3A_168, %dma_start3A_179] : memref<3x25000xf32, #tpu.memory_space<vmem>> -> memref<1x25000xf32, #tpu.memory_space<vmem>>
        %dma_start3A_181 = tpu.memref_squeeze %dma_start3A_180 : memref<1x25000xf32, #tpu.memory_space<vmem>> -> memref<25000xf32, #tpu.memory_space<vmem>>
        %dma_start3A_182 = arith.constant 0 : i32
        %dma_start3A_183 = tpu.memref_slice %arg8[%run_scoped3A_167, %sub3A_166, %dma_start3A_182] : memref<3x4x25000xf32, #tpu.memory_space<vmem_shared>> -> memref<1x1x25000xf32, #tpu.memory_space<vmem_shared>>
        %dma_start3A_184 = tpu.memref_squeeze %dma_start3A_183 : memref<1x1x25000xf32, #tpu.memory_space<vmem_shared>> -> memref<25000xf32, #tpu.memory_space<vmem_shared>>
        tpu.enqueue_dma source(%dma_start3A_184 : memref<25000xf32, #tpu.memory_space<vmem_shared>>) target(%dma_start3A_181 : memref<25000xf32, #tpu.memory_space<vmem>>) target_semaphore(%run_scoped3A_173 : memref<!tpu.dma_semaphore, #tpu.memory_space<semaphore_mem>>)
        %dma_wait3A = arith.constant 0 : i32
        %dma_wait3A_185 = tpu.memref_slice %arg5[%run_scoped3A_168, %dma_wait3A] : memref<3x25000xf32, #tpu.memory_space<vmem>> -> memref<1x25000xf32, #tpu.memory_space<vmem>>
        %dma_wait3A_186 = tpu.memref_squeeze %dma_wait3A_185 : memref<1x25000xf32, #tpu.memory_space<vmem>> -> memref<25000xf32, #tpu.memory_space<vmem>>
        %dma_wait3A_187 = arith.constant 0 : i32
        %dma_wait3A_188 = tpu.memref_slice %arg8[%run_scoped3A_167, %sub3A_166, %dma_wait3A_187] : memref<3x4x25000xf32, #tpu.memory_space<vmem_shared>> -> memref<1x1x25000xf32, #tpu.memory_space<vmem_shared>>
        %dma_wait3A_189 = tpu.memref_squeeze %dma_wait3A_188 : memref<1x1x25000xf32, #tpu.memory_space<vmem_shared>> -> memref<25000xf32, #tpu.memory_space<vmem_shared>>
        %dma_wait3A_190 = arith.constant 0 : i32
        %dma_wait3A_191 = tpu.memref_slice %arg5[%run_scoped3A_168, %dma_wait3A_190] : memref<3x25000xf32, #tpu.memory_space<vmem>> -> memref<1x25000xf32, #tpu.memory_space<vmem>>
        %dma_wait3A_192 = tpu.memref_squeeze %dma_wait3A_191 : memref<1x25000xf32, #tpu.memory_space<vmem>> -> memref<25000xf32, #tpu.memory_space<vmem>>
        %dma_wait3A_193 = arith.constant 0 : i32
        %dma_wait3A_194 = tpu.memref_slice %arg8[%run_scoped3A_167, %sub3A_166, %dma_wait3A_193] : memref<3x4x25000xf32, #tpu.memory_space<vmem_shared>> -> memref<1x1x25000xf32, #tpu.memory_space<vmem_shared>>
        %dma_wait3A_195 = tpu.memref_squeeze %dma_wait3A_194 : memref<1x1x25000xf32, #tpu.memory_space<vmem_shared>> -> memref<25000xf32, #tpu.memory_space<vmem_shared>>
        tpu.wait_dma2 semaphore(%run_scoped3A_173 : memref<!tpu.dma_semaphore, #tpu.memory_space<semaphore_mem>>) src(%dma_wait3A_195 : memref<25000xf32, #tpu.memory_space<vmem_shared>>) dst(%dma_wait3A_192 : memref<25000xf32, #tpu.memory_space<vmem>>)
        tpu.yield
      }) : () -> ()
      %sub3A_169 = arith.constant 8 : i32
      %sub3A_170 = arith.subi %arg1, %sub3A_169 : i32
      %run_scoped3A_171 = arith.constant 2 : i32
      %run_scoped3A_172 = arith.constant 2 : i32
      "tpu.region"() ({
        %run_scoped3A_173 = tpu.sem_alloc : memref<!tpu.dma_semaphore, #tpu.memory_space<semaphore_mem>>
        %dma_start3A = arith.constant 0 : i32
        %dma_start3A_174 = tpu.memref_slice %arg5[%run_scoped3A_172, %dma_start3A] : memref<3x25000xf32, #tpu.memory_space<vmem>> -> memref<1x25000xf32, #tpu.memory_space<vmem>>
        %dma_start3A_175 = tpu.memref_squeeze %dma_start3A_174 : memref<1x25000xf32, #tpu.memory_space<vmem>> -> memref<25000xf32, #tpu.memory_space<vmem>>
        %dma_start3A_176 = arith.constant 0 : i32
        %dma_start3A_177 = tpu.memref_slice %arg8[%run_scoped3A_171, %sub3A_170, %dma_start3A_176] : memref<3x4x25000xf32, #tpu.memory_space<vmem_shared>> -> memref<1x1x25000xf32, #tpu.memory_space<vmem_shared>>
        %dma_start3A_178 = tpu.memref_squeeze %dma_start3A_177 : memref<1x1x25000xf32, #tpu.memory_space<vmem_shared>> -> memref<25000xf32, #tpu.memory_space<vmem_shared>>
        %dma_start3A_179 = arith.constant 0 : i32
        %dma_start3A_180 = tpu.memref_slice %arg5[%run_scoped3A_172, %dma_start3A_179] : memref<3x25000xf32, #tpu.memory_space<vmem>> -> memref<1x25000xf32, #tpu.memory_space<vmem>>
        %dma_start3A_181 = tpu.memref_squeeze %dma_start3A_180 : memref<1x25000xf32, #tpu.memory_space<vmem>> -> memref<25000xf32, #tpu.memory_space<vmem>>
        %dma_start3A_182 = arith.constant 0 : i32
        %dma_start3A_183 = tpu.memref_slice %arg8[%run_scoped3A_171, %sub3A_170, %dma_start3A_182] : memref<3x4x25000xf32, #tpu.memory_space<vmem_shared>> -> memref<1x1x25000xf32, #tpu.memory_space<vmem_shared>>
        %dma_start3A_184 = tpu.memref_squeeze %dma_start3A_183 : memref<1x1x25000xf32, #tpu.memory_space<vmem_shared>> -> memref<25000xf32, #tpu.memory_space<vmem_shared>>
        tpu.enqueue_dma source(%dma_start3A_184 : memref<25000xf32, #tpu.memory_space<vmem_shared>>) target(%dma_start3A_181 : memref<25000xf32, #tpu.memory_space<vmem>>) target_semaphore(%run_scoped3A_173 : memref<!tpu.dma_semaphore, #tpu.memory_space<semaphore_mem>>)
        %dma_wait3A = arith.constant 0 : i32
        %dma_wait3A_185 = tpu.memref_slice %arg5[%run_scoped3A_172, %dma_wait3A] : memref<3x25000xf32, #tpu.memory_space<vmem>> -> memref<1x25000xf32, #tpu.memory_space<vmem>>
        %dma_wait3A_186 = tpu.memref_squeeze %dma_wait3A_185 : memref<1x25000xf32, #tpu.memory_space<vmem>> -> memref<25000xf32, #tpu.memory_space<vmem>>
        %dma_wait3A_187 = arith.constant 0 : i32
        %dma_wait3A_188 = tpu.memref_slice %arg8[%run_scoped3A_171, %sub3A_170, %dma_wait3A_187] : memref<3x4x25000xf32, #tpu.memory_space<vmem_shared>> -> memref<1x1x25000xf32, #tpu.memory_space<vmem_shared>>
        %dma_wait3A_189 = tpu.memref_squeeze %dma_wait3A_188 : memref<1x1x25000xf32, #tpu.memory_space<vmem_shared>> -> memref<25000xf32, #tpu.memory_space<vmem_shared>>
        %dma_wait3A_190 = arith.constant 0 : i32
        %dma_wait3A_191 = tpu.memref_slice %arg5[%run_scoped3A_172, %dma_wait3A_190] : memref<3x25000xf32, #tpu.memory_space<vmem>> -> memref<1x25000xf32, #tpu.memory_space<vmem>>
        %dma_wait3A_192 = tpu.memref_squeeze %dma_wait3A_191 : memref<1x25000xf32, #tpu.memory_space<vmem>> -> memref<25000xf32, #tpu.memory_space<vmem>>
        %dma_wait3A_193 = arith.constant 0 : i32
        %dma_wait3A_194 = tpu.memref_slice %arg8[%run_scoped3A_171, %sub3A_170, %dma_wait3A_193] : memref<3x4x25000xf32, #tpu.memory_space<vmem_shared>> -> memref<1x1x25000xf32, #tpu.memory_space<vmem_shared>>
        %dma_wait3A_195 = tpu.memref_squeeze %dma_wait3A_194 : memref<1x1x25000xf32, #tpu.memory_space<vmem_shared>> -> memref<25000xf32, #tpu.memory_space<vmem_shared>>
        tpu.wait_dma2 semaphore(%run_scoped3A_173 : memref<!tpu.dma_semaphore, #tpu.memory_space<semaphore_mem>>) src(%dma_wait3A_195 : memref<25000xf32, #tpu.memory_space<vmem_shared>>) dst(%dma_wait3A_192 : memref<25000xf32, #tpu.memory_space<vmem>>)
        tpu.yield
      }) : () -> ()
    } else {
    }
    %barrier3A_68 = arith.constant 0 : index
    tpu.barrier barrier_id(%barrier3A_68)
    %eq3A_69 = arith.constant 0 : i32
    %eq3A_70 = arith.cmpi eq, %arg1, %eq3A_69 : i32
    %convert_element_type3A_71 = arith.extui %eq3A_70 : i1 to i32
    %cond3A_72 = arith.constant 0 : i32
    %cond3A_73 = arith.cmpi ne, %convert_element_type3A_71, %cond3A_72 : i32
    scf.if %cond3A_73 {
      %add3A = arith.constant 12 : i32
      %add3A_163 = arith.addi %mul3A_0, %add3A : i32
      %run_scoped3A = arith.constant 0 : i32
      %run_scoped3A_164 = arith.constant 0 : i32
      "tpu.region"() ({
        %run_scoped3A_165 = tpu.sem_alloc : memref<!tpu.dma_semaphore, #tpu.memory_space<semaphore_mem>>
        %dma_start3A = arith.constant 0 : i32
        %dma_start3A_166 = arith.constant 0 : i32
        %dma_start3A_167 = tpu.memref_slice %arg8[%run_scoped3A_164, %dma_start3A, %dma_start3A_166] : memref<3x4x25000xf32, #tpu.memory_space<vmem_shared>> -> memref<1x4x25000xf32, #tpu.memory_space<vmem_shared>>
        %dma_start3A_168 = tpu.memref_squeeze %dma_start3A_167 : memref<1x4x25000xf32, #tpu.memory_space<vmem_shared>> -> memref<4x25000xf32, #tpu.memory_space<vmem_shared>>
        %dma_start3A_169 = arith.constant 0 : i32
        %dma_start3A_170 = tpu.memref_slice %arg2[%run_scoped3A, %add3A_163, %dma_start3A_169] : memref<3x32x25000xf32, #tpu.memory_space<hbm>> -> memref<1x4x25000xf32, #tpu.memory_space<hbm>>
        %dma_start3A_171 = tpu.memref_squeeze %dma_start3A_170 : memref<1x4x25000xf32, #tpu.memory_space<hbm>> -> memref<4x25000xf32, #tpu.memory_space<hbm>>
        tpu.enqueue_dma source(%dma_start3A_171 : memref<4x25000xf32, #tpu.memory_space<hbm>>) target(%dma_start3A_168 : memref<4x25000xf32, #tpu.memory_space<vmem_shared>>) target_semaphore(%run_scoped3A_165 : memref<!tpu.dma_semaphore, #tpu.memory_space<semaphore_mem>>)
        %dma_wait3A = arith.constant 0 : i32
        %dma_wait3A_172 = arith.constant 0 : i32
        %dma_wait3A_173 = tpu.memref_slice %arg8[%run_scoped3A_164, %dma_wait3A, %dma_wait3A_172] : memref<3x4x25000xf32, #tpu.memory_space<vmem_shared>> -> memref<1x4x25000xf32, #tpu.memory_space<vmem_shared>>
        %dma_wait3A_174 = tpu.memref_squeeze %dma_wait3A_173 : memref<1x4x25000xf32, #tpu.memory_space<vmem_shared>> -> memref<4x25000xf32, #tpu.memory_space<vmem_shared>>
        %dma_wait3A_175 = arith.constant 0 : i32
        %dma_wait3A_176 = tpu.memref_slice %arg2[%run_scoped3A, %add3A_163, %dma_wait3A_175] : memref<3x32x25000xf32, #tpu.memory_space<hbm>> -> memref<1x4x25000xf32, #tpu.memory_space<hbm>>
        %dma_wait3A_177 = tpu.memref_squeeze %dma_wait3A_176 : memref<1x4x25000xf32, #tpu.memory_space<hbm>> -> memref<4x25000xf32, #tpu.memory_space<hbm>>
        tpu.wait_dma2 semaphore(%run_scoped3A_165 : memref<!tpu.dma_semaphore, #tpu.memory_space<semaphore_mem>>) src(%dma_wait3A_177 : memref<4x25000xf32, #tpu.memory_space<hbm>>) dst(%dma_wait3A_174 : memref<4x25000xf32, #tpu.memory_space<vmem_shared>>)
        tpu.yield
      }) : () -> ()
    } else {
    }
    %eq3A_74 = arith.constant 1 : i32
    %eq3A_75 = arith.cmpi eq, %arg1, %eq3A_74 : i32
    %convert_element_type3A_76 = arith.extui %eq3A_75 : i1 to i32
    %cond3A_77 = arith.constant 0 : i32
    %cond3A_78 = arith.cmpi ne, %convert_element_type3A_76, %cond3A_77 : i32
    scf.if %cond3A_78 {
      %add3A = arith.constant 12 : i32
      %add3A_163 = arith.addi %mul3A_0, %add3A : i32
      %run_scoped3A = arith.constant 1 : i32
      %run_scoped3A_164 = arith.constant 1 : i32
      "tpu.region"() ({
        %run_scoped3A_165 = tpu.sem_alloc : memref<!tpu.dma_semaphore, #tpu.memory_space<semaphore_mem>>
        %dma_start3A = arith.constant 0 : i32
        %dma_start3A_166 = arith.constant 0 : i32
        %dma_start3A_167 = tpu.memref_slice %arg8[%run_scoped3A_164, %dma_start3A, %dma_start3A_166] : memref<3x4x25000xf32, #tpu.memory_space<vmem_shared>> -> memref<1x4x25000xf32, #tpu.memory_space<vmem_shared>>
        %dma_start3A_168 = tpu.memref_squeeze %dma_start3A_167 : memref<1x4x25000xf32, #tpu.memory_space<vmem_shared>> -> memref<4x25000xf32, #tpu.memory_space<vmem_shared>>
        %dma_start3A_169 = arith.constant 0 : i32
        %dma_start3A_170 = tpu.memref_slice %arg2[%run_scoped3A, %add3A_163, %dma_start3A_169] : memref<3x32x25000xf32, #tpu.memory_space<hbm>> -> memref<1x4x25000xf32, #tpu.memory_space<hbm>>
        %dma_start3A_171 = tpu.memref_squeeze %dma_start3A_170 : memref<1x4x25000xf32, #tpu.memory_space<hbm>> -> memref<4x25000xf32, #tpu.memory_space<hbm>>
        tpu.enqueue_dma source(%dma_start3A_171 : memref<4x25000xf32, #tpu.memory_space<hbm>>) target(%dma_start3A_168 : memref<4x25000xf32, #tpu.memory_space<vmem_shared>>) target_semaphore(%run_scoped3A_165 : memref<!tpu.dma_semaphore, #tpu.memory_space<semaphore_mem>>)
        %dma_wait3A = arith.constant 0 : i32
        %dma_wait3A_172 = arith.constant 0 : i32
        %dma_wait3A_173 = tpu.memref_slice %arg8[%run_scoped3A_164, %dma_wait3A, %dma_wait3A_172] : memref<3x4x25000xf32, #tpu.memory_space<vmem_shared>> -> memref<1x4x25000xf32, #tpu.memory_space<vmem_shared>>
        %dma_wait3A_174 = tpu.memref_squeeze %dma_wait3A_173 : memref<1x4x25000xf32, #tpu.memory_space<vmem_shared>> -> memref<4x25000xf32, #tpu.memory_space<vmem_shared>>
        %dma_wait3A_175 = arith.constant 0 : i32
        %dma_wait3A_176 = tpu.memref_slice %arg2[%run_scoped3A, %add3A_163, %dma_wait3A_175] : memref<3x32x25000xf32, #tpu.memory_space<hbm>> -> memref<1x4x25000xf32, #tpu.memory_space<hbm>>
        %dma_wait3A_177 = tpu.memref_squeeze %dma_wait3A_176 : memref<1x4x25000xf32, #tpu.memory_space<hbm>> -> memref<4x25000xf32, #tpu.memory_space<hbm>>
        tpu.wait_dma2 semaphore(%run_scoped3A_165 : memref<!tpu.dma_semaphore, #tpu.memory_space<semaphore_mem>>) src(%dma_wait3A_177 : memref<4x25000xf32, #tpu.memory_space<hbm>>) dst(%dma_wait3A_174 : memref<4x25000xf32, #tpu.memory_space<vmem_shared>>)
        tpu.yield
      }) : () -> ()
    } else {
    }
    %eq3A_79 = arith.constant 2 : i32
    %eq3A_80 = arith.cmpi eq, %arg1, %eq3A_79 : i32
    %convert_element_type3A_81 = arith.extui %eq3A_80 : i1 to i32
    %cond3A_82 = arith.constant 0 : i32
    %cond3A_83 = arith.cmpi ne, %convert_element_type3A_81, %cond3A_82 : i32
    scf.if %cond3A_83 {
      %add3A = arith.constant 12 : i32
      %add3A_163 = arith.addi %mul3A_0, %add3A : i32
      %run_scoped3A = arith.constant 2 : i32
      %run_scoped3A_164 = arith.constant 2 : i32
      "tpu.region"() ({
        %run_scoped3A_165 = tpu.sem_alloc : memref<!tpu.dma_semaphore, #tpu.memory_space<semaphore_mem>>
        %dma_start3A = arith.constant 0 : i32
        %dma_start3A_166 = arith.constant 0 : i32
        %dma_start3A_167 = tpu.memref_slice %arg8[%run_scoped3A_164, %dma_start3A, %dma_start3A_166] : memref<3x4x25000xf32, #tpu.memory_space<vmem_shared>> -> memref<1x4x25000xf32, #tpu.memory_space<vmem_shared>>
        %dma_start3A_168 = tpu.memref_squeeze %dma_start3A_167 : memref<1x4x25000xf32, #tpu.memory_space<vmem_shared>> -> memref<4x25000xf32, #tpu.memory_space<vmem_shared>>
        %dma_start3A_169 = arith.constant 0 : i32
        %dma_start3A_170 = tpu.memref_slice %arg2[%run_scoped3A, %add3A_163, %dma_start3A_169] : memref<3x32x25000xf32, #tpu.memory_space<hbm>> -> memref<1x4x25000xf32, #tpu.memory_space<hbm>>
        %dma_start3A_171 = tpu.memref_squeeze %dma_start3A_170 : memref<1x4x25000xf32, #tpu.memory_space<hbm>> -> memref<4x25000xf32, #tpu.memory_space<hbm>>
        tpu.enqueue_dma source(%dma_start3A_171 : memref<4x25000xf32, #tpu.memory_space<hbm>>) target(%dma_start3A_168 : memref<4x25000xf32, #tpu.memory_space<vmem_shared>>) target_semaphore(%run_scoped3A_165 : memref<!tpu.dma_semaphore, #tpu.memory_space<semaphore_mem>>)
        %dma_wait3A = arith.constant 0 : i32
        %dma_wait3A_172 = arith.constant 0 : i32
        %dma_wait3A_173 = tpu.memref_slice %arg8[%run_scoped3A_164, %dma_wait3A, %dma_wait3A_172] : memref<3x4x25000xf32, #tpu.memory_space<vmem_shared>> -> memref<1x4x25000xf32, #tpu.memory_space<vmem_shared>>
        %dma_wait3A_174 = tpu.memref_squeeze %dma_wait3A_173 : memref<1x4x25000xf32, #tpu.memory_space<vmem_shared>> -> memref<4x25000xf32, #tpu.memory_space<vmem_shared>>
        %dma_wait3A_175 = arith.constant 0 : i32
        %dma_wait3A_176 = tpu.memref_slice %arg2[%run_scoped3A, %add3A_163, %dma_wait3A_175] : memref<3x32x25000xf32, #tpu.memory_space<hbm>> -> memref<1x4x25000xf32, #tpu.memory_space<hbm>>
        %dma_wait3A_177 = tpu.memref_squeeze %dma_wait3A_176 : memref<1x4x25000xf32, #tpu.memory_space<hbm>> -> memref<4x25000xf32, #tpu.memory_space<hbm>>
        tpu.wait_dma2 semaphore(%run_scoped3A_165 : memref<!tpu.dma_semaphore, #tpu.memory_space<semaphore_mem>>) src(%dma_wait3A_177 : memref<4x25000xf32, #tpu.memory_space<hbm>>) dst(%dma_wait3A_174 : memref<4x25000xf32, #tpu.memory_space<vmem_shared>>)
        tpu.yield
      }) : () -> ()
    } else {
    }
    %barrier3A_84 = arith.constant 0 : index
    tpu.barrier barrier_id(%barrier3A_84)
    %ge3A_85 = arith.constant 12 : i32
    %ge3A_86 = arith.cmpi sge, %arg1, %ge3A_85 : i32
    %lt3A_87 = arith.constant 16 : i32
    %lt3A_88 = arith.cmpi slt, %arg1, %lt3A_87 : i32
    %and3A_89 = arith.andi %ge3A_86, %lt3A_88 : i1
    %convert_element_type3A_90 = arith.extui %and3A_89 : i1 to i32
    %cond3A_91 = arith.constant 0 : i32
    %cond3A_92 = arith.cmpi ne, %convert_element_type3A_90, %cond3A_91 : i32
    scf.if %cond3A_92 {
      %sub3A = arith.constant 12 : i32
      %sub3A_163 = arith.subi %arg1, %sub3A : i32
      %run_scoped3A = arith.constant 0 : i32
      %run_scoped3A_164 = arith.constant 0 : i32
      "tpu.region"() ({
        %run_scoped3A_173 = tpu.sem_alloc : memref<!tpu.dma_semaphore, #tpu.memory_space<semaphore_mem>>
        %dma_start3A = arith.constant 0 : i32
        %dma_start3A_174 = tpu.memref_slice %arg5[%run_scoped3A_164, %dma_start3A] : memref<3x25000xf32, #tpu.memory_space<vmem>> -> memref<1x25000xf32, #tpu.memory_space<vmem>>
        %dma_start3A_175 = tpu.memref_squeeze %dma_start3A_174 : memref<1x25000xf32, #tpu.memory_space<vmem>> -> memref<25000xf32, #tpu.memory_space<vmem>>
        %dma_start3A_176 = arith.constant 0 : i32
        %dma_start3A_177 = tpu.memref_slice %arg8[%run_scoped3A, %sub3A_163, %dma_start3A_176] : memref<3x4x25000xf32, #tpu.memory_space<vmem_shared>> -> memref<1x1x25000xf32, #tpu.memory_space<vmem_shared>>
        %dma_start3A_178 = tpu.memref_squeeze %dma_start3A_177 : memref<1x1x25000xf32, #tpu.memory_space<vmem_shared>> -> memref<25000xf32, #tpu.memory_space<vmem_shared>>
        %dma_start3A_179 = arith.constant 0 : i32
        %dma_start3A_180 = tpu.memref_slice %arg5[%run_scoped3A_164, %dma_start3A_179] : memref<3x25000xf32, #tpu.memory_space<vmem>> -> memref<1x25000xf32, #tpu.memory_space<vmem>>
        %dma_start3A_181 = tpu.memref_squeeze %dma_start3A_180 : memref<1x25000xf32, #tpu.memory_space<vmem>> -> memref<25000xf32, #tpu.memory_space<vmem>>
        %dma_start3A_182 = arith.constant 0 : i32
        %dma_start3A_183 = tpu.memref_slice %arg8[%run_scoped3A, %sub3A_163, %dma_start3A_182] : memref<3x4x25000xf32, #tpu.memory_space<vmem_shared>> -> memref<1x1x25000xf32, #tpu.memory_space<vmem_shared>>
        %dma_start3A_184 = tpu.memref_squeeze %dma_start3A_183 : memref<1x1x25000xf32, #tpu.memory_space<vmem_shared>> -> memref<25000xf32, #tpu.memory_space<vmem_shared>>
        tpu.enqueue_dma source(%dma_start3A_184 : memref<25000xf32, #tpu.memory_space<vmem_shared>>) target(%dma_start3A_181 : memref<25000xf32, #tpu.memory_space<vmem>>) target_semaphore(%run_scoped3A_173 : memref<!tpu.dma_semaphore, #tpu.memory_space<semaphore_mem>>)
        %dma_wait3A = arith.constant 0 : i32
        %dma_wait3A_185 = tpu.memref_slice %arg5[%run_scoped3A_164, %dma_wait3A] : memref<3x25000xf32, #tpu.memory_space<vmem>> -> memref<1x25000xf32, #tpu.memory_space<vmem>>
        %dma_wait3A_186 = tpu.memref_squeeze %dma_wait3A_185 : memref<1x25000xf32, #tpu.memory_space<vmem>> -> memref<25000xf32, #tpu.memory_space<vmem>>
        %dma_wait3A_187 = arith.constant 0 : i32
        %dma_wait3A_188 = tpu.memref_slice %arg8[%run_scoped3A, %sub3A_163, %dma_wait3A_187] : memref<3x4x25000xf32, #tpu.memory_space<vmem_shared>> -> memref<1x1x25000xf32, #tpu.memory_space<vmem_shared>>
        %dma_wait3A_189 = tpu.memref_squeeze %dma_wait3A_188 : memref<1x1x25000xf32, #tpu.memory_space<vmem_shared>> -> memref<25000xf32, #tpu.memory_space<vmem_shared>>
        %dma_wait3A_190 = arith.constant 0 : i32
        %dma_wait3A_191 = tpu.memref_slice %arg5[%run_scoped3A_164, %dma_wait3A_190] : memref<3x25000xf32, #tpu.memory_space<vmem>> -> memref<1x25000xf32, #tpu.memory_space<vmem>>
        %dma_wait3A_192 = tpu.memref_squeeze %dma_wait3A_191 : memref<1x25000xf32, #tpu.memory_space<vmem>> -> memref<25000xf32, #tpu.memory_space<vmem>>
        %dma_wait3A_193 = arith.constant 0 : i32
        %dma_wait3A_194 = tpu.memref_slice %arg8[%run_scoped3A, %sub3A_163, %dma_wait3A_193] : memref<3x4x25000xf32, #tpu.memory_space<vmem_shared>> -> memref<1x1x25000xf32, #tpu.memory_space<vmem_shared>>
        %dma_wait3A_195 = tpu.memref_squeeze %dma_wait3A_194 : memref<1x1x25000xf32, #tpu.memory_space<vmem_shared>> -> memref<25000xf32, #tpu.memory_space<vmem_shared>>
        tpu.wait_dma2 semaphore(%run_scoped3A_173 : memref<!tpu.dma_semaphore, #tpu.memory_space<semaphore_mem>>) src(%dma_wait3A_195 : memref<25000xf32, #tpu.memory_space<vmem_shared>>) dst(%dma_wait3A_192 : memref<25000xf32, #tpu.memory_space<vmem>>)
        tpu.yield
      }) : () -> ()
      %sub3A_165 = arith.constant 12 : i32
      %sub3A_166 = arith.subi %arg1, %sub3A_165 : i32
      %run_scoped3A_167 = arith.constant 1 : i32
      %run_scoped3A_168 = arith.constant 1 : i32
      "tpu.region"() ({
        %run_scoped3A_173 = tpu.sem_alloc : memref<!tpu.dma_semaphore, #tpu.memory_space<semaphore_mem>>
        %dma_start3A = arith.constant 0 : i32
        %dma_start3A_174 = tpu.memref_slice %arg5[%run_scoped3A_168, %dma_start3A] : memref<3x25000xf32, #tpu.memory_space<vmem>> -> memref<1x25000xf32, #tpu.memory_space<vmem>>
        %dma_start3A_175 = tpu.memref_squeeze %dma_start3A_174 : memref<1x25000xf32, #tpu.memory_space<vmem>> -> memref<25000xf32, #tpu.memory_space<vmem>>
        %dma_start3A_176 = arith.constant 0 : i32
        %dma_start3A_177 = tpu.memref_slice %arg8[%run_scoped3A_167, %sub3A_166, %dma_start3A_176] : memref<3x4x25000xf32, #tpu.memory_space<vmem_shared>> -> memref<1x1x25000xf32, #tpu.memory_space<vmem_shared>>
        %dma_start3A_178 = tpu.memref_squeeze %dma_start3A_177 : memref<1x1x25000xf32, #tpu.memory_space<vmem_shared>> -> memref<25000xf32, #tpu.memory_space<vmem_shared>>
        %dma_start3A_179 = arith.constant 0 : i32
        %dma_start3A_180 = tpu.memref_slice %arg5[%run_scoped3A_168, %dma_start3A_179] : memref<3x25000xf32, #tpu.memory_space<vmem>> -> memref<1x25000xf32, #tpu.memory_space<vmem>>
        %dma_start3A_181 = tpu.memref_squeeze %dma_start3A_180 : memref<1x25000xf32, #tpu.memory_space<vmem>> -> memref<25000xf32, #tpu.memory_space<vmem>>
        %dma_start3A_182 = arith.constant 0 : i32
        %dma_start3A_183 = tpu.memref_slice %arg8[%run_scoped3A_167, %sub3A_166, %dma_start3A_182] : memref<3x4x25000xf32, #tpu.memory_space<vmem_shared>> -> memref<1x1x25000xf32, #tpu.memory_space<vmem_shared>>
        %dma_start3A_184 = tpu.memref_squeeze %dma_start3A_183 : memref<1x1x25000xf32, #tpu.memory_space<vmem_shared>> -> memref<25000xf32, #tpu.memory_space<vmem_shared>>
        tpu.enqueue_dma source(%dma_start3A_184 : memref<25000xf32, #tpu.memory_space<vmem_shared>>) target(%dma_start3A_181 : memref<25000xf32, #tpu.memory_space<vmem>>) target_semaphore(%run_scoped3A_173 : memref<!tpu.dma_semaphore, #tpu.memory_space<semaphore_mem>>)
        %dma_wait3A = arith.constant 0 : i32
        %dma_wait3A_185 = tpu.memref_slice %arg5[%run_scoped3A_168, %dma_wait3A] : memref<3x25000xf32, #tpu.memory_space<vmem>> -> memref<1x25000xf32, #tpu.memory_space<vmem>>
        %dma_wait3A_186 = tpu.memref_squeeze %dma_wait3A_185 : memref<1x25000xf32, #tpu.memory_space<vmem>> -> memref<25000xf32, #tpu.memory_space<vmem>>
        %dma_wait3A_187 = arith.constant 0 : i32
        %dma_wait3A_188 = tpu.memref_slice %arg8[%run_scoped3A_167, %sub3A_166, %dma_wait3A_187] : memref<3x4x25000xf32, #tpu.memory_space<vmem_shared>> -> memref<1x1x25000xf32, #tpu.memory_space<vmem_shared>>
        %dma_wait3A_189 = tpu.memref_squeeze %dma_wait3A_188 : memref<1x1x25000xf32, #tpu.memory_space<vmem_shared>> -> memref<25000xf32, #tpu.memory_space<vmem_shared>>
        %dma_wait3A_190 = arith.constant 0 : i32
        %dma_wait3A_191 = tpu.memref_slice %arg5[%run_scoped3A_168, %dma_wait3A_190] : memref<3x25000xf32, #tpu.memory_space<vmem>> -> memref<1x25000xf32, #tpu.memory_space<vmem>>
        %dma_wait3A_192 = tpu.memref_squeeze %dma_wait3A_191 : memref<1x25000xf32, #tpu.memory_space<vmem>> -> memref<25000xf32, #tpu.memory_space<vmem>>
        %dma_wait3A_193 = arith.constant 0 : i32
        %dma_wait3A_194 = tpu.memref_slice %arg8[%run_scoped3A_167, %sub3A_166, %dma_wait3A_193] : memref<3x4x25000xf32, #tpu.memory_space<vmem_shared>> -> memref<1x1x25000xf32, #tpu.memory_space<vmem_shared>>
        %dma_wait3A_195 = tpu.memref_squeeze %dma_wait3A_194 : memref<1x1x25000xf32, #tpu.memory_space<vmem_shared>> -> memref<25000xf32, #tpu.memory_space<vmem_shared>>
        tpu.wait_dma2 semaphore(%run_scoped3A_173 : memref<!tpu.dma_semaphore, #tpu.memory_space<semaphore_mem>>) src(%dma_wait3A_195 : memref<25000xf32, #tpu.memory_space<vmem_shared>>) dst(%dma_wait3A_192 : memref<25000xf32, #tpu.memory_space<vmem>>)
        tpu.yield
      }) : () -> ()
      %sub3A_169 = arith.constant 12 : i32
      %sub3A_170 = arith.subi %arg1, %sub3A_169 : i32
      %run_scoped3A_171 = arith.constant 2 : i32
      %run_scoped3A_172 = arith.constant 2 : i32
      "tpu.region"() ({
        %run_scoped3A_173 = tpu.sem_alloc : memref<!tpu.dma_semaphore, #tpu.memory_space<semaphore_mem>>
        %dma_start3A = arith.constant 0 : i32
        %dma_start3A_174 = tpu.memref_slice %arg5[%run_scoped3A_172, %dma_start3A] : memref<3x25000xf32, #tpu.memory_space<vmem>> -> memref<1x25000xf32, #tpu.memory_space<vmem>>
        %dma_start3A_175 = tpu.memref_squeeze %dma_start3A_174 : memref<1x25000xf32, #tpu.memory_space<vmem>> -> memref<25000xf32, #tpu.memory_space<vmem>>
        %dma_start3A_176 = arith.constant 0 : i32
        %dma_start3A_177 = tpu.memref_slice %arg8[%run_scoped3A_171, %sub3A_170, %dma_start3A_176] : memref<3x4x25000xf32, #tpu.memory_space<vmem_shared>> -> memref<1x1x25000xf32, #tpu.memory_space<vmem_shared>>
        %dma_start3A_178 = tpu.memref_squeeze %dma_start3A_177 : memref<1x1x25000xf32, #tpu.memory_space<vmem_shared>> -> memref<25000xf32, #tpu.memory_space<vmem_shared>>
        %dma_start3A_179 = arith.constant 0 : i32
        %dma_start3A_180 = tpu.memref_slice %arg5[%run_scoped3A_172, %dma_start3A_179] : memref<3x25000xf32, #tpu.memory_space<vmem>> -> memref<1x25000xf32, #tpu.memory_space<vmem>>
        %dma_start3A_181 = tpu.memref_squeeze %dma_start3A_180 : memref<1x25000xf32, #tpu.memory_space<vmem>> -> memref<25000xf32, #tpu.memory_space<vmem>>
        %dma_start3A_182 = arith.constant 0 : i32
        %dma_start3A_183 = tpu.memref_slice %arg8[%run_scoped3A_171, %sub3A_170, %dma_start3A_182] : memref<3x4x25000xf32, #tpu.memory_space<vmem_shared>> -> memref<1x1x25000xf32, #tpu.memory_space<vmem_shared>>
        %dma_start3A_184 = tpu.memref_squeeze %dma_start3A_183 : memref<1x1x25000xf32, #tpu.memory_space<vmem_shared>> -> memref<25000xf32, #tpu.memory_space<vmem_shared>>
        tpu.enqueue_dma source(%dma_start3A_184 : memref<25000xf32, #tpu.memory_space<vmem_shared>>) target(%dma_start3A_181 : memref<25000xf32, #tpu.memory_space<vmem>>) target_semaphore(%run_scoped3A_173 : memref<!tpu.dma_semaphore, #tpu.memory_space<semaphore_mem>>)
        %dma_wait3A = arith.constant 0 : i32
        %dma_wait3A_185 = tpu.memref_slice %arg5[%run_scoped3A_172, %dma_wait3A] : memref<3x25000xf32, #tpu.memory_space<vmem>> -> memref<1x25000xf32, #tpu.memory_space<vmem>>
        %dma_wait3A_186 = tpu.memref_squeeze %dma_wait3A_185 : memref<1x25000xf32, #tpu.memory_space<vmem>> -> memref<25000xf32, #tpu.memory_space<vmem>>
        %dma_wait3A_187 = arith.constant 0 : i32
        %dma_wait3A_188 = tpu.memref_slice %arg8[%run_scoped3A_171, %sub3A_170, %dma_wait3A_187] : memref<3x4x25000xf32, #tpu.memory_space<vmem_shared>> -> memref<1x1x25000xf32, #tpu.memory_space<vmem_shared>>
        %dma_wait3A_189 = tpu.memref_squeeze %dma_wait3A_188 : memref<1x1x25000xf32, #tpu.memory_space<vmem_shared>> -> memref<25000xf32, #tpu.memory_space<vmem_shared>>
        %dma_wait3A_190 = arith.constant 0 : i32
        %dma_wait3A_191 = tpu.memref_slice %arg5[%run_scoped3A_172, %dma_wait3A_190] : memref<3x25000xf32, #tpu.memory_space<vmem>> -> memref<1x25000xf32, #tpu.memory_space<vmem>>
        %dma_wait3A_192 = tpu.memref_squeeze %dma_wait3A_191 : memref<1x25000xf32, #tpu.memory_space<vmem>> -> memref<25000xf32, #tpu.memory_space<vmem>>
        %dma_wait3A_193 = arith.constant 0 : i32
        %dma_wait3A_194 = tpu.memref_slice %arg8[%run_scoped3A_171, %sub3A_170, %dma_wait3A_193] : memref<3x4x25000xf32, #tpu.memory_space<vmem_shared>> -> memref<1x1x25000xf32, #tpu.memory_space<vmem_shared>>
        %dma_wait3A_195 = tpu.memref_squeeze %dma_wait3A_194 : memref<1x1x25000xf32, #tpu.memory_space<vmem_shared>> -> memref<25000xf32, #tpu.memory_space<vmem_shared>>
        tpu.wait_dma2 semaphore(%run_scoped3A_173 : memref<!tpu.dma_semaphore, #tpu.memory_space<semaphore_mem>>) src(%dma_wait3A_195 : memref<25000xf32, #tpu.memory_space<vmem_shared>>) dst(%dma_wait3A_192 : memref<25000xf32, #tpu.memory_space<vmem>>)
        tpu.yield
      }) : () -> ()
    } else {
    }
    %barrier3A_93 = arith.constant 0 : index
    tpu.barrier barrier_id(%barrier3A_93)
    %scan3A = arith.constant 0 : i32
    %scan3A_94 = arith.constant 0 : i32
    %scan3A_95 = arith.constant 32 : i32
    %scan3A_96 = arith.addi %scan3A_94, %scan3A_95 : i32
    %scan3A_97 = arith.constant 1 : i32
    scf.for %scan3A_163 = %scan3A_94 to %scan3A_96 step %scan3A_97  : i32 {
      %mul3A_164 = arith.constant 1536 : i32
      %mul3A_165 = arith.muli %scan3A_163, %mul3A_164 : i32
      %multiple_of3A = tpu.assume_multiple %mul3A_165, 128 : i32
      %eq3A_166 = arith.constant 0 : i32
      %eq3A_167 = arith.cmpi eq, %arg1, %eq3A_166 : i32
      %convert_element_type3A_168 = arith.extui %eq3A_167 : i1 to i32
      %cond3A_169 = arith.constant 0 : i32
      %cond3A_170 = arith.cmpi ne, %convert_element_type3A_168, %cond3A_169 : i32
      scf.if %cond3A_170 {
        %run_scoped3A = arith.constant 0 : i32
        %run_scoped3A_231 = arith.constant 0 : i32
        "tpu.region"() ({
          %run_scoped3A_232 = tpu.sem_alloc : memref<!tpu.dma_semaphore, #tpu.memory_space<semaphore_mem>>
          %dma_start3A = arith.constant 0 : i32
          %dma_start3A_233 = arith.constant 0 : i32
          %dma_start3A_234 = tpu.memref_slice %arg9[%dma_start3A, %run_scoped3A_231, %dma_start3A_233] : memref<16x3x1536xi32, #tpu.memory_space<vmem_shared>> -> memref<16x1x1536xi32, #tpu.memory_space<vmem_shared>>
          %dma_start3A_235 = tpu.memref_squeeze %dma_start3A_234 : memref<16x1x1536xi32, #tpu.memory_space<vmem_shared>> -> memref<16x1536xi32, #tpu.memory_space<vmem_shared>>
          %dma_start3A_236 = tpu.memref_slice %arg3[%run_scoped3A, %mul3A_0, %multiple_of3A] : memref<3x32x50000xi32, #tpu.memory_space<hbm>> -> memref<1x16x1536xi32, #tpu.memory_space<hbm>>
          %dma_start3A_237 = tpu.memref_squeeze %dma_start3A_236 : memref<1x16x1536xi32, #tpu.memory_space<hbm>> -> memref<16x1536xi32, #tpu.memory_space<hbm>>
          tpu.enqueue_dma source(%dma_start3A_237 : memref<16x1536xi32, #tpu.memory_space<hbm>>) target(%dma_start3A_235 : memref<16x1536xi32, #tpu.memory_space<vmem_shared>>) target_semaphore(%run_scoped3A_232 : memref<!tpu.dma_semaphore, #tpu.memory_space<semaphore_mem>>)
          %dma_wait3A = arith.constant 0 : i32
          %dma_wait3A_238 = arith.constant 0 : i32
          %dma_wait3A_239 = tpu.memref_slice %arg9[%dma_wait3A, %run_scoped3A_231, %dma_wait3A_238] : memref<16x3x1536xi32, #tpu.memory_space<vmem_shared>> -> memref<16x1x1536xi32, #tpu.memory_space<vmem_shared>>
          %dma_wait3A_240 = tpu.memref_squeeze %dma_wait3A_239 : memref<16x1x1536xi32, #tpu.memory_space<vmem_shared>> -> memref<16x1536xi32, #tpu.memory_space<vmem_shared>>
          %dma_wait3A_241 = tpu.memref_slice %arg3[%run_scoped3A, %mul3A_0, %multiple_of3A] : memref<3x32x50000xi32, #tpu.memory_space<hbm>> -> memref<1x16x1536xi32, #tpu.memory_space<hbm>>
          %dma_wait3A_242 = tpu.memref_squeeze %dma_wait3A_241 : memref<1x16x1536xi32, #tpu.memory_space<hbm>> -> memref<16x1536xi32, #tpu.memory_space<hbm>>
          tpu.wait_dma2 semaphore(%run_scoped3A_232 : memref<!tpu.dma_semaphore, #tpu.memory_space<semaphore_mem>>) src(%dma_wait3A_242 : memref<16x1536xi32, #tpu.memory_space<hbm>>) dst(%dma_wait3A_240 : memref<16x1536xi32, #tpu.memory_space<vmem_shared>>)
          tpu.yield
        }) : () -> ()
      } else {
      }
      %eq3A_171 = arith.constant 1 : i32
      %eq3A_172 = arith.cmpi eq, %arg1, %eq3A_171 : i32
      %convert_element_type3A_173 = arith.extui %eq3A_172 : i1 to i32
      %cond3A_174 = arith.constant 0 : i32
      %cond3A_175 = arith.cmpi ne, %convert_element_type3A_173, %cond3A_174 : i32
      scf.if %cond3A_175 {
        %run_scoped3A = arith.constant 1 : i32
        %run_scoped3A_231 = arith.constant 1 : i32
        "tpu.region"() ({
          %run_scoped3A_232 = tpu.sem_alloc : memref<!tpu.dma_semaphore, #tpu.memory_space<semaphore_mem>>
          %dma_start3A = arith.constant 0 : i32
          %dma_start3A_233 = arith.constant 0 : i32
          %dma_start3A_234 = tpu.memref_slice %arg9[%dma_start3A, %run_scoped3A_231, %dma_start3A_233] : memref<16x3x1536xi32, #tpu.memory_space<vmem_shared>> -> memref<16x1x1536xi32, #tpu.memory_space<vmem_shared>>
          %dma_start3A_235 = tpu.memref_squeeze %dma_start3A_234 : memref<16x1x1536xi32, #tpu.memory_space<vmem_shared>> -> memref<16x1536xi32, #tpu.memory_space<vmem_shared>>
          %dma_start3A_236 = tpu.memref_slice %arg3[%run_scoped3A, %mul3A_0, %multiple_of3A] : memref<3x32x50000xi32, #tpu.memory_space<hbm>> -> memref<1x16x1536xi32, #tpu.memory_space<hbm>>
          %dma_start3A_237 = tpu.memref_squeeze %dma_start3A_236 : memref<1x16x1536xi32, #tpu.memory_space<hbm>> -> memref<16x1536xi32, #tpu.memory_space<hbm>>
          tpu.enqueue_dma source(%dma_start3A_237 : memref<16x1536xi32, #tpu.memory_space<hbm>>) target(%dma_start3A_235 : memref<16x1536xi32, #tpu.memory_space<vmem_shared>>) target_semaphore(%run_scoped3A_232 : memref<!tpu.dma_semaphore, #tpu.memory_space<semaphore_mem>>)
          %dma_wait3A = arith.constant 0 : i32
          %dma_wait3A_238 = arith.constant 0 : i32
          %dma_wait3A_239 = tpu.memref_slice %arg9[%dma_wait3A, %run_scoped3A_231, %dma_wait3A_238] : memref<16x3x1536xi32, #tpu.memory_space<vmem_shared>> -> memref<16x1x1536xi32, #tpu.memory_space<vmem_shared>>
          %dma_wait3A_240 = tpu.memref_squeeze %dma_wait3A_239 : memref<16x1x1536xi32, #tpu.memory_space<vmem_shared>> -> memref<16x1536xi32, #tpu.memory_space<vmem_shared>>
          %dma_wait3A_241 = tpu.memref_slice %arg3[%run_scoped3A, %mul3A_0, %multiple_of3A] : memref<3x32x50000xi32, #tpu.memory_space<hbm>> -> memref<1x16x1536xi32, #tpu.memory_space<hbm>>
          %dma_wait3A_242 = tpu.memref_squeeze %dma_wait3A_241 : memref<1x16x1536xi32, #tpu.memory_space<hbm>> -> memref<16x1536xi32, #tpu.memory_space<hbm>>
          tpu.wait_dma2 semaphore(%run_scoped3A_232 : memref<!tpu.dma_semaphore, #tpu.memory_space<semaphore_mem>>) src(%dma_wait3A_242 : memref<16x1536xi32, #tpu.memory_space<hbm>>) dst(%dma_wait3A_240 : memref<16x1536xi32, #tpu.memory_space<vmem_shared>>)
          tpu.yield
        }) : () -> ()
      } else {
      }
      %eq3A_176 = arith.constant 2 : i32
      %eq3A_177 = arith.cmpi eq, %arg1, %eq3A_176 : i32
      %convert_element_type3A_178 = arith.extui %eq3A_177 : i1 to i32
      %cond3A_179 = arith.constant 0 : i32
      %cond3A_180 = arith.cmpi ne, %convert_element_type3A_178, %cond3A_179 : i32
      scf.if %cond3A_180 {
        %run_scoped3A = arith.constant 2 : i32
        %run_scoped3A_231 = arith.constant 2 : i32
        "tpu.region"() ({
          %run_scoped3A_232 = tpu.sem_alloc : memref<!tpu.dma_semaphore, #tpu.memory_space<semaphore_mem>>
          %dma_start3A = arith.constant 0 : i32
          %dma_start3A_233 = arith.constant 0 : i32
          %dma_start3A_234 = tpu.memref_slice %arg9[%dma_start3A, %run_scoped3A_231, %dma_start3A_233] : memref<16x3x1536xi32, #tpu.memory_space<vmem_shared>> -> memref<16x1x1536xi32, #tpu.memory_space<vmem_shared>>
          %dma_start3A_235 = tpu.memref_squeeze %dma_start3A_234 : memref<16x1x1536xi32, #tpu.memory_space<vmem_shared>> -> memref<16x1536xi32, #tpu.memory_space<vmem_shared>>
          %dma_start3A_236 = tpu.memref_slice %arg3[%run_scoped3A, %mul3A_0, %multiple_of3A] : memref<3x32x50000xi32, #tpu.memory_space<hbm>> -> memref<1x16x1536xi32, #tpu.memory_space<hbm>>
          %dma_start3A_237 = tpu.memref_squeeze %dma_start3A_236 : memref<1x16x1536xi32, #tpu.memory_space<hbm>> -> memref<16x1536xi32, #tpu.memory_space<hbm>>
          tpu.enqueue_dma source(%dma_start3A_237 : memref<16x1536xi32, #tpu.memory_space<hbm>>) target(%dma_start3A_235 : memref<16x1536xi32, #tpu.memory_space<vmem_shared>>) target_semaphore(%run_scoped3A_232 : memref<!tpu.dma_semaphore, #tpu.memory_space<semaphore_mem>>)
          %dma_wait3A = arith.constant 0 : i32
          %dma_wait3A_238 = arith.constant 0 : i32
          %dma_wait3A_239 = tpu.memref_slice %arg9[%dma_wait3A, %run_scoped3A_231, %dma_wait3A_238] : memref<16x3x1536xi32, #tpu.memory_space<vmem_shared>> -> memref<16x1x1536xi32, #tpu.memory_space<vmem_shared>>
          %dma_wait3A_240 = tpu.memref_squeeze %dma_wait3A_239 : memref<16x1x1536xi32, #tpu.memory_space<vmem_shared>> -> memref<16x1536xi32, #tpu.memory_space<vmem_shared>>
          %dma_wait3A_241 = tpu.memref_slice %arg3[%run_scoped3A, %mul3A_0, %multiple_of3A] : memref<3x32x50000xi32, #tpu.memory_space<hbm>> -> memref<1x16x1536xi32, #tpu.memory_space<hbm>>
          %dma_wait3A_242 = tpu.memref_squeeze %dma_wait3A_241 : memref<1x16x1536xi32, #tpu.memory_space<hbm>> -> memref<16x1536xi32, #tpu.memory_space<hbm>>
          tpu.wait_dma2 semaphore(%run_scoped3A_232 : memref<!tpu.dma_semaphore, #tpu.memory_space<semaphore_mem>>) src(%dma_wait3A_242 : memref<16x1536xi32, #tpu.memory_space<hbm>>) dst(%dma_wait3A_240 : memref<16x1536xi32, #tpu.memory_space<vmem_shared>>)
          tpu.yield
        }) : () -> ()
      } else {
      }
      %barrier3A_181 = arith.constant 0 : index
      tpu.barrier barrier_id(%barrier3A_181)
      "tpu.region"() ({
        %run_scoped3A = tpu.sem_alloc : memref<!tpu.dma_semaphore, #tpu.memory_space<semaphore_mem>>
        %dma_start3A = arith.constant 0 : i32
        %dma_start3A_231 = arith.constant 0 : i32
        %dma_start3A_232 = tpu.memref_slice %arg6[%dma_start3A, %dma_start3A_231] : memref<3x1536xi32, #tpu.memory_space<vmem>> -> memref<3x1536xi32, #tpu.memory_space<vmem>>
        %dma_start3A_233 = arith.constant 0 : i32
        %dma_start3A_234 = arith.constant 0 : i32
        %dma_start3A_235 = tpu.memref_slice %arg9[%arg1, %dma_start3A_233, %dma_start3A_234] : memref<16x3x1536xi32, #tpu.memory_space<vmem_shared>> -> memref<1x3x1536xi32, #tpu.memory_space<vmem_shared>>
        %dma_start3A_236 = tpu.memref_squeeze %dma_start3A_235 : memref<1x3x1536xi32, #tpu.memory_space<vmem_shared>> -> memref<3x1536xi32, #tpu.memory_space<vmem_shared>>
        %dma_start3A_237 = arith.constant 0 : i32
        %dma_start3A_238 = arith.constant 0 : i32
        %dma_start3A_239 = tpu.memref_slice %arg6[%dma_start3A_237, %dma_start3A_238] : memref<3x1536xi32, #tpu.memory_space<vmem>> -> memref<3x1536xi32, #tpu.memory_space<vmem>>
        %dma_start3A_240 = arith.constant 0 : i32
        %dma_start3A_241 = arith.constant 0 : i32
        %dma_start3A_242 = tpu.memref_slice %arg9[%arg1, %dma_start3A_240, %dma_start3A_241] : memref<16x3x1536xi32, #tpu.memory_space<vmem_shared>> -> memref<1x3x1536xi32, #tpu.memory_space<vmem_shared>>
        %dma_start3A_243 = tpu.memref_squeeze %dma_start3A_242 : memref<1x3x1536xi32, #tpu.memory_space<vmem_shared>> -> memref<3x1536xi32, #tpu.memory_space<vmem_shared>>
        tpu.enqueue_dma source(%dma_start3A_243 : memref<3x1536xi32, #tpu.memory_space<vmem_shared>>) target(%dma_start3A_239 : memref<3x1536xi32, #tpu.memory_space<vmem>>) target_semaphore(%run_scoped3A : memref<!tpu.dma_semaphore, #tpu.memory_space<semaphore_mem>>)
        %dma_wait3A = arith.constant 0 : i32
        %dma_wait3A_244 = arith.constant 0 : i32
        %dma_wait3A_245 = tpu.memref_slice %arg6[%dma_wait3A, %dma_wait3A_244] : memref<3x1536xi32, #tpu.memory_space<vmem>> -> memref<3x1536xi32, #tpu.memory_space<vmem>>
        %dma_wait3A_246 = arith.constant 0 : i32
        %dma_wait3A_247 = arith.constant 0 : i32
        %dma_wait3A_248 = tpu.memref_slice %arg9[%arg1, %dma_wait3A_246, %dma_wait3A_247] : memref<16x3x1536xi32, #tpu.memory_space<vmem_shared>> -> memref<1x3x1536xi32, #tpu.memory_space<vmem_shared>>
        %dma_wait3A_249 = tpu.memref_squeeze %dma_wait3A_248 : memref<1x3x1536xi32, #tpu.memory_space<vmem_shared>> -> memref<3x1536xi32, #tpu.memory_space<vmem_shared>>
        %dma_wait3A_250 = arith.constant 0 : i32
        %dma_wait3A_251 = arith.constant 0 : i32
        %dma_wait3A_252 = tpu.memref_slice %arg6[%dma_wait3A_250, %dma_wait3A_251] : memref<3x1536xi32, #tpu.memory_space<vmem>> -> memref<3x1536xi32, #tpu.memory_space<vmem>>
        %dma_wait3A_253 = arith.constant 0 : i32
        %dma_wait3A_254 = arith.constant 0 : i32
        %dma_wait3A_255 = tpu.memref_slice %arg9[%arg1, %dma_wait3A_253, %dma_wait3A_254] : memref<16x3x1536xi32, #tpu.memory_space<vmem_shared>> -> memref<1x3x1536xi32, #tpu.memory_space<vmem_shared>>
        %dma_wait3A_256 = tpu.memref_squeeze %dma_wait3A_255 : memref<1x3x1536xi32, #tpu.memory_space<vmem_shared>> -> memref<3x1536xi32, #tpu.memory_space<vmem_shared>>
        tpu.wait_dma2 semaphore(%run_scoped3A : memref<!tpu.dma_semaphore, #tpu.memory_space<semaphore_mem>>) src(%dma_wait3A_256 : memref<3x1536xi32, #tpu.memory_space<vmem_shared>>) dst(%dma_wait3A_252 : memref<3x1536xi32, #tpu.memory_space<vmem>>)
        tpu.yield
      }) : () -> ()
      %parallel_loop3A_182 = arith.constant 0 : i32
      %parallel_loop3A_183 = arith.constant 96 : i32
      %parallel_loop3A_184 = arith.constant 1 : i32
      scf.for %parallel_loop3A_231 = %parallel_loop3A_182 to %parallel_loop3A_183 step %parallel_loop3A_184  : i32 {
        %parallel_loop3A_232 = arith.constant 16 : i32
        %parallel_loop3A_233 = arith.muli %parallel_loop3A_231, %parallel_loop3A_232 : i32
        %parallel_loop3A_234 = arith.constant 0 : i32
        %parallel_loop3A_235 = arith.index_cast %parallel_loop3A_234 : i32 to index
        %parallel_loop3A_236 = arith.index_cast %parallel_loop3A_233 : i32 to index
        %parallel_loop3A_237 = tpu.vector_load %arg6[%parallel_loop3A_235, %parallel_loop3A_236] {strides = array<i32>} : memref<3x1536xi32, #tpu.memory_space<vmem>>, vector<16xi32>,
        %parallel_loop3A_238 = arith.constant 0 : i32
        %parallel_loop3A_239 = vector.broadcast %parallel_loop3A_238 : i32 to vector<16xi32>
        %parallel_loop3A_240 = tpu.vector_load_idx %arg5[%parallel_loop3A_239, %parallel_loop3A_237] : memref<3x25000xf32, #tpu.memory_space<vmem>>[vector<16xi32>, vector<16xi32>], vector<16xf32>,
        %parallel_loop3A_241 = arith.constant 16 : i32
        %parallel_loop3A_242 = arith.muli %parallel_loop3A_231, %parallel_loop3A_241 : i32
        %parallel_loop3A_243 = arith.constant 0 : i32
        %parallel_loop3A_244 = arith.index_cast %parallel_loop3A_243 : i32 to index
        %parallel_loop3A_245 = arith.index_cast %parallel_loop3A_242 : i32 to index
        %parallel_loop3A_246 = tpu.vector_load %arg7[%parallel_loop3A_244, %parallel_loop3A_245] {strides = array<i32>} : memref<9x1536xf32, #tpu.memory_space<vmem>>, vector<16xf32>,
        tpu.vector_store %arg7[%parallel_loop3A_244, %parallel_loop3A_245], %parallel_loop3A_240 {strides = array<i32>} : memref<9x1536xf32, #tpu.memory_space<vmem>>, vector<16xf32>,
        %parallel_loop3A_247 = arith.constant 1 : i32
        %parallel_loop3A_248 = vector.broadcast %parallel_loop3A_247 : i32 to vector<16xi32>
        %parallel_loop3A_249 = tpu.vector_load_idx %arg5[%parallel_loop3A_248, %parallel_loop3A_237] : memref<3x25000xf32, #tpu.memory_space<vmem>>[vector<16xi32>, vector<16xi32>], vector<16xf32>,
        %parallel_loop3A_250 = arith.constant 16 : i32
        %parallel_loop3A_251 = arith.muli %parallel_loop3A_231, %parallel_loop3A_250 : i32
        %parallel_loop3A_252 = arith.constant 1 : i32
        %parallel_loop3A_253 = arith.index_cast %parallel_loop3A_252 : i32 to index
        %parallel_loop3A_254 = arith.index_cast %parallel_loop3A_251 : i32 to index
        %parallel_loop3A_255 = tpu.vector_load %arg7[%parallel_loop3A_253, %parallel_loop3A_254] {strides = array<i32>} : memref<9x1536xf32, #tpu.memory_space<vmem>>, vector<16xf32>,
        tpu.vector_store %arg7[%parallel_loop3A_253, %parallel_loop3A_254], %parallel_loop3A_249 {strides = array<i32>} : memref<9x1536xf32, #tpu.memory_space<vmem>>, vector<16xf32>,
        %parallel_loop3A_256 = arith.constant 2 : i32
        %parallel_loop3A_257 = vector.broadcast %parallel_loop3A_256 : i32 to vector<16xi32>
        %parallel_loop3A_258 = tpu.vector_load_idx %arg5[%parallel_loop3A_257, %parallel_loop3A_237] : memref<3x25000xf32, #tpu.memory_space<vmem>>[vector<16xi32>, vector<16xi32>], vector<16xf32>,
        %parallel_loop3A_259 = arith.constant 16 : i32
        %parallel_loop3A_260 = arith.muli %parallel_loop3A_231, %parallel_loop3A_259 : i32
        %parallel_loop3A_261 = arith.constant 2 : i32
        %parallel_loop3A_262 = arith.index_cast %parallel_loop3A_261 : i32 to index
        %parallel_loop3A_263 = arith.index_cast %parallel_loop3A_260 : i32 to index
        %parallel_loop3A_264 = tpu.vector_load %arg7[%parallel_loop3A_262, %parallel_loop3A_263] {strides = array<i32>} : memref<9x1536xf32, #tpu.memory_space<vmem>>, vector<16xf32>,
        tpu.vector_store %arg7[%parallel_loop3A_262, %parallel_loop3A_263], %parallel_loop3A_258 {strides = array<i32>} : memref<9x1536xf32, #tpu.memory_space<vmem>>, vector<16xf32>,
        %parallel_loop3A_265 = arith.constant 16 : i32
        %parallel_loop3A_266 = arith.muli %parallel_loop3A_231, %parallel_loop3A_265 : i32
        %parallel_loop3A_267 = arith.constant 1 : i32
        %parallel_loop3A_268 = arith.index_cast %parallel_loop3A_267 : i32 to index
        %parallel_loop3A_269 = arith.index_cast %parallel_loop3A_266 : i32 to index
        %parallel_loop3A_270 = tpu.vector_load %arg6[%parallel_loop3A_268, %parallel_loop3A_269] {strides = array<i32>} : memref<3x1536xi32, #tpu.memory_space<vmem>>, vector<16xi32>,
        %parallel_loop3A_271 = arith.constant 0 : i32
        %parallel_loop3A_272 = vector.broadcast %parallel_loop3A_271 : i32 to vector<16xi32>
        %parallel_loop3A_273 = tpu.vector_load_idx %arg5[%parallel_loop3A_272, %parallel_loop3A_270] : memref<3x25000xf32, #tpu.memory_space<vmem>>[vector<16xi32>, vector<16xi32>], vector<16xf32>,
        %parallel_loop3A_274 = arith.constant 16 : i32
        %parallel_loop3A_275 = arith.muli %parallel_loop3A_231, %parallel_loop3A_274 : i32
        %parallel_loop3A_276 = arith.constant 3 : i32
        %parallel_loop3A_277 = arith.index_cast %parallel_loop3A_276 : i32 to index
        %parallel_loop3A_278 = arith.index_cast %parallel_loop3A_275 : i32 to index
        %parallel_loop3A_279 = tpu.vector_load %arg7[%parallel_loop3A_277, %parallel_loop3A_278] {strides = array<i32>} : memref<9x1536xf32, #tpu.memory_space<vmem>>, vector<16xf32>,
        tpu.vector_store %arg7[%parallel_loop3A_277, %parallel_loop3A_278], %parallel_loop3A_273 {strides = array<i32>} : memref<9x1536xf32, #tpu.memory_space<vmem>>, vector<16xf32>,
        %parallel_loop3A_280 = arith.constant 1 : i32
        %parallel_loop3A_281 = vector.broadcast %parallel_loop3A_280 : i32 to vector<16xi32>
        %parallel_loop3A_282 = tpu.vector_load_idx %arg5[%parallel_loop3A_281, %parallel_loop3A_270] : memref<3x25000xf32, #tpu.memory_space<vmem>>[vector<16xi32>, vector<16xi32>], vector<16xf32>,
        %parallel_loop3A_283 = arith.constant 16 : i32
        %parallel_loop3A_284 = arith.muli %parallel_loop3A_231, %parallel_loop3A_283 : i32
        %parallel_loop3A_285 = arith.constant 4 : i32
        %parallel_loop3A_286 = arith.index_cast %parallel_loop3A_285 : i32 to index
        %parallel_loop3A_287 = arith.index_cast %parallel_loop3A_284 : i32 to index
        %parallel_loop3A_288 = tpu.vector_load %arg7[%parallel_loop3A_286, %parallel_loop3A_287] {strides = array<i32>} : memref<9x1536xf32, #tpu.memory_space<vmem>>, vector<16xf32>,
        tpu.vector_store %arg7[%parallel_loop3A_286, %parallel_loop3A_287], %parallel_loop3A_282 {strides = array<i32>} : memref<9x1536xf32, #tpu.memory_space<vmem>>, vector<16xf32>,
        %parallel_loop3A_289 = arith.constant 2 : i32
        %parallel_loop3A_290 = vector.broadcast %parallel_loop3A_289 : i32 to vector<16xi32>
        %parallel_loop3A_291 = tpu.vector_load_idx %arg5[%parallel_loop3A_290, %parallel_loop3A_270] : memref<3x25000xf32, #tpu.memory_space<vmem>>[vector<16xi32>, vector<16xi32>], vector<16xf32>,
        %parallel_loop3A_292 = arith.constant 16 : i32
        %parallel_loop3A_293 = arith.muli %parallel_loop3A_231, %parallel_loop3A_292 : i32
        %parallel_loop3A_294 = arith.constant 5 : i32
        %parallel_loop3A_295 = arith.index_cast %parallel_loop3A_294 : i32 to index
        %parallel_loop3A_296 = arith.index_cast %parallel_loop3A_293 : i32 to index
        %parallel_loop3A_297 = tpu.vector_load %arg7[%parallel_loop3A_295, %parallel_loop3A_296] {strides = array<i32>} : memref<9x1536xf32, #tpu.memory_space<vmem>>, vector<16xf32>,
        tpu.vector_store %arg7[%parallel_loop3A_295, %parallel_loop3A_296], %parallel_loop3A_291 {strides = array<i32>} : memref<9x1536xf32, #tpu.memory_space<vmem>>, vector<16xf32>,
        %parallel_loop3A_298 = arith.constant 16 : i32
        %parallel_loop3A_299 = arith.muli %parallel_loop3A_231, %parallel_loop3A_298 : i32
        %parallel_loop3A_300 = arith.constant 2 : i32
        %parallel_loop3A_301 = arith.index_cast %parallel_loop3A_300 : i32 to index
        %parallel_loop3A_302 = arith.index_cast %parallel_loop3A_299 : i32 to index
        %parallel_loop3A_303 = tpu.vector_load %arg6[%parallel_loop3A_301, %parallel_loop3A_302] {strides = array<i32>} : memref<3x1536xi32, #tpu.memory_space<vmem>>, vector<16xi32>,
        %parallel_loop3A_304 = arith.constant 0 : i32
        %parallel_loop3A_305 = vector.broadcast %parallel_loop3A_304 : i32 to vector<16xi32>
        %parallel_loop3A_306 = tpu.vector_load_idx %arg5[%parallel_loop3A_305, %parallel_loop3A_303] : memref<3x25000xf32, #tpu.memory_space<vmem>>[vector<16xi32>, vector<16xi32>], vector<16xf32>,
        %parallel_loop3A_307 = arith.constant 16 : i32
        %parallel_loop3A_308 = arith.muli %parallel_loop3A_231, %parallel_loop3A_307 : i32
        %parallel_loop3A_309 = arith.constant 6 : i32
        %parallel_loop3A_310 = arith.index_cast %parallel_loop3A_309 : i32 to index
        %parallel_loop3A_311 = arith.index_cast %parallel_loop3A_308 : i32 to index
        %parallel_loop3A_312 = tpu.vector_load %arg7[%parallel_loop3A_310, %parallel_loop3A_311] {strides = array<i32>} : memref<9x1536xf32, #tpu.memory_space<vmem>>, vector<16xf32>,
        tpu.vector_store %arg7[%parallel_loop3A_310, %parallel_loop3A_311], %parallel_loop3A_306 {strides = array<i32>} : memref<9x1536xf32, #tpu.memory_space<vmem>>, vector<16xf32>,
        %parallel_loop3A_313 = arith.constant 1 : i32
        %parallel_loop3A_314 = vector.broadcast %parallel_loop3A_313 : i32 to vector<16xi32>
        %parallel_loop3A_315 = tpu.vector_load_idx %arg5[%parallel_loop3A_314, %parallel_loop3A_303] : memref<3x25000xf32, #tpu.memory_space<vmem>>[vector<16xi32>, vector<16xi32>], vector<16xf32>,
        %parallel_loop3A_316 = arith.constant 16 : i32
        %parallel_loop3A_317 = arith.muli %parallel_loop3A_231, %parallel_loop3A_316 : i32
        %parallel_loop3A_318 = arith.constant 7 : i32
        %parallel_loop3A_319 = arith.index_cast %parallel_loop3A_318 : i32 to index
        %parallel_loop3A_320 = arith.index_cast %parallel_loop3A_317 : i32 to index
        %parallel_loop3A_321 = tpu.vector_load %arg7[%parallel_loop3A_319, %parallel_loop3A_320] {strides = array<i32>} : memref<9x1536xf32, #tpu.memory_space<vmem>>, vector<16xf32>,
        tpu.vector_store %arg7[%parallel_loop3A_319, %parallel_loop3A_320], %parallel_loop3A_315 {strides = array<i32>} : memref<9x1536xf32, #tpu.memory_space<vmem>>, vector<16xf32>,
        %parallel_loop3A_322 = arith.constant 2 : i32
        %parallel_loop3A_323 = vector.broadcast %parallel_loop3A_322 : i32 to vector<16xi32>
        %parallel_loop3A_324 = tpu.vector_load_idx %arg5[%parallel_loop3A_323, %parallel_loop3A_303] : memref<3x25000xf32, #tpu.memory_space<vmem>>[vector<16xi32>, vector<16xi32>], vector<16xf32>,
        %parallel_loop3A_325 = arith.constant 16 : i32
        %parallel_loop3A_326 = arith.muli %parallel_loop3A_231, %parallel_loop3A_325 : i32
        %parallel_loop3A_327 = arith.constant 8 : i32
        %parallel_loop3A_328 = arith.index_cast %parallel_loop3A_327 : i32 to index
        %parallel_loop3A_329 = arith.index_cast %parallel_loop3A_326 : i32 to index
        %parallel_loop3A_330 = tpu.vector_load %arg7[%parallel_loop3A_328, %parallel_loop3A_329] {strides = array<i32>} : memref<9x1536xf32, #tpu.memory_space<vmem>>, vector<16xf32>,
        tpu.vector_store %arg7[%parallel_loop3A_328, %parallel_loop3A_329], %parallel_loop3A_324 {strides = array<i32>} : memref<9x1536xf32, #tpu.memory_space<vmem>>, vector<16xf32>,
      } {sc.loop_unroll_factor = 8 : i64, sc.parallel_access}
      "tpu.region"() ({
        %run_scoped3A = tpu.sem_alloc : memref<!tpu.dma_semaphore, #tpu.memory_space<semaphore_mem>>
        %dma_start3A = arith.constant 0 : i32
        %dma_start3A_231 = arith.constant 0 : i32
        %dma_start3A_232 = tpu.memref_slice %arg7[%dma_start3A, %dma_start3A_231] : memref<9x1536xf32, #tpu.memory_space<vmem>> -> memref<9x1536xf32, #tpu.memory_space<vmem>>
        %dma_start3A_233 = arith.constant 0 : i32
        %dma_start3A_234 = arith.constant 0 : i32
        %dma_start3A_235 = tpu.memref_slice %arg10[%arg1, %dma_start3A_233, %dma_start3A_234] : memref<16x9x1536xf32, #tpu.memory_space<vmem_shared>> -> memref<1x9x1536xf32, #tpu.memory_space<vmem_shared>>
        %dma_start3A_236 = tpu.memref_squeeze %dma_start3A_235 : memref<1x9x1536xf32, #tpu.memory_space<vmem_shared>> -> memref<9x1536xf32, #tpu.memory_space<vmem_shared>>
        %dma_start3A_237 = arith.constant 0 : i32
        %dma_start3A_238 = arith.constant 0 : i32
        %dma_start3A_239 = tpu.memref_slice %arg10[%arg1, %dma_start3A_237, %dma_start3A_238] : memref<16x9x1536xf32, #tpu.memory_space<vmem_shared>> -> memref<1x9x1536xf32, #tpu.memory_space<vmem_shared>>
        %dma_start3A_240 = tpu.memref_squeeze %dma_start3A_239 : memref<1x9x1536xf32, #tpu.memory_space<vmem_shared>> -> memref<9x1536xf32, #tpu.memory_space<vmem_shared>>
        %dma_start3A_241 = arith.constant 0 : i32
        %dma_start3A_242 = arith.constant 0 : i32
        %dma_start3A_243 = tpu.memref_slice %arg7[%dma_start3A_241, %dma_start3A_242] : memref<9x1536xf32, #tpu.memory_space<vmem>> -> memref<9x1536xf32, #tpu.memory_space<vmem>>
        tpu.enqueue_dma source(%dma_start3A_243 : memref<9x1536xf32, #tpu.memory_space<vmem>>) target(%dma_start3A_240 : memref<9x1536xf32, #tpu.memory_space<vmem_shared>>) target_semaphore(%run_scoped3A : memref<!tpu.dma_semaphore, #tpu.memory_space<semaphore_mem>>)
        %dma_wait3A = arith.constant 0 : i32
        %dma_wait3A_244 = arith.constant 0 : i32
        %dma_wait3A_245 = tpu.memref_slice %arg7[%dma_wait3A, %dma_wait3A_244] : memref<9x1536xf32, #tpu.memory_space<vmem>> -> memref<9x1536xf32, #tpu.memory_space<vmem>>
        %dma_wait3A_246 = arith.constant 0 : i32
        %dma_wait3A_247 = arith.constant 0 : i32
        %dma_wait3A_248 = tpu.memref_slice %arg10[%arg1, %dma_wait3A_246, %dma_wait3A_247] : memref<16x9x1536xf32, #tpu.memory_space<vmem_shared>> -> memref<1x9x1536xf32, #tpu.memory_space<vmem_shared>>
        %dma_wait3A_249 = tpu.memref_squeeze %dma_wait3A_248 : memref<1x9x1536xf32, #tpu.memory_space<vmem_shared>> -> memref<9x1536xf32, #tpu.memory_space<vmem_shared>>
        %dma_wait3A_250 = arith.constant 0 : i32
        %dma_wait3A_251 = arith.constant 0 : i32
        %dma_wait3A_252 = tpu.memref_slice %arg10[%arg1, %dma_wait3A_250, %dma_wait3A_251] : memref<16x9x1536xf32, #tpu.memory_space<vmem_shared>> -> memref<1x9x1536xf32, #tpu.memory_space<vmem_shared>>
        %dma_wait3A_253 = tpu.memref_squeeze %dma_wait3A_252 : memref<1x9x1536xf32, #tpu.memory_space<vmem_shared>> -> memref<9x1536xf32, #tpu.memory_space<vmem_shared>>
        %dma_wait3A_254 = arith.constant 0 : i32
        %dma_wait3A_255 = arith.constant 0 : i32
        %dma_wait3A_256 = tpu.memref_slice %arg7[%dma_wait3A_254, %dma_wait3A_255] : memref<9x1536xf32, #tpu.memory_space<vmem>> -> memref<9x1536xf32, #tpu.memory_space<vmem>>
        tpu.wait_dma2 semaphore(%run_scoped3A : memref<!tpu.dma_semaphore, #tpu.memory_space<semaphore_mem>>) src(%dma_wait3A_256 : memref<9x1536xf32, #tpu.memory_space<vmem>>) dst(%dma_wait3A_253 : memref<9x1536xf32, #tpu.memory_space<vmem_shared>>)
        tpu.yield
      }) : () -> ()
      %barrier3A_185 = arith.constant 0 : index
      tpu.barrier barrier_id(%barrier3A_185)
      %eq3A_186 = arith.constant 0 : i32
      %eq3A_187 = arith.cmpi eq, %arg1, %eq3A_186 : i32
      %convert_element_type3A_188 = arith.extui %eq3A_187 : i1 to i32
      %cond3A_189 = arith.constant 0 : i32
      %cond3A_190 = arith.cmpi ne, %convert_element_type3A_188, %cond3A_189 : i32
      scf.if %cond3A_190 {
        %run_scoped3A = arith.constant 0 : i32
        %run_scoped3A_231 = arith.constant 0 : i32
        "tpu.region"() ({
          %run_scoped3A_232 = tpu.sem_alloc : memref<!tpu.dma_semaphore, #tpu.memory_space<semaphore_mem>>
          %dma_start3A = tpu.memref_slice %arg4[%run_scoped3A_231, %mul3A_0, %multiple_of3A] : memref<9x32x50000xf32, #tpu.memory_space<hbm>> -> memref<1x16x1536xf32, #tpu.memory_space<hbm>>
          %dma_start3A_233 = tpu.memref_squeeze %dma_start3A : memref<1x16x1536xf32, #tpu.memory_space<hbm>> -> memref<16x1536xf32, #tpu.memory_space<hbm>>
          %dma_start3A_234 = arith.constant 0 : i32
          %dma_start3A_235 = arith.constant 0 : i32
          %dma_start3A_236 = tpu.memref_slice %arg10[%dma_start3A_234, %run_scoped3A, %dma_start3A_235] : memref<16x9x1536xf32, #tpu.memory_space<vmem_shared>> -> memref<16x1x1536xf32, #tpu.memory_space<vmem_shared>>
          %dma_start3A_237 = tpu.memref_squeeze %dma_start3A_236 : memref<16x1x1536xf32, #tpu.memory_space<vmem_shared>> -> memref<16x1536xf32, #tpu.memory_space<vmem_shared>>
          tpu.enqueue_dma source(%dma_start3A_237 : memref<16x1536xf32, #tpu.memory_space<vmem_shared>>) target(%dma_start3A_233 : memref<16x1536xf32, #tpu.memory_space<hbm>>) target_semaphore(%run_scoped3A_232 : memref<!tpu.dma_semaphore, #tpu.memory_space<semaphore_mem>>)
          %dma_wait3A = tpu.memref_slice %arg4[%run_scoped3A_231, %mul3A_0, %multiple_of3A] : memref<9x32x50000xf32, #tpu.memory_space<hbm>> -> memref<1x16x1536xf32, #tpu.memory_space<hbm>>
          %dma_wait3A_238 = tpu.memref_squeeze %dma_wait3A : memref<1x16x1536xf32, #tpu.memory_space<hbm>> -> memref<16x1536xf32, #tpu.memory_space<hbm>>
          %dma_wait3A_239 = arith.constant 0 : i32
          %dma_wait3A_240 = arith.constant 0 : i32
          %dma_wait3A_241 = tpu.memref_slice %arg10[%dma_wait3A_239, %run_scoped3A, %dma_wait3A_240] : memref<16x9x1536xf32, #tpu.memory_space<vmem_shared>> -> memref<16x1x1536xf32, #tpu.memory_space<vmem_shared>>
          %dma_wait3A_242 = tpu.memref_squeeze %dma_wait3A_241 : memref<16x1x1536xf32, #tpu.memory_space<vmem_shared>> -> memref<16x1536xf32, #tpu.memory_space<vmem_shared>>
          tpu.wait_dma2 semaphore(%run_scoped3A_232 : memref<!tpu.dma_semaphore, #tpu.memory_space<semaphore_mem>>) src(%dma_wait3A_242 : memref<16x1536xf32, #tpu.memory_space<vmem_shared>>) dst(%dma_wait3A_238 : memref<16x1536xf32, #tpu.memory_space<hbm>>)
          tpu.yield
        }) : () -> ()
      } else {
      }
      %eq3A_191 = arith.constant 1 : i32
      %eq3A_192 = arith.cmpi eq, %arg1, %eq3A_191 : i32
      %convert_element_type3A_193 = arith.extui %eq3A_192 : i1 to i32
      %cond3A_194 = arith.constant 0 : i32
      %cond3A_195 = arith.cmpi ne, %convert_element_type3A_193, %cond3A_194 : i32
      scf.if %cond3A_195 {
        %run_scoped3A = arith.constant 1 : i32
        %run_scoped3A_231 = arith.constant 1 : i32
        "tpu.region"() ({
          %run_scoped3A_232 = tpu.sem_alloc : memref<!tpu.dma_semaphore, #tpu.memory_space<semaphore_mem>>
          %dma_start3A = tpu.memref_slice %arg4[%run_scoped3A_231, %mul3A_0, %multiple_of3A] : memref<9x32x50000xf32, #tpu.memory_space<hbm>> -> memref<1x16x1536xf32, #tpu.memory_space<hbm>>
          %dma_start3A_233 = tpu.memref_squeeze %dma_start3A : memref<1x16x1536xf32, #tpu.memory_space<hbm>> -> memref<16x1536xf32, #tpu.memory_space<hbm>>
          %dma_start3A_234 = arith.constant 0 : i32
          %dma_start3A_235 = arith.constant 0 : i32
          %dma_start3A_236 = tpu.memref_slice %arg10[%dma_start3A_234, %run_scoped3A, %dma_start3A_235] : memref<16x9x1536xf32, #tpu.memory_space<vmem_shared>> -> memref<16x1x1536xf32, #tpu.memory_space<vmem_shared>>
          %dma_start3A_237 = tpu.memref_squeeze %dma_start3A_236 : memref<16x1x1536xf32, #tpu.memory_space<vmem_shared>> -> memref<16x1536xf32, #tpu.memory_space<vmem_shared>>
          tpu.enqueue_dma source(%dma_start3A_237 : memref<16x1536xf32, #tpu.memory_space<vmem_shared>>) target(%dma_start3A_233 : memref<16x1536xf32, #tpu.memory_space<hbm>>) target_semaphore(%run_scoped3A_232 : memref<!tpu.dma_semaphore, #tpu.memory_space<semaphore_mem>>)
          %dma_wait3A = tpu.memref_slice %arg4[%run_scoped3A_231, %mul3A_0, %multiple_of3A] : memref<9x32x50000xf32, #tpu.memory_space<hbm>> -> memref<1x16x1536xf32, #tpu.memory_space<hbm>>
          %dma_wait3A_238 = tpu.memref_squeeze %dma_wait3A : memref<1x16x1536xf32, #tpu.memory_space<hbm>> -> memref<16x1536xf32, #tpu.memory_space<hbm>>
          %dma_wait3A_239 = arith.constant 0 : i32
          %dma_wait3A_240 = arith.constant 0 : i32
          %dma_wait3A_241 = tpu.memref_slice %arg10[%dma_wait3A_239, %run_scoped3A, %dma_wait3A_240] : memref<16x9x1536xf32, #tpu.memory_space<vmem_shared>> -> memref<16x1x1536xf32, #tpu.memory_space<vmem_shared>>
          %dma_wait3A_242 = tpu.memref_squeeze %dma_wait3A_241 : memref<16x1x1536xf32, #tpu.memory_space<vmem_shared>> -> memref<16x1536xf32, #tpu.memory_space<vmem_shared>>
          tpu.wait_dma2 semaphore(%run_scoped3A_232 : memref<!tpu.dma_semaphore, #tpu.memory_space<semaphore_mem>>) src(%dma_wait3A_242 : memref<16x1536xf32, #tpu.memory_space<vmem_shared>>) dst(%dma_wait3A_238 : memref<16x1536xf32, #tpu.memory_space<hbm>>)
          tpu.yield
        }) : () -> ()
      } else {
      }
      %eq3A_196 = arith.constant 2 : i32
      %eq3A_197 = arith.cmpi eq, %arg1, %eq3A_196 : i32
      %convert_element_type3A_198 = arith.extui %eq3A_197 : i1 to i32
      %cond3A_199 = arith.constant 0 : i32
      %cond3A_200 = arith.cmpi ne, %convert_element_type3A_198, %cond3A_199 : i32
      scf.if %cond3A_200 {
        %run_scoped3A = arith.constant 2 : i32
        %run_scoped3A_231 = arith.constant 2 : i32
        "tpu.region"() ({
          %run_scoped3A_232 = tpu.sem_alloc : memref<!tpu.dma_semaphore, #tpu.memory_space<semaphore_mem>>
          %dma_start3A = tpu.memref_slice %arg4[%run_scoped3A_231, %mul3A_0, %multiple_of3A] : memref<9x32x50000xf32, #tpu.memory_space<hbm>> -> memref<1x16x1536xf32, #tpu.memory_space<hbm>>
          %dma_start3A_233 = tpu.memref_squeeze %dma_start3A : memref<1x16x1536xf32, #tpu.memory_space<hbm>> -> memref<16x1536xf32, #tpu.memory_space<hbm>>
          %dma_start3A_234 = arith.constant 0 : i32
          %dma_start3A_235 = arith.constant 0 : i32
          %dma_start3A_236 = tpu.memref_slice %arg10[%dma_start3A_234, %run_scoped3A, %dma_start3A_235] : memref<16x9x1536xf32, #tpu.memory_space<vmem_shared>> -> memref<16x1x1536xf32, #tpu.memory_space<vmem_shared>>
          %dma_start3A_237 = tpu.memref_squeeze %dma_start3A_236 : memref<16x1x1536xf32, #tpu.memory_space<vmem_shared>> -> memref<16x1536xf32, #tpu.memory_space<vmem_shared>>
          tpu.enqueue_dma source(%dma_start3A_237 : memref<16x1536xf32, #tpu.memory_space<vmem_shared>>) target(%dma_start3A_233 : memref<16x1536xf32, #tpu.memory_space<hbm>>) target_semaphore(%run_scoped3A_232 : memref<!tpu.dma_semaphore, #tpu.memory_space<semaphore_mem>>)
          %dma_wait3A = tpu.memref_slice %arg4[%run_scoped3A_231, %mul3A_0, %multiple_of3A] : memref<9x32x50000xf32, #tpu.memory_space<hbm>> -> memref<1x16x1536xf32, #tpu.memory_space<hbm>>
          %dma_wait3A_238 = tpu.memref_squeeze %dma_wait3A : memref<1x16x1536xf32, #tpu.memory_space<hbm>> -> memref<16x1536xf32, #tpu.memory_space<hbm>>
          %dma_wait3A_239 = arith.constant 0 : i32
          %dma_wait3A_240 = arith.constant 0 : i32
          %dma_wait3A_241 = tpu.memref_slice %arg10[%dma_wait3A_239, %run_scoped3A, %dma_wait3A_240] : memref<16x9x1536xf32, #tpu.memory_space<vmem_shared>> -> memref<16x1x1536xf32, #tpu.memory_space<vmem_shared>>
          %dma_wait3A_242 = tpu.memref_squeeze %dma_wait3A_241 : memref<16x1x1536xf32, #tpu.memory_space<vmem_shared>> -> memref<16x1536xf32, #tpu.memory_space<vmem_shared>>
          tpu.wait_dma2 semaphore(%run_scoped3A_232 : memref<!tpu.dma_semaphore, #tpu.memory_space<semaphore_mem>>) src(%dma_wait3A_242 : memref<16x1536xf32, #tpu.memory_space<vmem_shared>>) dst(%dma_wait3A_238 : memref<16x1536xf32, #tpu.memory_space<hbm>>)
          tpu.yield
        }) : () -> ()
      } else {
      }
      %eq3A_201 = arith.constant 3 : i32
      %eq3A_202 = arith.cmpi eq, %arg1, %eq3A_201 : i32
      %convert_element_type3A_203 = arith.extui %eq3A_202 : i1 to i32
      %cond3A_204 = arith.constant 0 : i32
      %cond3A_205 = arith.cmpi ne, %convert_element_type3A_203, %cond3A_204 : i32
      scf.if %cond3A_205 {
        %run_scoped3A = arith.constant 3 : i32
        %run_scoped3A_231 = arith.constant 3 : i32
        "tpu.region"() ({
          %run_scoped3A_232 = tpu.sem_alloc : memref<!tpu.dma_semaphore, #tpu.memory_space<semaphore_mem>>
          %dma_start3A = tpu.memref_slice %arg4[%run_scoped3A_231, %mul3A_0, %multiple_of3A] : memref<9x32x50000xf32, #tpu.memory_space<hbm>> -> memref<1x16x1536xf32, #tpu.memory_space<hbm>>
          %dma_start3A_233 = tpu.memref_squeeze %dma_start3A : memref<1x16x1536xf32, #tpu.memory_space<hbm>> -> memref<16x1536xf32, #tpu.memory_space<hbm>>
          %dma_start3A_234 = arith.constant 0 : i32
          %dma_start3A_235 = arith.constant 0 : i32
          %dma_start3A_236 = tpu.memref_slice %arg10[%dma_start3A_234, %run_scoped3A, %dma_start3A_235] : memref<16x9x1536xf32, #tpu.memory_space<vmem_shared>> -> memref<16x1x1536xf32, #tpu.memory_space<vmem_shared>>
          %dma_start3A_237 = tpu.memref_squeeze %dma_start3A_236 : memref<16x1x1536xf32, #tpu.memory_space<vmem_shared>> -> memref<16x1536xf32, #tpu.memory_space<vmem_shared>>
          tpu.enqueue_dma source(%dma_start3A_237 : memref<16x1536xf32, #tpu.memory_space<vmem_shared>>) target(%dma_start3A_233 : memref<16x1536xf32, #tpu.memory_space<hbm>>) target_semaphore(%run_scoped3A_232 : memref<!tpu.dma_semaphore, #tpu.memory_space<semaphore_mem>>)
          %dma_wait3A = tpu.memref_slice %arg4[%run_scoped3A_231, %mul3A_0, %multiple_of3A] : memref<9x32x50000xf32, #tpu.memory_space<hbm>> -> memref<1x16x1536xf32, #tpu.memory_space<hbm>>
          %dma_wait3A_238 = tpu.memref_squeeze %dma_wait3A : memref<1x16x1536xf32, #tpu.memory_space<hbm>> -> memref<16x1536xf32, #tpu.memory_space<hbm>>
          %dma_wait3A_239 = arith.constant 0 : i32
          %dma_wait3A_240 = arith.constant 0 : i32
          %dma_wait3A_241 = tpu.memref_slice %arg10[%dma_wait3A_239, %run_scoped3A, %dma_wait3A_240] : memref<16x9x1536xf32, #tpu.memory_space<vmem_shared>> -> memref<16x1x1536xf32, #tpu.memory_space<vmem_shared>>
          %dma_wait3A_242 = tpu.memref_squeeze %dma_wait3A_241 : memref<16x1x1536xf32, #tpu.memory_space<vmem_shared>> -> memref<16x1536xf32, #tpu.memory_space<vmem_shared>>
          tpu.wait_dma2 semaphore(%run_scoped3A_232 : memref<!tpu.dma_semaphore, #tpu.memory_space<semaphore_mem>>) src(%dma_wait3A_242 : memref<16x1536xf32, #tpu.memory_space<vmem_shared>>) dst(%dma_wait3A_238 : memref<16x1536xf32, #tpu.memory_space<hbm>>)
          tpu.yield
        }) : () -> ()
      } else {
      }
      %eq3A_206 = arith.constant 4 : i32
      %eq3A_207 = arith.cmpi eq, %arg1, %eq3A_206 : i32
      %convert_element_type3A_208 = arith.extui %eq3A_207 : i1 to i32
      %cond3A_209 = arith.constant 0 : i32
      %cond3A_210 = arith.cmpi ne, %convert_element_type3A_208, %cond3A_209 : i32
      scf.if %cond3A_210 {
        %run_scoped3A = arith.constant 4 : i32
        %run_scoped3A_231 = arith.constant 4 : i32
        "tpu.region"() ({
          %run_scoped3A_232 = tpu.sem_alloc : memref<!tpu.dma_semaphore, #tpu.memory_space<semaphore_mem>>
          %dma_start3A = tpu.memref_slice %arg4[%run_scoped3A_231, %mul3A_0, %multiple_of3A] : memref<9x32x50000xf32, #tpu.memory_space<hbm>> -> memref<1x16x1536xf32, #tpu.memory_space<hbm>>
          %dma_start3A_233 = tpu.memref_squeeze %dma_start3A : memref<1x16x1536xf32, #tpu.memory_space<hbm>> -> memref<16x1536xf32, #tpu.memory_space<hbm>>
          %dma_start3A_234 = arith.constant 0 : i32
          %dma_start3A_235 = arith.constant 0 : i32
          %dma_start3A_236 = tpu.memref_slice %arg10[%dma_start3A_234, %run_scoped3A, %dma_start3A_235] : memref<16x9x1536xf32, #tpu.memory_space<vmem_shared>> -> memref<16x1x1536xf32, #tpu.memory_space<vmem_shared>>
          %dma_start3A_237 = tpu.memref_squeeze %dma_start3A_236 : memref<16x1x1536xf32, #tpu.memory_space<vmem_shared>> -> memref<16x1536xf32, #tpu.memory_space<vmem_shared>>
          tpu.enqueue_dma source(%dma_start3A_237 : memref<16x1536xf32, #tpu.memory_space<vmem_shared>>) target(%dma_start3A_233 : memref<16x1536xf32, #tpu.memory_space<hbm>>) target_semaphore(%run_scoped3A_232 : memref<!tpu.dma_semaphore, #tpu.memory_space<semaphore_mem>>)
          %dma_wait3A = tpu.memref_slice %arg4[%run_scoped3A_231, %mul3A_0, %multiple_of3A] : memref<9x32x50000xf32, #tpu.memory_space<hbm>> -> memref<1x16x1536xf32, #tpu.memory_space<hbm>>
          %dma_wait3A_238 = tpu.memref_squeeze %dma_wait3A : memref<1x16x1536xf32, #tpu.memory_space<hbm>> -> memref<16x1536xf32, #tpu.memory_space<hbm>>
          %dma_wait3A_239 = arith.constant 0 : i32
          %dma_wait3A_240 = arith.constant 0 : i32
          %dma_wait3A_241 = tpu.memref_slice %arg10[%dma_wait3A_239, %run_scoped3A, %dma_wait3A_240] : memref<16x9x1536xf32, #tpu.memory_space<vmem_shared>> -> memref<16x1x1536xf32, #tpu.memory_space<vmem_shared>>
          %dma_wait3A_242 = tpu.memref_squeeze %dma_wait3A_241 : memref<16x1x1536xf32, #tpu.memory_space<vmem_shared>> -> memref<16x1536xf32, #tpu.memory_space<vmem_shared>>
          tpu.wait_dma2 semaphore(%run_scoped3A_232 : memref<!tpu.dma_semaphore, #tpu.memory_space<semaphore_mem>>) src(%dma_wait3A_242 : memref<16x1536xf32, #tpu.memory_space<vmem_shared>>) dst(%dma_wait3A_238 : memref<16x1536xf32, #tpu.memory_space<hbm>>)
          tpu.yield
        }) : () -> ()
      } else {
      }
      %eq3A_211 = arith.constant 5 : i32
      %eq3A_212 = arith.cmpi eq, %arg1, %eq3A_211 : i32
      %convert_element_type3A_213 = arith.extui %eq3A_212 : i1 to i32
      %cond3A_214 = arith.constant 0 : i32
      %cond3A_215 = arith.cmpi ne, %convert_element_type3A_213, %cond3A_214 : i32
      scf.if %cond3A_215 {
        %run_scoped3A = arith.constant 5 : i32
        %run_scoped3A_231 = arith.constant 5 : i32
        "tpu.region"() ({
          %run_scoped3A_232 = tpu.sem_alloc : memref<!tpu.dma_semaphore, #tpu.memory_space<semaphore_mem>>
          %dma_start3A = tpu.memref_slice %arg4[%run_scoped3A_231, %mul3A_0, %multiple_of3A] : memref<9x32x50000xf32, #tpu.memory_space<hbm>> -> memref<1x16x1536xf32, #tpu.memory_space<hbm>>
          %dma_start3A_233 = tpu.memref_squeeze %dma_start3A : memref<1x16x1536xf32, #tpu.memory_space<hbm>> -> memref<16x1536xf32, #tpu.memory_space<hbm>>
          %dma_start3A_234 = arith.constant 0 : i32
          %dma_start3A_235 = arith.constant 0 : i32
          %dma_start3A_236 = tpu.memref_slice %arg10[%dma_start3A_234, %run_scoped3A, %dma_start3A_235] : memref<16x9x1536xf32, #tpu.memory_space<vmem_shared>> -> memref<16x1x1536xf32, #tpu.memory_space<vmem_shared>>
          %dma_start3A_237 = tpu.memref_squeeze %dma_start3A_236 : memref<16x1x1536xf32, #tpu.memory_space<vmem_shared>> -> memref<16x1536xf32, #tpu.memory_space<vmem_shared>>
          tpu.enqueue_dma source(%dma_start3A_237 : memref<16x1536xf32, #tpu.memory_space<vmem_shared>>) target(%dma_start3A_233 : memref<16x1536xf32, #tpu.memory_space<hbm>>) target_semaphore(%run_scoped3A_232 : memref<!tpu.dma_semaphore, #tpu.memory_space<semaphore_mem>>)
          %dma_wait3A = tpu.memref_slice %arg4[%run_scoped3A_231, %mul3A_0, %multiple_of3A] : memref<9x32x50000xf32, #tpu.memory_space<hbm>> -> memref<1x16x1536xf32, #tpu.memory_space<hbm>>
          %dma_wait3A_238 = tpu.memref_squeeze %dma_wait3A : memref<1x16x1536xf32, #tpu.memory_space<hbm>> -> memref<16x1536xf32, #tpu.memory_space<hbm>>
          %dma_wait3A_239 = arith.constant 0 : i32
          %dma_wait3A_240 = arith.constant 0 : i32
          %dma_wait3A_241 = tpu.memref_slice %arg10[%dma_wait3A_239, %run_scoped3A, %dma_wait3A_240] : memref<16x9x1536xf32, #tpu.memory_space<vmem_shared>> -> memref<16x1x1536xf32, #tpu.memory_space<vmem_shared>>
          %dma_wait3A_242 = tpu.memref_squeeze %dma_wait3A_241 : memref<16x1x1536xf32, #tpu.memory_space<vmem_shared>> -> memref<16x1536xf32, #tpu.memory_space<vmem_shared>>
          tpu.wait_dma2 semaphore(%run_scoped3A_232 : memref<!tpu.dma_semaphore, #tpu.memory_space<semaphore_mem>>) src(%dma_wait3A_242 : memref<16x1536xf32, #tpu.memory_space<vmem_shared>>) dst(%dma_wait3A_238 : memref<16x1536xf32, #tpu.memory_space<hbm>>)
          tpu.yield
        }) : () -> ()
      } else {
      }
      %eq3A_216 = arith.constant 6 : i32
      %eq3A_217 = arith.cmpi eq, %arg1, %eq3A_216 : i32
      %convert_element_type3A_218 = arith.extui %eq3A_217 : i1 to i32
      %cond3A_219 = arith.constant 0 : i32
      %cond3A_220 = arith.cmpi ne, %convert_element_type3A_218, %cond3A_219 : i32
      scf.if %cond3A_220 {
        %run_scoped3A = arith.constant 6 : i32
        %run_scoped3A_231 = arith.constant 6 : i32
        "tpu.region"() ({
          %run_scoped3A_232 = tpu.sem_alloc : memref<!tpu.dma_semaphore, #tpu.memory_space<semaphore_mem>>
          %dma_start3A = tpu.memref_slice %arg4[%run_scoped3A_231, %mul3A_0, %multiple_of3A] : memref<9x32x50000xf32, #tpu.memory_space<hbm>> -> memref<1x16x1536xf32, #tpu.memory_space<hbm>>
          %dma_start3A_233 = tpu.memref_squeeze %dma_start3A : memref<1x16x1536xf32, #tpu.memory_space<hbm>> -> memref<16x1536xf32, #tpu.memory_space<hbm>>
          %dma_start3A_234 = arith.constant 0 : i32
          %dma_start3A_235 = arith.constant 0 : i32
          %dma_start3A_236 = tpu.memref_slice %arg10[%dma_start3A_234, %run_scoped3A, %dma_start3A_235] : memref<16x9x1536xf32, #tpu.memory_space<vmem_shared>> -> memref<16x1x1536xf32, #tpu.memory_space<vmem_shared>>
          %dma_start3A_237 = tpu.memref_squeeze %dma_start3A_236 : memref<16x1x1536xf32, #tpu.memory_space<vmem_shared>> -> memref<16x1536xf32, #tpu.memory_space<vmem_shared>>
          tpu.enqueue_dma source(%dma_start3A_237 : memref<16x1536xf32, #tpu.memory_space<vmem_shared>>) target(%dma_start3A_233 : memref<16x1536xf32, #tpu.memory_space<hbm>>) target_semaphore(%run_scoped3A_232 : memref<!tpu.dma_semaphore, #tpu.memory_space<semaphore_mem>>)
          %dma_wait3A = tpu.memref_slice %arg4[%run_scoped3A_231, %mul3A_0, %multiple_of3A] : memref<9x32x50000xf32, #tpu.memory_space<hbm>> -> memref<1x16x1536xf32, #tpu.memory_space<hbm>>
          %dma_wait3A_238 = tpu.memref_squeeze %dma_wait3A : memref<1x16x1536xf32, #tpu.memory_space<hbm>> -> memref<16x1536xf32, #tpu.memory_space<hbm>>
          %dma_wait3A_239 = arith.constant 0 : i32
          %dma_wait3A_240 = arith.constant 0 : i32
          %dma_wait3A_241 = tpu.memref_slice %arg10[%dma_wait3A_239, %run_scoped3A, %dma_wait3A_240] : memref<16x9x1536xf32, #tpu.memory_space<vmem_shared>> -> memref<16x1x1536xf32, #tpu.memory_space<vmem_shared>>
          %dma_wait3A_242 = tpu.memref_squeeze %dma_wait3A_241 : memref<16x1x1536xf32, #tpu.memory_space<vmem_shared>> -> memref<16x1536xf32, #tpu.memory_space<vmem_shared>>
          tpu.wait_dma2 semaphore(%run_scoped3A_232 : memref<!tpu.dma_semaphore, #tpu.memory_space<semaphore_mem>>) src(%dma_wait3A_242 : memref<16x1536xf32, #tpu.memory_space<vmem_shared>>) dst(%dma_wait3A_238 : memref<16x1536xf32, #tpu.memory_space<hbm>>)
          tpu.yield
        }) : () -> ()
      } else {
      }
      %eq3A_221 = arith.constant 7 : i32
      %eq3A_222 = arith.cmpi eq, %arg1, %eq3A_221 : i32
      %convert_element_type3A_223 = arith.extui %eq3A_222 : i1 to i32
      %cond3A_224 = arith.constant 0 : i32
      %cond3A_225 = arith.cmpi ne, %convert_element_type3A_223, %cond3A_224 : i32
      scf.if %cond3A_225 {
        %run_scoped3A = arith.constant 7 : i32
        %run_scoped3A_231 = arith.constant 7 : i32
        "tpu.region"() ({
          %run_scoped3A_232 = tpu.sem_alloc : memref<!tpu.dma_semaphore, #tpu.memory_space<semaphore_mem>>
          %dma_start3A = tpu.memref_slice %arg4[%run_scoped3A_231, %mul3A_0, %multiple_of3A] : memref<9x32x50000xf32, #tpu.memory_space<hbm>> -> memref<1x16x1536xf32, #tpu.memory_space<hbm>>
          %dma_start3A_233 = tpu.memref_squeeze %dma_start3A : memref<1x16x1536xf32, #tpu.memory_space<hbm>> -> memref<16x1536xf32, #tpu.memory_space<hbm>>
          %dma_start3A_234 = arith.constant 0 : i32
          %dma_start3A_235 = arith.constant 0 : i32
          %dma_start3A_236 = tpu.memref_slice %arg10[%dma_start3A_234, %run_scoped3A, %dma_start3A_235] : memref<16x9x1536xf32, #tpu.memory_space<vmem_shared>> -> memref<16x1x1536xf32, #tpu.memory_space<vmem_shared>>
          %dma_start3A_237 = tpu.memref_squeeze %dma_start3A_236 : memref<16x1x1536xf32, #tpu.memory_space<vmem_shared>> -> memref<16x1536xf32, #tpu.memory_space<vmem_shared>>
          tpu.enqueue_dma source(%dma_start3A_237 : memref<16x1536xf32, #tpu.memory_space<vmem_shared>>) target(%dma_start3A_233 : memref<16x1536xf32, #tpu.memory_space<hbm>>) target_semaphore(%run_scoped3A_232 : memref<!tpu.dma_semaphore, #tpu.memory_space<semaphore_mem>>)
          %dma_wait3A = tpu.memref_slice %arg4[%run_scoped3A_231, %mul3A_0, %multiple_of3A] : memref<9x32x50000xf32, #tpu.memory_space<hbm>> -> memref<1x16x1536xf32, #tpu.memory_space<hbm>>
          %dma_wait3A_238 = tpu.memref_squeeze %dma_wait3A : memref<1x16x1536xf32, #tpu.memory_space<hbm>> -> memref<16x1536xf32, #tpu.memory_space<hbm>>
          %dma_wait3A_239 = arith.constant 0 : i32
          %dma_wait3A_240 = arith.constant 0 : i32
          %dma_wait3A_241 = tpu.memref_slice %arg10[%dma_wait3A_239, %run_scoped3A, %dma_wait3A_240] : memref<16x9x1536xf32, #tpu.memory_space<vmem_shared>> -> memref<16x1x1536xf32, #tpu.memory_space<vmem_shared>>
          %dma_wait3A_242 = tpu.memref_squeeze %dma_wait3A_241 : memref<16x1x1536xf32, #tpu.memory_space<vmem_shared>> -> memref<16x1536xf32, #tpu.memory_space<vmem_shared>>
          tpu.wait_dma2 semaphore(%run_scoped3A_232 : memref<!tpu.dma_semaphore, #tpu.memory_space<semaphore_mem>>) src(%dma_wait3A_242 : memref<16x1536xf32, #tpu.memory_space<vmem_shared>>) dst(%dma_wait3A_238 : memref<16x1536xf32, #tpu.memory_space<hbm>>)
          tpu.yield
        }) : () -> ()
      } else {
      }
      %eq3A_226 = arith.constant 8 : i32
      %eq3A_227 = arith.cmpi eq, %arg1, %eq3A_226 : i32
      %convert_element_type3A_228 = arith.extui %eq3A_227 : i1 to i32
      %cond3A_229 = arith.constant 0 : i32
      %cond3A_230 = arith.cmpi ne, %convert_element_type3A_228, %cond3A_229 : i32
      scf.if %cond3A_230 {
        %run_scoped3A = arith.constant 8 : i32
        %run_scoped3A_231 = arith.constant 8 : i32
        "tpu.region"() ({
          %run_scoped3A_232 = tpu.sem_alloc : memref<!tpu.dma_semaphore, #tpu.memory_space<semaphore_mem>>
          %dma_start3A = tpu.memref_slice %arg4[%run_scoped3A_231, %mul3A_0, %multiple_of3A] : memref<9x32x50000xf32, #tpu.memory_space<hbm>> -> memref<1x16x1536xf32, #tpu.memory_space<hbm>>
          %dma_start3A_233 = tpu.memref_squeeze %dma_start3A : memref<1x16x1536xf32, #tpu.memory_space<hbm>> -> memref<16x1536xf32, #tpu.memory_space<hbm>>
          %dma_start3A_234 = arith.constant 0 : i32
          %dma_start3A_235 = arith.constant 0 : i32
          %dma_start3A_236 = tpu.memref_slice %arg10[%dma_start3A_234, %run_scoped3A, %dma_start3A_235] : memref<16x9x1536xf32, #tpu.memory_space<vmem_shared>> -> memref<16x1x1536xf32, #tpu.memory_space<vmem_shared>>
          %dma_start3A_237 = tpu.memref_squeeze %dma_start3A_236 : memref<16x1x1536xf32, #tpu.memory_space<vmem_shared>> -> memref<16x1536xf32, #tpu.memory_space<vmem_shared>>
          tpu.enqueue_dma source(%dma_start3A_237 : memref<16x1536xf32, #tpu.memory_space<vmem_shared>>) target(%dma_start3A_233 : memref<16x1536xf32, #tpu.memory_space<hbm>>) target_semaphore(%run_scoped3A_232 : memref<!tpu.dma_semaphore, #tpu.memory_space<semaphore_mem>>)
          %dma_wait3A = tpu.memref_slice %arg4[%run_scoped3A_231, %mul3A_0, %multiple_of3A] : memref<9x32x50000xf32, #tpu.memory_space<hbm>> -> memref<1x16x1536xf32, #tpu.memory_space<hbm>>
          %dma_wait3A_238 = tpu.memref_squeeze %dma_wait3A : memref<1x16x1536xf32, #tpu.memory_space<hbm>> -> memref<16x1536xf32, #tpu.memory_space<hbm>>
          %dma_wait3A_239 = arith.constant 0 : i32
          %dma_wait3A_240 = arith.constant 0 : i32
          %dma_wait3A_241 = tpu.memref_slice %arg10[%dma_wait3A_239, %run_scoped3A, %dma_wait3A_240] : memref<16x9x1536xf32, #tpu.memory_space<vmem_shared>> -> memref<16x1x1536xf32, #tpu.memory_space<vmem_shared>>
          %dma_wait3A_242 = tpu.memref_squeeze %dma_wait3A_241 : memref<16x1x1536xf32, #tpu.memory_space<vmem_shared>> -> memref<16x1536xf32, #tpu.memory_space<vmem_shared>>
          tpu.wait_dma2 semaphore(%run_scoped3A_232 : memref<!tpu.dma_semaphore, #tpu.memory_space<semaphore_mem>>) src(%dma_wait3A_242 : memref<16x1536xf32, #tpu.memory_space<vmem_shared>>) dst(%dma_wait3A_238 : memref<16x1536xf32, #tpu.memory_space<hbm>>)
          tpu.yield
        }) : () -> ()
      } else {
      }
    }
    %scan3A_98 = arith.constant 32 : i32
    %eq3A_99 = arith.constant 0 : i32
    %eq3A_100 = arith.cmpi eq, %arg1, %eq3A_99 : i32
    %convert_element_type3A_101 = arith.extui %eq3A_100 : i1 to i32
    %cond3A_102 = arith.constant 0 : i32
    %cond3A_103 = arith.cmpi ne, %convert_element_type3A_101, %cond3A_102 : i32
    scf.if %cond3A_103 {
      %run_scoped3A = arith.constant 0 : i32
      %run_scoped3A_163 = arith.constant 0 : i32
      "tpu.region"() ({
        %run_scoped3A_164 = tpu.sem_alloc : memref<!tpu.dma_semaphore, #tpu.memory_space<semaphore_mem>>
        %dma_start3A = arith.constant 0 : i32
        %dma_start3A_165 = arith.constant 0 : i32
        %dma_start3A_166 = tpu.memref_slice %arg9[%dma_start3A, %run_scoped3A_163, %dma_start3A_165] : memref<16x3x1536xi32, #tpu.memory_space<vmem_shared>> -> memref<16x1x848xi32, #tpu.memory_space<vmem_shared>>
        %dma_start3A_167 = tpu.memref_squeeze %dma_start3A_166 : memref<16x1x848xi32, #tpu.memory_space<vmem_shared>> -> memref<16x848xi32, #tpu.memory_space<vmem_shared>>
        %dma_start3A_168 = arith.constant 49152 : i32
        %dma_start3A_169 = tpu.memref_slice %arg3[%run_scoped3A, %mul3A_0, %dma_start3A_168] : memref<3x32x50000xi32, #tpu.memory_space<hbm>> -> memref<1x16x848xi32, #tpu.memory_space<hbm>>
        %dma_start3A_170 = tpu.memref_squeeze %dma_start3A_169 : memref<1x16x848xi32, #tpu.memory_space<hbm>> -> memref<16x848xi32, #tpu.memory_space<hbm>>
        tpu.enqueue_dma source(%dma_start3A_170 : memref<16x848xi32, #tpu.memory_space<hbm>>) target(%dma_start3A_167 : memref<16x848xi32, #tpu.memory_space<vmem_shared>>) target_semaphore(%run_scoped3A_164 : memref<!tpu.dma_semaphore, #tpu.memory_space<semaphore_mem>>)
        %dma_wait3A = arith.constant 0 : i32
        %dma_wait3A_171 = arith.constant 0 : i32
        %dma_wait3A_172 = tpu.memref_slice %arg9[%dma_wait3A, %run_scoped3A_163, %dma_wait3A_171] : memref<16x3x1536xi32, #tpu.memory_space<vmem_shared>> -> memref<16x1x848xi32, #tpu.memory_space<vmem_shared>>
        %dma_wait3A_173 = tpu.memref_squeeze %dma_wait3A_172 : memref<16x1x848xi32, #tpu.memory_space<vmem_shared>> -> memref<16x848xi32, #tpu.memory_space<vmem_shared>>
        %dma_wait3A_174 = arith.constant 49152 : i32
        %dma_wait3A_175 = tpu.memref_slice %arg3[%run_scoped3A, %mul3A_0, %dma_wait3A_174] : memref<3x32x50000xi32, #tpu.memory_space<hbm>> -> memref<1x16x848xi32, #tpu.memory_space<hbm>>
        %dma_wait3A_176 = tpu.memref_squeeze %dma_wait3A_175 : memref<1x16x848xi32, #tpu.memory_space<hbm>> -> memref<16x848xi32, #tpu.memory_space<hbm>>
        tpu.wait_dma2 semaphore(%run_scoped3A_164 : memref<!tpu.dma_semaphore, #tpu.memory_space<semaphore_mem>>) src(%dma_wait3A_176 : memref<16x848xi32, #tpu.memory_space<hbm>>) dst(%dma_wait3A_173 : memref<16x848xi32, #tpu.memory_space<vmem_shared>>)
        tpu.yield
      }) : () -> ()
    } else {
    }
    %eq3A_104 = arith.constant 1 : i32
    %eq3A_105 = arith.cmpi eq, %arg1, %eq3A_104 : i32
    %convert_element_type3A_106 = arith.extui %eq3A_105 : i1 to i32
    %cond3A_107 = arith.constant 0 : i32
    %cond3A_108 = arith.cmpi ne, %convert_element_type3A_106, %cond3A_107 : i32
    scf.if %cond3A_108 {
      %run_scoped3A = arith.constant 1 : i32
      %run_scoped3A_163 = arith.constant 1 : i32
      "tpu.region"() ({
        %run_scoped3A_164 = tpu.sem_alloc : memref<!tpu.dma_semaphore, #tpu.memory_space<semaphore_mem>>
        %dma_start3A = arith.constant 0 : i32
        %dma_start3A_165 = arith.constant 0 : i32
        %dma_start3A_166 = tpu.memref_slice %arg9[%dma_start3A, %run_scoped3A_163, %dma_start3A_165] : memref<16x3x1536xi32, #tpu.memory_space<vmem_shared>> -> memref<16x1x848xi32, #tpu.memory_space<vmem_shared>>
        %dma_start3A_167 = tpu.memref_squeeze %dma_start3A_166 : memref<16x1x848xi32, #tpu.memory_space<vmem_shared>> -> memref<16x848xi32, #tpu.memory_space<vmem_shared>>
        %dma_start3A_168 = arith.constant 49152 : i32
        %dma_start3A_169 = tpu.memref_slice %arg3[%run_scoped3A, %mul3A_0, %dma_start3A_168] : memref<3x32x50000xi32, #tpu.memory_space<hbm>> -> memref<1x16x848xi32, #tpu.memory_space<hbm>>
        %dma_start3A_170 = tpu.memref_squeeze %dma_start3A_169 : memref<1x16x848xi32, #tpu.memory_space<hbm>> -> memref<16x848xi32, #tpu.memory_space<hbm>>
        tpu.enqueue_dma source(%dma_start3A_170 : memref<16x848xi32, #tpu.memory_space<hbm>>) target(%dma_start3A_167 : memref<16x848xi32, #tpu.memory_space<vmem_shared>>) target_semaphore(%run_scoped3A_164 : memref<!tpu.dma_semaphore, #tpu.memory_space<semaphore_mem>>)
        %dma_wait3A = arith.constant 0 : i32
        %dma_wait3A_171 = arith.constant 0 : i32
        %dma_wait3A_172 = tpu.memref_slice %arg9[%dma_wait3A, %run_scoped3A_163, %dma_wait3A_171] : memref<16x3x1536xi32, #tpu.memory_space<vmem_shared>> -> memref<16x1x848xi32, #tpu.memory_space<vmem_shared>>
        %dma_wait3A_173 = tpu.memref_squeeze %dma_wait3A_172 : memref<16x1x848xi32, #tpu.memory_space<vmem_shared>> -> memref<16x848xi32, #tpu.memory_space<vmem_shared>>
        %dma_wait3A_174 = arith.constant 49152 : i32
        %dma_wait3A_175 = tpu.memref_slice %arg3[%run_scoped3A, %mul3A_0, %dma_wait3A_174] : memref<3x32x50000xi32, #tpu.memory_space<hbm>> -> memref<1x16x848xi32, #tpu.memory_space<hbm>>
        %dma_wait3A_176 = tpu.memref_squeeze %dma_wait3A_175 : memref<1x16x848xi32, #tpu.memory_space<hbm>> -> memref<16x848xi32, #tpu.memory_space<hbm>>
        tpu.wait_dma2 semaphore(%run_scoped3A_164 : memref<!tpu.dma_semaphore, #tpu.memory_space<semaphore_mem>>) src(%dma_wait3A_176 : memref<16x848xi32, #tpu.memory_space<hbm>>) dst(%dma_wait3A_173 : memref<16x848xi32, #tpu.memory_space<vmem_shared>>)
        tpu.yield
      }) : () -> ()
    } else {
    }
    %eq3A_109 = arith.constant 2 : i32
    %eq3A_110 = arith.cmpi eq, %arg1, %eq3A_109 : i32
    %convert_element_type3A_111 = arith.extui %eq3A_110 : i1 to i32
    %cond3A_112 = arith.constant 0 : i32
    %cond3A_113 = arith.cmpi ne, %convert_element_type3A_111, %cond3A_112 : i32
    scf.if %cond3A_113 {
      %run_scoped3A = arith.constant 2 : i32
      %run_scoped3A_163 = arith.constant 2 : i32
      "tpu.region"() ({
        %run_scoped3A_164 = tpu.sem_alloc : memref<!tpu.dma_semaphore, #tpu.memory_space<semaphore_mem>>
        %dma_start3A = arith.constant 0 : i32
        %dma_start3A_165 = arith.constant 0 : i32
        %dma_start3A_166 = tpu.memref_slice %arg9[%dma_start3A, %run_scoped3A_163, %dma_start3A_165] : memref<16x3x1536xi32, #tpu.memory_space<vmem_shared>> -> memref<16x1x848xi32, #tpu.memory_space<vmem_shared>>
        %dma_start3A_167 = tpu.memref_squeeze %dma_start3A_166 : memref<16x1x848xi32, #tpu.memory_space<vmem_shared>> -> memref<16x848xi32, #tpu.memory_space<vmem_shared>>
        %dma_start3A_168 = arith.constant 49152 : i32
        %dma_start3A_169 = tpu.memref_slice %arg3[%run_scoped3A, %mul3A_0, %dma_start3A_168] : memref<3x32x50000xi32, #tpu.memory_space<hbm>> -> memref<1x16x848xi32, #tpu.memory_space<hbm>>
        %dma_start3A_170 = tpu.memref_squeeze %dma_start3A_169 : memref<1x16x848xi32, #tpu.memory_space<hbm>> -> memref<16x848xi32, #tpu.memory_space<hbm>>
        tpu.enqueue_dma source(%dma_start3A_170 : memref<16x848xi32, #tpu.memory_space<hbm>>) target(%dma_start3A_167 : memref<16x848xi32, #tpu.memory_space<vmem_shared>>) target_semaphore(%run_scoped3A_164 : memref<!tpu.dma_semaphore, #tpu.memory_space<semaphore_mem>>)
        %dma_wait3A = arith.constant 0 : i32
        %dma_wait3A_171 = arith.constant 0 : i32
        %dma_wait3A_172 = tpu.memref_slice %arg9[%dma_wait3A, %run_scoped3A_163, %dma_wait3A_171] : memref<16x3x1536xi32, #tpu.memory_space<vmem_shared>> -> memref<16x1x848xi32, #tpu.memory_space<vmem_shared>>
        %dma_wait3A_173 = tpu.memref_squeeze %dma_wait3A_172 : memref<16x1x848xi32, #tpu.memory_space<vmem_shared>> -> memref<16x848xi32, #tpu.memory_space<vmem_shared>>
        %dma_wait3A_174 = arith.constant 49152 : i32
        %dma_wait3A_175 = tpu.memref_slice %arg3[%run_scoped3A, %mul3A_0, %dma_wait3A_174] : memref<3x32x50000xi32, #tpu.memory_space<hbm>> -> memref<1x16x848xi32, #tpu.memory_space<hbm>>
        %dma_wait3A_176 = tpu.memref_squeeze %dma_wait3A_175 : memref<1x16x848xi32, #tpu.memory_space<hbm>> -> memref<16x848xi32, #tpu.memory_space<hbm>>
        tpu.wait_dma2 semaphore(%run_scoped3A_164 : memref<!tpu.dma_semaphore, #tpu.memory_space<semaphore_mem>>) src(%dma_wait3A_176 : memref<16x848xi32, #tpu.memory_space<hbm>>) dst(%dma_wait3A_173 : memref<16x848xi32, #tpu.memory_space<vmem_shared>>)
        tpu.yield
      }) : () -> ()
    } else {
    }
    %barrier3A_114 = arith.constant 0 : index
    tpu.barrier barrier_id(%barrier3A_114)
    "tpu.region"() ({
      %run_scoped3A = tpu.sem_alloc : memref<!tpu.dma_semaphore, #tpu.memory_space<semaphore_mem>>
      %dma_start3A = arith.constant 0 : i32
      %dma_start3A_163 = arith.constant 0 : i32
      %dma_start3A_164 = tpu.memref_slice %arg6[%dma_start3A, %dma_start3A_163] : memref<3x1536xi32, #tpu.memory_space<vmem>> -> memref<3x848xi32, #tpu.memory_space<vmem>>
      %dma_start3A_165 = arith.constant 0 : i32
      %dma_start3A_166 = arith.constant 0 : i32
      %dma_start3A_167 = tpu.memref_slice %arg9[%arg1, %dma_start3A_165, %dma_start3A_166] : memref<16x3x1536xi32, #tpu.memory_space<vmem_shared>> -> memref<1x3x848xi32, #tpu.memory_space<vmem_shared>>
      %dma_start3A_168 = tpu.memref_squeeze %dma_start3A_167 : memref<1x3x848xi32, #tpu.memory_space<vmem_shared>> -> memref<3x848xi32, #tpu.memory_space<vmem_shared>>
      %dma_start3A_169 = arith.constant 0 : i32
      %dma_start3A_170 = arith.constant 0 : i32
      %dma_start3A_171 = tpu.memref_slice %arg6[%dma_start3A_169, %dma_start3A_170] : memref<3x1536xi32, #tpu.memory_space<vmem>> -> memref<3x848xi32, #tpu.memory_space<vmem>>
      %dma_start3A_172 = arith.constant 0 : i32
      %dma_start3A_173 = arith.constant 0 : i32
      %dma_start3A_174 = tpu.memref_slice %arg9[%arg1, %dma_start3A_172, %dma_start3A_173] : memref<16x3x1536xi32, #tpu.memory_space<vmem_shared>> -> memref<1x3x848xi32, #tpu.memory_space<vmem_shared>>
      %dma_start3A_175 = tpu.memref_squeeze %dma_start3A_174 : memref<1x3x848xi32, #tpu.memory_space<vmem_shared>> -> memref<3x848xi32, #tpu.memory_space<vmem_shared>>
      tpu.enqueue_dma source(%dma_start3A_175 : memref<3x848xi32, #tpu.memory_space<vmem_shared>>) target(%dma_start3A_171 : memref<3x848xi32, #tpu.memory_space<vmem>>) target_semaphore(%run_scoped3A : memref<!tpu.dma_semaphore, #tpu.memory_space<semaphore_mem>>)
      %dma_wait3A = arith.constant 0 : i32
      %dma_wait3A_176 = arith.constant 0 : i32
      %dma_wait3A_177 = tpu.memref_slice %arg6[%dma_wait3A, %dma_wait3A_176] : memref<3x1536xi32, #tpu.memory_space<vmem>> -> memref<3x848xi32, #tpu.memory_space<vmem>>
      %dma_wait3A_178 = arith.constant 0 : i32
      %dma_wait3A_179 = arith.constant 0 : i32
      %dma_wait3A_180 = tpu.memref_slice %arg9[%arg1, %dma_wait3A_178, %dma_wait3A_179] : memref<16x3x1536xi32, #tpu.memory_space<vmem_shared>> -> memref<1x3x848xi32, #tpu.memory_space<vmem_shared>>
      %dma_wait3A_181 = tpu.memref_squeeze %dma_wait3A_180 : memref<1x3x848xi32, #tpu.memory_space<vmem_shared>> -> memref<3x848xi32, #tpu.memory_space<vmem_shared>>
      %dma_wait3A_182 = arith.constant 0 : i32
      %dma_wait3A_183 = arith.constant 0 : i32
      %dma_wait3A_184 = tpu.memref_slice %arg6[%dma_wait3A_182, %dma_wait3A_183] : memref<3x1536xi32, #tpu.memory_space<vmem>> -> memref<3x848xi32, #tpu.memory_space<vmem>>
      %dma_wait3A_185 = arith.constant 0 : i32
      %dma_wait3A_186 = arith.constant 0 : i32
      %dma_wait3A_187 = tpu.memref_slice %arg9[%arg1, %dma_wait3A_185, %dma_wait3A_186] : memref<16x3x1536xi32, #tpu.memory_space<vmem_shared>> -> memref<1x3x848xi32, #tpu.memory_space<vmem_shared>>
      %dma_wait3A_188 = tpu.memref_squeeze %dma_wait3A_187 : memref<1x3x848xi32, #tpu.memory_space<vmem_shared>> -> memref<3x848xi32, #tpu.memory_space<vmem_shared>>
      tpu.wait_dma2 semaphore(%run_scoped3A : memref<!tpu.dma_semaphore, #tpu.memory_space<semaphore_mem>>) src(%dma_wait3A_188 : memref<3x848xi32, #tpu.memory_space<vmem_shared>>) dst(%dma_wait3A_184 : memref<3x848xi32, #tpu.memory_space<vmem>>)
      tpu.yield
    }) : () -> ()
    %parallel_loop3A = arith.constant 0 : i32
    %parallel_loop3A_115 = arith.constant 53 : i32
    %parallel_loop3A_116 = arith.constant 1 : i32
    scf.for %parallel_loop3A_163 = %parallel_loop3A to %parallel_loop3A_115 step %parallel_loop3A_116  : i32 {
      %parallel_loop3A_164 = arith.constant 16 : i32
      %parallel_loop3A_165 = arith.muli %parallel_loop3A_163, %parallel_loop3A_164 : i32
      %parallel_loop3A_166 = arith.constant 0 : i32
      %parallel_loop3A_167 = arith.index_cast %parallel_loop3A_166 : i32 to index
      %parallel_loop3A_168 = arith.index_cast %parallel_loop3A_165 : i32 to index
      %parallel_loop3A_169 = tpu.vector_load %arg6[%parallel_loop3A_167, %parallel_loop3A_168] {strides = array<i32>} : memref<3x1536xi32, #tpu.memory_space<vmem>>, vector<16xi32>,
      %parallel_loop3A_170 = arith.constant 0 : i32
      %parallel_loop3A_171 = vector.broadcast %parallel_loop3A_170 : i32 to vector<16xi32>
      %parallel_loop3A_172 = tpu.vector_load_idx %arg5[%parallel_loop3A_171, %parallel_loop3A_169] : memref<3x25000xf32, #tpu.memory_space<vmem>>[vector<16xi32>, vector<16xi32>], vector<16xf32>,
      %parallel_loop3A_173 = arith.constant 16 : i32
      %parallel_loop3A_174 = arith.muli %parallel_loop3A_163, %parallel_loop3A_173 : i32
      %parallel_loop3A_175 = arith.constant 0 : i32
      %parallel_loop3A_176 = arith.index_cast %parallel_loop3A_175 : i32 to index
      %parallel_loop3A_177 = arith.index_cast %parallel_loop3A_174 : i32 to index
      %parallel_loop3A_178 = tpu.vector_load %arg7[%parallel_loop3A_176, %parallel_loop3A_177] {strides = array<i32>} : memref<9x1536xf32, #tpu.memory_space<vmem>>, vector<16xf32>,
      tpu.vector_store %arg7[%parallel_loop3A_176, %parallel_loop3A_177], %parallel_loop3A_172 {strides = array<i32>} : memref<9x1536xf32, #tpu.memory_space<vmem>>, vector<16xf32>,
      %parallel_loop3A_179 = arith.constant 1 : i32
      %parallel_loop3A_180 = vector.broadcast %parallel_loop3A_179 : i32 to vector<16xi32>
      %parallel_loop3A_181 = tpu.vector_load_idx %arg5[%parallel_loop3A_180, %parallel_loop3A_169] : memref<3x25000xf32, #tpu.memory_space<vmem>>[vector<16xi32>, vector<16xi32>], vector<16xf32>,
      %parallel_loop3A_182 = arith.constant 16 : i32
      %parallel_loop3A_183 = arith.muli %parallel_loop3A_163, %parallel_loop3A_182 : i32
      %parallel_loop3A_184 = arith.constant 1 : i32
      %parallel_loop3A_185 = arith.index_cast %parallel_loop3A_184 : i32 to index
      %parallel_loop3A_186 = arith.index_cast %parallel_loop3A_183 : i32 to index
      %parallel_loop3A_187 = tpu.vector_load %arg7[%parallel_loop3A_185, %parallel_loop3A_186] {strides = array<i32>} : memref<9x1536xf32, #tpu.memory_space<vmem>>, vector<16xf32>,
      tpu.vector_store %arg7[%parallel_loop3A_185, %parallel_loop3A_186], %parallel_loop3A_181 {strides = array<i32>} : memref<9x1536xf32, #tpu.memory_space<vmem>>, vector<16xf32>,
      %parallel_loop3A_188 = arith.constant 2 : i32
      %parallel_loop3A_189 = vector.broadcast %parallel_loop3A_188 : i32 to vector<16xi32>
      %parallel_loop3A_190 = tpu.vector_load_idx %arg5[%parallel_loop3A_189, %parallel_loop3A_169] : memref<3x25000xf32, #tpu.memory_space<vmem>>[vector<16xi32>, vector<16xi32>], vector<16xf32>,
      %parallel_loop3A_191 = arith.constant 16 : i32
      %parallel_loop3A_192 = arith.muli %parallel_loop3A_163, %parallel_loop3A_191 : i32
      %parallel_loop3A_193 = arith.constant 2 : i32
      %parallel_loop3A_194 = arith.index_cast %parallel_loop3A_193 : i32 to index
      %parallel_loop3A_195 = arith.index_cast %parallel_loop3A_192 : i32 to index
      %parallel_loop3A_196 = tpu.vector_load %arg7[%parallel_loop3A_194, %parallel_loop3A_195] {strides = array<i32>} : memref<9x1536xf32, #tpu.memory_space<vmem>>, vector<16xf32>,
      tpu.vector_store %arg7[%parallel_loop3A_194, %parallel_loop3A_195], %parallel_loop3A_190 {strides = array<i32>} : memref<9x1536xf32, #tpu.memory_space<vmem>>, vector<16xf32>,
      %parallel_loop3A_197 = arith.constant 16 : i32
      %parallel_loop3A_198 = arith.muli %parallel_loop3A_163, %parallel_loop3A_197 : i32
      %parallel_loop3A_199 = arith.constant 1 : i32
      %parallel_loop3A_200 = arith.index_cast %parallel_loop3A_199 : i32 to index
      %parallel_loop3A_201 = arith.index_cast %parallel_loop3A_198 : i32 to index
      %parallel_loop3A_202 = tpu.vector_load %arg6[%parallel_loop3A_200, %parallel_loop3A_201] {strides = array<i32>} : memref<3x1536xi32, #tpu.memory_space<vmem>>, vector<16xi32>,
      %parallel_loop3A_203 = arith.constant 0 : i32
      %parallel_loop3A_204 = vector.broadcast %parallel_loop3A_203 : i32 to vector<16xi32>
      %parallel_loop3A_205 = tpu.vector_load_idx %arg5[%parallel_loop3A_204, %parallel_loop3A_202] : memref<3x25000xf32, #tpu.memory_space<vmem>>[vector<16xi32>, vector<16xi32>], vector<16xf32>,
      %parallel_loop3A_206 = arith.constant 16 : i32
      %parallel_loop3A_207 = arith.muli %parallel_loop3A_163, %parallel_loop3A_206 : i32
      %parallel_loop3A_208 = arith.constant 3 : i32
      %parallel_loop3A_209 = arith.index_cast %parallel_loop3A_208 : i32 to index
      %parallel_loop3A_210 = arith.index_cast %parallel_loop3A_207 : i32 to index
      %parallel_loop3A_211 = tpu.vector_load %arg7[%parallel_loop3A_209, %parallel_loop3A_210] {strides = array<i32>} : memref<9x1536xf32, #tpu.memory_space<vmem>>, vector<16xf32>,
      tpu.vector_store %arg7[%parallel_loop3A_209, %parallel_loop3A_210], %parallel_loop3A_205 {strides = array<i32>} : memref<9x1536xf32, #tpu.memory_space<vmem>>, vector<16xf32>,
      %parallel_loop3A_212 = arith.constant 1 : i32
      %parallel_loop3A_213 = vector.broadcast %parallel_loop3A_212 : i32 to vector<16xi32>
      %parallel_loop3A_214 = tpu.vector_load_idx %arg5[%parallel_loop3A_213, %parallel_loop3A_202] : memref<3x25000xf32, #tpu.memory_space<vmem>>[vector<16xi32>, vector<16xi32>], vector<16xf32>,
      %parallel_loop3A_215 = arith.constant 16 : i32
      %parallel_loop3A_216 = arith.muli %parallel_loop3A_163, %parallel_loop3A_215 : i32
      %parallel_loop3A_217 = arith.constant 4 : i32
      %parallel_loop3A_218 = arith.index_cast %parallel_loop3A_217 : i32 to index
      %parallel_loop3A_219 = arith.index_cast %parallel_loop3A_216 : i32 to index
      %parallel_loop3A_220 = tpu.vector_load %arg7[%parallel_loop3A_218, %parallel_loop3A_219] {strides = array<i32>} : memref<9x1536xf32, #tpu.memory_space<vmem>>, vector<16xf32>,
      tpu.vector_store %arg7[%parallel_loop3A_218, %parallel_loop3A_219], %parallel_loop3A_214 {strides = array<i32>} : memref<9x1536xf32, #tpu.memory_space<vmem>>, vector<16xf32>,
      %parallel_loop3A_221 = arith.constant 2 : i32
      %parallel_loop3A_222 = vector.broadcast %parallel_loop3A_221 : i32 to vector<16xi32>
      %parallel_loop3A_223 = tpu.vector_load_idx %arg5[%parallel_loop3A_222, %parallel_loop3A_202] : memref<3x25000xf32, #tpu.memory_space<vmem>>[vector<16xi32>, vector<16xi32>], vector<16xf32>,
      %parallel_loop3A_224 = arith.constant 16 : i32
      %parallel_loop3A_225 = arith.muli %parallel_loop3A_163, %parallel_loop3A_224 : i32
      %parallel_loop3A_226 = arith.constant 5 : i32
      %parallel_loop3A_227 = arith.index_cast %parallel_loop3A_226 : i32 to index
      %parallel_loop3A_228 = arith.index_cast %parallel_loop3A_225 : i32 to index
      %parallel_loop3A_229 = tpu.vector_load %arg7[%parallel_loop3A_227, %parallel_loop3A_228] {strides = array<i32>} : memref<9x1536xf32, #tpu.memory_space<vmem>>, vector<16xf32>,
      tpu.vector_store %arg7[%parallel_loop3A_227, %parallel_loop3A_228], %parallel_loop3A_223 {strides = array<i32>} : memref<9x1536xf32, #tpu.memory_space<vmem>>, vector<16xf32>,
      %parallel_loop3A_230 = arith.constant 16 : i32
      %parallel_loop3A_231 = arith.muli %parallel_loop3A_163, %parallel_loop3A_230 : i32
      %parallel_loop3A_232 = arith.constant 2 : i32
      %parallel_loop3A_233 = arith.index_cast %parallel_loop3A_232 : i32 to index
      %parallel_loop3A_234 = arith.index_cast %parallel_loop3A_231 : i32 to index
      %parallel_loop3A_235 = tpu.vector_load %arg6[%parallel_loop3A_233, %parallel_loop3A_234] {strides = array<i32>} : memref<3x1536xi32, #tpu.memory_space<vmem>>, vector<16xi32>,
      %parallel_loop3A_236 = arith.constant 0 : i32
      %parallel_loop3A_237 = vector.broadcast %parallel_loop3A_236 : i32 to vector<16xi32>
      %parallel_loop3A_238 = tpu.vector_load_idx %arg5[%parallel_loop3A_237, %parallel_loop3A_235] : memref<3x25000xf32, #tpu.memory_space<vmem>>[vector<16xi32>, vector<16xi32>], vector<16xf32>,
      %parallel_loop3A_239 = arith.constant 16 : i32
      %parallel_loop3A_240 = arith.muli %parallel_loop3A_163, %parallel_loop3A_239 : i32
      %parallel_loop3A_241 = arith.constant 6 : i32
      %parallel_loop3A_242 = arith.index_cast %parallel_loop3A_241 : i32 to index
      %parallel_loop3A_243 = arith.index_cast %parallel_loop3A_240 : i32 to index
      %parallel_loop3A_244 = tpu.vector_load %arg7[%parallel_loop3A_242, %parallel_loop3A_243] {strides = array<i32>} : memref<9x1536xf32, #tpu.memory_space<vmem>>, vector<16xf32>,
      tpu.vector_store %arg7[%parallel_loop3A_242, %parallel_loop3A_243], %parallel_loop3A_238 {strides = array<i32>} : memref<9x1536xf32, #tpu.memory_space<vmem>>, vector<16xf32>,
      %parallel_loop3A_245 = arith.constant 1 : i32
      %parallel_loop3A_246 = vector.broadcast %parallel_loop3A_245 : i32 to vector<16xi32>
      %parallel_loop3A_247 = tpu.vector_load_idx %arg5[%parallel_loop3A_246, %parallel_loop3A_235] : memref<3x25000xf32, #tpu.memory_space<vmem>>[vector<16xi32>, vector<16xi32>], vector<16xf32>,
      %parallel_loop3A_248 = arith.constant 16 : i32
      %parallel_loop3A_249 = arith.muli %parallel_loop3A_163, %parallel_loop3A_248 : i32
      %parallel_loop3A_250 = arith.constant 7 : i32
      %parallel_loop3A_251 = arith.index_cast %parallel_loop3A_250 : i32 to index
      %parallel_loop3A_252 = arith.index_cast %parallel_loop3A_249 : i32 to index
      %parallel_loop3A_253 = tpu.vector_load %arg7[%parallel_loop3A_251, %parallel_loop3A_252] {strides = array<i32>} : memref<9x1536xf32, #tpu.memory_space<vmem>>, vector<16xf32>,
      tpu.vector_store %arg7[%parallel_loop3A_251, %parallel_loop3A_252], %parallel_loop3A_247 {strides = array<i32>} : memref<9x1536xf32, #tpu.memory_space<vmem>>, vector<16xf32>,
      %parallel_loop3A_254 = arith.constant 2 : i32
      %parallel_loop3A_255 = vector.broadcast %parallel_loop3A_254 : i32 to vector<16xi32>
      %parallel_loop3A_256 = tpu.vector_load_idx %arg5[%parallel_loop3A_255, %parallel_loop3A_235] : memref<3x25000xf32, #tpu.memory_space<vmem>>[vector<16xi32>, vector<16xi32>], vector<16xf32>,
      %parallel_loop3A_257 = arith.constant 16 : i32
      %parallel_loop3A_258 = arith.muli %parallel_loop3A_163, %parallel_loop3A_257 : i32
      %parallel_loop3A_259 = arith.constant 8 : i32
      %parallel_loop3A_260 = arith.index_cast %parallel_loop3A_259 : i32 to index
      %parallel_loop3A_261 = arith.index_cast %parallel_loop3A_258 : i32 to index
      %parallel_loop3A_262 = tpu.vector_load %arg7[%parallel_loop3A_260, %parallel_loop3A_261] {strides = array<i32>} : memref<9x1536xf32, #tpu.memory_space<vmem>>, vector<16xf32>,
      tpu.vector_store %arg7[%parallel_loop3A_260, %parallel_loop3A_261], %parallel_loop3A_256 {strides = array<i32>} : memref<9x1536xf32, #tpu.memory_space<vmem>>, vector<16xf32>,
    } {sc.loop_unroll_factor = 8 : i64, sc.parallel_access}
    "tpu.region"() ({
      %run_scoped3A = tpu.sem_alloc : memref<!tpu.dma_semaphore, #tpu.memory_space<semaphore_mem>>
      %dma_start3A = arith.constant 0 : i32
      %dma_start3A_163 = arith.constant 0 : i32
      %dma_start3A_164 = tpu.memref_slice %arg7[%dma_start3A, %dma_start3A_163] : memref<9x1536xf32, #tpu.memory_space<vmem>> -> memref<9x848xf32, #tpu.memory_space<vmem>>
      %dma_start3A_165 = arith.constant 0 : i32
      %dma_start3A_166 = arith.constant 0 : i32
      %dma_start3A_167 = tpu.memref_slice %arg10[%arg1, %dma_start3A_165, %dma_start3A_166] : memref<16x9x1536xf32, #tpu.memory_space<vmem_shared>> -> memref<1x9x848xf32, #tpu.memory_space<vmem_shared>>
      %dma_start3A_168 = tpu.memref_squeeze %dma_start3A_167 : memref<1x9x848xf32, #tpu.memory_space<vmem_shared>> -> memref<9x848xf32, #tpu.memory_space<vmem_shared>>
      %dma_start3A_169 = arith.constant 0 : i32
      %dma_start3A_170 = arith.constant 0 : i32
      %dma_start3A_171 = tpu.memref_slice %arg10[%arg1, %dma_start3A_169, %dma_start3A_170] : memref<16x9x1536xf32, #tpu.memory_space<vmem_shared>> -> memref<1x9x848xf32, #tpu.memory_space<vmem_shared>>
      %dma_start3A_172 = tpu.memref_squeeze %dma_start3A_171 : memref<1x9x848xf32, #tpu.memory_space<vmem_shared>> -> memref<9x848xf32, #tpu.memory_space<vmem_shared>>
      %dma_start3A_173 = arith.constant 0 : i32
      %dma_start3A_174 = arith.constant 0 : i32
      %dma_start3A_175 = tpu.memref_slice %arg7[%dma_start3A_173, %dma_start3A_174] : memref<9x1536xf32, #tpu.memory_space<vmem>> -> memref<9x848xf32, #tpu.memory_space<vmem>>
      tpu.enqueue_dma source(%dma_start3A_175 : memref<9x848xf32, #tpu.memory_space<vmem>>) target(%dma_start3A_172 : memref<9x848xf32, #tpu.memory_space<vmem_shared>>) target_semaphore(%run_scoped3A : memref<!tpu.dma_semaphore, #tpu.memory_space<semaphore_mem>>)
      %dma_wait3A = arith.constant 0 : i32
      %dma_wait3A_176 = arith.constant 0 : i32
      %dma_wait3A_177 = tpu.memref_slice %arg7[%dma_wait3A, %dma_wait3A_176] : memref<9x1536xf32, #tpu.memory_space<vmem>> -> memref<9x848xf32, #tpu.memory_space<vmem>>
      %dma_wait3A_178 = arith.constant 0 : i32
      %dma_wait3A_179 = arith.constant 0 : i32
      %dma_wait3A_180 = tpu.memref_slice %arg10[%arg1, %dma_wait3A_178, %dma_wait3A_179] : memref<16x9x1536xf32, #tpu.memory_space<vmem_shared>> -> memref<1x9x848xf32, #tpu.memory_space<vmem_shared>>
      %dma_wait3A_181 = tpu.memref_squeeze %dma_wait3A_180 : memref<1x9x848xf32, #tpu.memory_space<vmem_shared>> -> memref<9x848xf32, #tpu.memory_space<vmem_shared>>
      %dma_wait3A_182 = arith.constant 0 : i32
      %dma_wait3A_183 = arith.constant 0 : i32
      %dma_wait3A_184 = tpu.memref_slice %arg10[%arg1, %dma_wait3A_182, %dma_wait3A_183] : memref<16x9x1536xf32, #tpu.memory_space<vmem_shared>> -> memref<1x9x848xf32, #tpu.memory_space<vmem_shared>>
      %dma_wait3A_185 = tpu.memref_squeeze %dma_wait3A_184 : memref<1x9x848xf32, #tpu.memory_space<vmem_shared>> -> memref<9x848xf32, #tpu.memory_space<vmem_shared>>
      %dma_wait3A_186 = arith.constant 0 : i32
      %dma_wait3A_187 = arith.constant 0 : i32
      %dma_wait3A_188 = tpu.memref_slice %arg7[%dma_wait3A_186, %dma_wait3A_187] : memref<9x1536xf32, #tpu.memory_space<vmem>> -> memref<9x848xf32, #tpu.memory_space<vmem>>
      tpu.wait_dma2 semaphore(%run_scoped3A : memref<!tpu.dma_semaphore, #tpu.memory_space<semaphore_mem>>) src(%dma_wait3A_188 : memref<9x848xf32, #tpu.memory_space<vmem>>) dst(%dma_wait3A_185 : memref<9x848xf32, #tpu.memory_space<vmem_shared>>)
      tpu.yield
    }) : () -> ()
    %barrier3A_117 = arith.constant 0 : index
    tpu.barrier barrier_id(%barrier3A_117)
    %eq3A_118 = arith.constant 0 : i32
    %eq3A_119 = arith.cmpi eq, %arg1, %eq3A_118 : i32
    %convert_element_type3A_120 = arith.extui %eq3A_119 : i1 to i32
    %cond3A_121 = arith.constant 0 : i32
    %cond3A_122 = arith.cmpi ne, %convert_element_type3A_120, %cond3A_121 : i32
    scf.if %cond3A_122 {
      %run_scoped3A = arith.constant 0 : i32
      %run_scoped3A_163 = arith.constant 0 : i32
      "tpu.region"() ({
        %run_scoped3A_164 = tpu.sem_alloc : memref<!tpu.dma_semaphore, #tpu.memory_space<semaphore_mem>>
        %dma_start3A = arith.constant 49152 : i32
        %dma_start3A_165 = tpu.memref_slice %arg4[%run_scoped3A_163, %mul3A_0, %dma_start3A] : memref<9x32x50000xf32, #tpu.memory_space<hbm>> -> memref<1x16x848xf32, #tpu.memory_space<hbm>>
        %dma_start3A_166 = tpu.memref_squeeze %dma_start3A_165 : memref<1x16x848xf32, #tpu.memory_space<hbm>> -> memref<16x848xf32, #tpu.memory_space<hbm>>
        %dma_start3A_167 = arith.constant 0 : i32
        %dma_start3A_168 = arith.constant 0 : i32
        %dma_start3A_169 = tpu.memref_slice %arg10[%dma_start3A_167, %run_scoped3A, %dma_start3A_168] : memref<16x9x1536xf32, #tpu.memory_space<vmem_shared>> -> memref<16x1x848xf32, #tpu.memory_space<vmem_shared>>
        %dma_start3A_170 = tpu.memref_squeeze %dma_start3A_169 : memref<16x1x848xf32, #tpu.memory_space<vmem_shared>> -> memref<16x848xf32, #tpu.memory_space<vmem_shared>>
        tpu.enqueue_dma source(%dma_start3A_170 : memref<16x848xf32, #tpu.memory_space<vmem_shared>>) target(%dma_start3A_166 : memref<16x848xf32, #tpu.memory_space<hbm>>) target_semaphore(%run_scoped3A_164 : memref<!tpu.dma_semaphore, #tpu.memory_space<semaphore_mem>>)
        %dma_wait3A = arith.constant 49152 : i32
        %dma_wait3A_171 = tpu.memref_slice %arg4[%run_scoped3A_163, %mul3A_0, %dma_wait3A] : memref<9x32x50000xf32, #tpu.memory_space<hbm>> -> memref<1x16x848xf32, #tpu.memory_space<hbm>>
        %dma_wait3A_172 = tpu.memref_squeeze %dma_wait3A_171 : memref<1x16x848xf32, #tpu.memory_space<hbm>> -> memref<16x848xf32, #tpu.memory_space<hbm>>
        %dma_wait3A_173 = arith.constant 0 : i32
        %dma_wait3A_174 = arith.constant 0 : i32
        %dma_wait3A_175 = tpu.memref_slice %arg10[%dma_wait3A_173, %run_scoped3A, %dma_wait3A_174] : memref<16x9x1536xf32, #tpu.memory_space<vmem_shared>> -> memref<16x1x848xf32, #tpu.memory_space<vmem_shared>>
        %dma_wait3A_176 = tpu.memref_squeeze %dma_wait3A_175 : memref<16x1x848xf32, #tpu.memory_space<vmem_shared>> -> memref<16x848xf32, #tpu.memory_space<vmem_shared>>
        tpu.wait_dma2 semaphore(%run_scoped3A_164 : memref<!tpu.dma_semaphore, #tpu.memory_space<semaphore_mem>>) src(%dma_wait3A_176 : memref<16x848xf32, #tpu.memory_space<vmem_shared>>) dst(%dma_wait3A_172 : memref<16x848xf32, #tpu.memory_space<hbm>>)
        tpu.yield
      }) : () -> ()
    } else {
    }
    %eq3A_123 = arith.constant 1 : i32
    %eq3A_124 = arith.cmpi eq, %arg1, %eq3A_123 : i32
    %convert_element_type3A_125 = arith.extui %eq3A_124 : i1 to i32
    %cond3A_126 = arith.constant 0 : i32
    %cond3A_127 = arith.cmpi ne, %convert_element_type3A_125, %cond3A_126 : i32
    scf.if %cond3A_127 {
      %run_scoped3A = arith.constant 1 : i32
      %run_scoped3A_163 = arith.constant 1 : i32
      "tpu.region"() ({
        %run_scoped3A_164 = tpu.sem_alloc : memref<!tpu.dma_semaphore, #tpu.memory_space<semaphore_mem>>
        %dma_start3A = arith.constant 49152 : i32
        %dma_start3A_165 = tpu.memref_slice %arg4[%run_scoped3A_163, %mul3A_0, %dma_start3A] : memref<9x32x50000xf32, #tpu.memory_space<hbm>> -> memref<1x16x848xf32, #tpu.memory_space<hbm>>
        %dma_start3A_166 = tpu.memref_squeeze %dma_start3A_165 : memref<1x16x848xf32, #tpu.memory_space<hbm>> -> memref<16x848xf32, #tpu.memory_space<hbm>>
        %dma_start3A_167 = arith.constant 0 : i32
        %dma_start3A_168 = arith.constant 0 : i32
        %dma_start3A_169 = tpu.memref_slice %arg10[%dma_start3A_167, %run_scoped3A, %dma_start3A_168] : memref<16x9x1536xf32, #tpu.memory_space<vmem_shared>> -> memref<16x1x848xf32, #tpu.memory_space<vmem_shared>>
        %dma_start3A_170 = tpu.memref_squeeze %dma_start3A_169 : memref<16x1x848xf32, #tpu.memory_space<vmem_shared>> -> memref<16x848xf32, #tpu.memory_space<vmem_shared>>
        tpu.enqueue_dma source(%dma_start3A_170 : memref<16x848xf32, #tpu.memory_space<vmem_shared>>) target(%dma_start3A_166 : memref<16x848xf32, #tpu.memory_space<hbm>>) target_semaphore(%run_scoped3A_164 : memref<!tpu.dma_semaphore, #tpu.memory_space<semaphore_mem>>)
        %dma_wait3A = arith.constant 49152 : i32
        %dma_wait3A_171 = tpu.memref_slice %arg4[%run_scoped3A_163, %mul3A_0, %dma_wait3A] : memref<9x32x50000xf32, #tpu.memory_space<hbm>> -> memref<1x16x848xf32, #tpu.memory_space<hbm>>
        %dma_wait3A_172 = tpu.memref_squeeze %dma_wait3A_171 : memref<1x16x848xf32, #tpu.memory_space<hbm>> -> memref<16x848xf32, #tpu.memory_space<hbm>>
        %dma_wait3A_173 = arith.constant 0 : i32
        %dma_wait3A_174 = arith.constant 0 : i32
        %dma_wait3A_175 = tpu.memref_slice %arg10[%dma_wait3A_173, %run_scoped3A, %dma_wait3A_174] : memref<16x9x1536xf32, #tpu.memory_space<vmem_shared>> -> memref<16x1x848xf32, #tpu.memory_space<vmem_shared>>
        %dma_wait3A_176 = tpu.memref_squeeze %dma_wait3A_175 : memref<16x1x848xf32, #tpu.memory_space<vmem_shared>> -> memref<16x848xf32, #tpu.memory_space<vmem_shared>>
        tpu.wait_dma2 semaphore(%run_scoped3A_164 : memref<!tpu.dma_semaphore, #tpu.memory_space<semaphore_mem>>) src(%dma_wait3A_176 : memref<16x848xf32, #tpu.memory_space<vmem_shared>>) dst(%dma_wait3A_172 : memref<16x848xf32, #tpu.memory_space<hbm>>)
        tpu.yield
      }) : () -> ()
    } else {
    }
    %eq3A_128 = arith.constant 2 : i32
    %eq3A_129 = arith.cmpi eq, %arg1, %eq3A_128 : i32
    %convert_element_type3A_130 = arith.extui %eq3A_129 : i1 to i32
    %cond3A_131 = arith.constant 0 : i32
    %cond3A_132 = arith.cmpi ne, %convert_element_type3A_130, %cond3A_131 : i32
    scf.if %cond3A_132 {
      %run_scoped3A = arith.constant 2 : i32
      %run_scoped3A_163 = arith.constant 2 : i32
      "tpu.region"() ({
        %run_scoped3A_164 = tpu.sem_alloc : memref<!tpu.dma_semaphore, #tpu.memory_space<semaphore_mem>>
        %dma_start3A = arith.constant 49152 : i32
        %dma_start3A_165 = tpu.memref_slice %arg4[%run_scoped3A_163, %mul3A_0, %dma_start3A] : memref<9x32x50000xf32, #tpu.memory_space<hbm>> -> memref<1x16x848xf32, #tpu.memory_space<hbm>>
        %dma_start3A_166 = tpu.memref_squeeze %dma_start3A_165 : memref<1x16x848xf32, #tpu.memory_space<hbm>> -> memref<16x848xf32, #tpu.memory_space<hbm>>
        %dma_start3A_167 = arith.constant 0 : i32
        %dma_start3A_168 = arith.constant 0 : i32
        %dma_start3A_169 = tpu.memref_slice %arg10[%dma_start3A_167, %run_scoped3A, %dma_start3A_168] : memref<16x9x1536xf32, #tpu.memory_space<vmem_shared>> -> memref<16x1x848xf32, #tpu.memory_space<vmem_shared>>
        %dma_start3A_170 = tpu.memref_squeeze %dma_start3A_169 : memref<16x1x848xf32, #tpu.memory_space<vmem_shared>> -> memref<16x848xf32, #tpu.memory_space<vmem_shared>>
        tpu.enqueue_dma source(%dma_start3A_170 : memref<16x848xf32, #tpu.memory_space<vmem_shared>>) target(%dma_start3A_166 : memref<16x848xf32, #tpu.memory_space<hbm>>) target_semaphore(%run_scoped3A_164 : memref<!tpu.dma_semaphore, #tpu.memory_space<semaphore_mem>>)
        %dma_wait3A = arith.constant 49152 : i32
        %dma_wait3A_171 = tpu.memref_slice %arg4[%run_scoped3A_163, %mul3A_0, %dma_wait3A] : memref<9x32x50000xf32, #tpu.memory_space<hbm>> -> memref<1x16x848xf32, #tpu.memory_space<hbm>>
        %dma_wait3A_172 = tpu.memref_squeeze %dma_wait3A_171 : memref<1x16x848xf32, #tpu.memory_space<hbm>> -> memref<16x848xf32, #tpu.memory_space<hbm>>
        %dma_wait3A_173 = arith.constant 0 : i32
        %dma_wait3A_174 = arith.constant 0 : i32
        %dma_wait3A_175 = tpu.memref_slice %arg10[%dma_wait3A_173, %run_scoped3A, %dma_wait3A_174] : memref<16x9x1536xf32, #tpu.memory_space<vmem_shared>> -> memref<16x1x848xf32, #tpu.memory_space<vmem_shared>>
        %dma_wait3A_176 = tpu.memref_squeeze %dma_wait3A_175 : memref<16x1x848xf32, #tpu.memory_space<vmem_shared>> -> memref<16x848xf32, #tpu.memory_space<vmem_shared>>
        tpu.wait_dma2 semaphore(%run_scoped3A_164 : memref<!tpu.dma_semaphore, #tpu.memory_space<semaphore_mem>>) src(%dma_wait3A_176 : memref<16x848xf32, #tpu.memory_space<vmem_shared>>) dst(%dma_wait3A_172 : memref<16x848xf32, #tpu.memory_space<hbm>>)
        tpu.yield
      }) : () -> ()
    } else {
    }
    %eq3A_133 = arith.constant 3 : i32
    %eq3A_134 = arith.cmpi eq, %arg1, %eq3A_133 : i32
    %convert_element_type3A_135 = arith.extui %eq3A_134 : i1 to i32
    %cond3A_136 = arith.constant 0 : i32
    %cond3A_137 = arith.cmpi ne, %convert_element_type3A_135, %cond3A_136 : i32
    scf.if %cond3A_137 {
      %run_scoped3A = arith.constant 3 : i32
      %run_scoped3A_163 = arith.constant 3 : i32
      "tpu.region"() ({
        %run_scoped3A_164 = tpu.sem_alloc : memref<!tpu.dma_semaphore, #tpu.memory_space<semaphore_mem>>
        %dma_start3A = arith.constant 49152 : i32
        %dma_start3A_165 = tpu.memref_slice %arg4[%run_scoped3A_163, %mul3A_0, %dma_start3A] : memref<9x32x50000xf32, #tpu.memory_space<hbm>> -> memref<1x16x848xf32, #tpu.memory_space<hbm>>
        %dma_start3A_166 = tpu.memref_squeeze %dma_start3A_165 : memref<1x16x848xf32, #tpu.memory_space<hbm>> -> memref<16x848xf32, #tpu.memory_space<hbm>>
        %dma_start3A_167 = arith.constant 0 : i32
        %dma_start3A_168 = arith.constant 0 : i32
        %dma_start3A_169 = tpu.memref_slice %arg10[%dma_start3A_167, %run_scoped3A, %dma_start3A_168] : memref<16x9x1536xf32, #tpu.memory_space<vmem_shared>> -> memref<16x1x848xf32, #tpu.memory_space<vmem_shared>>
        %dma_start3A_170 = tpu.memref_squeeze %dma_start3A_169 : memref<16x1x848xf32, #tpu.memory_space<vmem_shared>> -> memref<16x848xf32, #tpu.memory_space<vmem_shared>>
        tpu.enqueue_dma source(%dma_start3A_170 : memref<16x848xf32, #tpu.memory_space<vmem_shared>>) target(%dma_start3A_166 : memref<16x848xf32, #tpu.memory_space<hbm>>) target_semaphore(%run_scoped3A_164 : memref<!tpu.dma_semaphore, #tpu.memory_space<semaphore_mem>>)
        %dma_wait3A = arith.constant 49152 : i32
        %dma_wait3A_171 = tpu.memref_slice %arg4[%run_scoped3A_163, %mul3A_0, %dma_wait3A] : memref<9x32x50000xf32, #tpu.memory_space<hbm>> -> memref<1x16x848xf32, #tpu.memory_space<hbm>>
        %dma_wait3A_172 = tpu.memref_squeeze %dma_wait3A_171 : memref<1x16x848xf32, #tpu.memory_space<hbm>> -> memref<16x848xf32, #tpu.memory_space<hbm>>
        %dma_wait3A_173 = arith.constant 0 : i32
        %dma_wait3A_174 = arith.constant 0 : i32
        %dma_wait3A_175 = tpu.memref_slice %arg10[%dma_wait3A_173, %run_scoped3A, %dma_wait3A_174] : memref<16x9x1536xf32, #tpu.memory_space<vmem_shared>> -> memref<16x1x848xf32, #tpu.memory_space<vmem_shared>>
        %dma_wait3A_176 = tpu.memref_squeeze %dma_wait3A_175 : memref<16x1x848xf32, #tpu.memory_space<vmem_shared>> -> memref<16x848xf32, #tpu.memory_space<vmem_shared>>
        tpu.wait_dma2 semaphore(%run_scoped3A_164 : memref<!tpu.dma_semaphore, #tpu.memory_space<semaphore_mem>>) src(%dma_wait3A_176 : memref<16x848xf32, #tpu.memory_space<vmem_shared>>) dst(%dma_wait3A_172 : memref<16x848xf32, #tpu.memory_space<hbm>>)
        tpu.yield
      }) : () -> ()
    } else {
    }
    %eq3A_138 = arith.constant 4 : i32
    %eq3A_139 = arith.cmpi eq, %arg1, %eq3A_138 : i32
    %convert_element_type3A_140 = arith.extui %eq3A_139 : i1 to i32
    %cond3A_141 = arith.constant 0 : i32
    %cond3A_142 = arith.cmpi ne, %convert_element_type3A_140, %cond3A_141 : i32
    scf.if %cond3A_142 {
      %run_scoped3A = arith.constant 4 : i32
      %run_scoped3A_163 = arith.constant 4 : i32
      "tpu.region"() ({
        %run_scoped3A_164 = tpu.sem_alloc : memref<!tpu.dma_semaphore, #tpu.memory_space<semaphore_mem>>
        %dma_start3A = arith.constant 49152 : i32
        %dma_start3A_165 = tpu.memref_slice %arg4[%run_scoped3A_163, %mul3A_0, %dma_start3A] : memref<9x32x50000xf32, #tpu.memory_space<hbm>> -> memref<1x16x848xf32, #tpu.memory_space<hbm>>
        %dma_start3A_166 = tpu.memref_squeeze %dma_start3A_165 : memref<1x16x848xf32, #tpu.memory_space<hbm>> -> memref<16x848xf32, #tpu.memory_space<hbm>>
        %dma_start3A_167 = arith.constant 0 : i32
        %dma_start3A_168 = arith.constant 0 : i32
        %dma_start3A_169 = tpu.memref_slice %arg10[%dma_start3A_167, %run_scoped3A, %dma_start3A_168] : memref<16x9x1536xf32, #tpu.memory_space<vmem_shared>> -> memref<16x1x848xf32, #tpu.memory_space<vmem_shared>>
        %dma_start3A_170 = tpu.memref_squeeze %dma_start3A_169 : memref<16x1x848xf32, #tpu.memory_space<vmem_shared>> -> memref<16x848xf32, #tpu.memory_space<vmem_shared>>
        tpu.enqueue_dma source(%dma_start3A_170 : memref<16x848xf32, #tpu.memory_space<vmem_shared>>) target(%dma_start3A_166 : memref<16x848xf32, #tpu.memory_space<hbm>>) target_semaphore(%run_scoped3A_164 : memref<!tpu.dma_semaphore, #tpu.memory_space<semaphore_mem>>)
        %dma_wait3A = arith.constant 49152 : i32
        %dma_wait3A_171 = tpu.memref_slice %arg4[%run_scoped3A_163, %mul3A_0, %dma_wait3A] : memref<9x32x50000xf32, #tpu.memory_space<hbm>> -> memref<1x16x848xf32, #tpu.memory_space<hbm>>
        %dma_wait3A_172 = tpu.memref_squeeze %dma_wait3A_171 : memref<1x16x848xf32, #tpu.memory_space<hbm>> -> memref<16x848xf32, #tpu.memory_space<hbm>>
        %dma_wait3A_173 = arith.constant 0 : i32
        %dma_wait3A_174 = arith.constant 0 : i32
        %dma_wait3A_175 = tpu.memref_slice %arg10[%dma_wait3A_173, %run_scoped3A, %dma_wait3A_174] : memref<16x9x1536xf32, #tpu.memory_space<vmem_shared>> -> memref<16x1x848xf32, #tpu.memory_space<vmem_shared>>
        %dma_wait3A_176 = tpu.memref_squeeze %dma_wait3A_175 : memref<16x1x848xf32, #tpu.memory_space<vmem_shared>> -> memref<16x848xf32, #tpu.memory_space<vmem_shared>>
        tpu.wait_dma2 semaphore(%run_scoped3A_164 : memref<!tpu.dma_semaphore, #tpu.memory_space<semaphore_mem>>) src(%dma_wait3A_176 : memref<16x848xf32, #tpu.memory_space<vmem_shared>>) dst(%dma_wait3A_172 : memref<16x848xf32, #tpu.memory_space<hbm>>)
        tpu.yield
      }) : () -> ()
    } else {
    }
    %eq3A_143 = arith.constant 5 : i32
    %eq3A_144 = arith.cmpi eq, %arg1, %eq3A_143 : i32
    %convert_element_type3A_145 = arith.extui %eq3A_144 : i1 to i32
    %cond3A_146 = arith.constant 0 : i32
    %cond3A_147 = arith.cmpi ne, %convert_element_type3A_145, %cond3A_146 : i32
    scf.if %cond3A_147 {
      %run_scoped3A = arith.constant 5 : i32
      %run_scoped3A_163 = arith.constant 5 : i32
      "tpu.region"() ({
        %run_scoped3A_164 = tpu.sem_alloc : memref<!tpu.dma_semaphore, #tpu.memory_space<semaphore_mem>>
        %dma_start3A = arith.constant 49152 : i32
        %dma_start3A_165 = tpu.memref_slice %arg4[%run_scoped3A_163, %mul3A_0, %dma_start3A] : memref<9x32x50000xf32, #tpu.memory_space<hbm>> -> memref<1x16x848xf32, #tpu.memory_space<hbm>>
        %dma_start3A_166 = tpu.memref_squeeze %dma_start3A_165 : memref<1x16x848xf32, #tpu.memory_space<hbm>> -> memref<16x848xf32, #tpu.memory_space<hbm>>
        %dma_start3A_167 = arith.constant 0 : i32
        %dma_start3A_168 = arith.constant 0 : i32
        %dma_start3A_169 = tpu.memref_slice %arg10[%dma_start3A_167, %run_scoped3A, %dma_start3A_168] : memref<16x9x1536xf32, #tpu.memory_space<vmem_shared>> -> memref<16x1x848xf32, #tpu.memory_space<vmem_shared>>
        %dma_start3A_170 = tpu.memref_squeeze %dma_start3A_169 : memref<16x1x848xf32, #tpu.memory_space<vmem_shared>> -> memref<16x848xf32, #tpu.memory_space<vmem_shared>>
        tpu.enqueue_dma source(%dma_start3A_170 : memref<16x848xf32, #tpu.memory_space<vmem_shared>>) target(%dma_start3A_166 : memref<16x848xf32, #tpu.memory_space<hbm>>) target_semaphore(%run_scoped3A_164 : memref<!tpu.dma_semaphore, #tpu.memory_space<semaphore_mem>>)
        %dma_wait3A = arith.constant 49152 : i32
        %dma_wait3A_171 = tpu.memref_slice %arg4[%run_scoped3A_163, %mul3A_0, %dma_wait3A] : memref<9x32x50000xf32, #tpu.memory_space<hbm>> -> memref<1x16x848xf32, #tpu.memory_space<hbm>>
        %dma_wait3A_172 = tpu.memref_squeeze %dma_wait3A_171 : memref<1x16x848xf32, #tpu.memory_space<hbm>> -> memref<16x848xf32, #tpu.memory_space<hbm>>
        %dma_wait3A_173 = arith.constant 0 : i32
        %dma_wait3A_174 = arith.constant 0 : i32
        %dma_wait3A_175 = tpu.memref_slice %arg10[%dma_wait3A_173, %run_scoped3A, %dma_wait3A_174] : memref<16x9x1536xf32, #tpu.memory_space<vmem_shared>> -> memref<16x1x848xf32, #tpu.memory_space<vmem_shared>>
        %dma_wait3A_176 = tpu.memref_squeeze %dma_wait3A_175 : memref<16x1x848xf32, #tpu.memory_space<vmem_shared>> -> memref<16x848xf32, #tpu.memory_space<vmem_shared>>
        tpu.wait_dma2 semaphore(%run_scoped3A_164 : memref<!tpu.dma_semaphore, #tpu.memory_space<semaphore_mem>>) src(%dma_wait3A_176 : memref<16x848xf32, #tpu.memory_space<vmem_shared>>) dst(%dma_wait3A_172 : memref<16x848xf32, #tpu.memory_space<hbm>>)
        tpu.yield
      }) : () -> ()
    } else {
    }
    %eq3A_148 = arith.constant 6 : i32
    %eq3A_149 = arith.cmpi eq, %arg1, %eq3A_148 : i32
    %convert_element_type3A_150 = arith.extui %eq3A_149 : i1 to i32
    %cond3A_151 = arith.constant 0 : i32
    %cond3A_152 = arith.cmpi ne, %convert_element_type3A_150, %cond3A_151 : i32
    scf.if %cond3A_152 {
      %run_scoped3A = arith.constant 6 : i32
      %run_scoped3A_163 = arith.constant 6 : i32
      "tpu.region"() ({
        %run_scoped3A_164 = tpu.sem_alloc : memref<!tpu.dma_semaphore, #tpu.memory_space<semaphore_mem>>
        %dma_start3A = arith.constant 49152 : i32
        %dma_start3A_165 = tpu.memref_slice %arg4[%run_scoped3A_163, %mul3A_0, %dma_start3A] : memref<9x32x50000xf32, #tpu.memory_space<hbm>> -> memref<1x16x848xf32, #tpu.memory_space<hbm>>
        %dma_start3A_166 = tpu.memref_squeeze %dma_start3A_165 : memref<1x16x848xf32, #tpu.memory_space<hbm>> -> memref<16x848xf32, #tpu.memory_space<hbm>>
        %dma_start3A_167 = arith.constant 0 : i32
        %dma_start3A_168 = arith.constant 0 : i32
        %dma_start3A_169 = tpu.memref_slice %arg10[%dma_start3A_167, %run_scoped3A, %dma_start3A_168] : memref<16x9x1536xf32, #tpu.memory_space<vmem_shared>> -> memref<16x1x848xf32, #tpu.memory_space<vmem_shared>>
        %dma_start3A_170 = tpu.memref_squeeze %dma_start3A_169 : memref<16x1x848xf32, #tpu.memory_space<vmem_shared>> -> memref<16x848xf32, #tpu.memory_space<vmem_shared>>
        tpu.enqueue_dma source(%dma_start3A_170 : memref<16x848xf32, #tpu.memory_space<vmem_shared>>) target(%dma_start3A_166 : memref<16x848xf32, #tpu.memory_space<hbm>>) target_semaphore(%run_scoped3A_164 : memref<!tpu.dma_semaphore, #tpu.memory_space<semaphore_mem>>)
        %dma_wait3A = arith.constant 49152 : i32
        %dma_wait3A_171 = tpu.memref_slice %arg4[%run_scoped3A_163, %mul3A_0, %dma_wait3A] : memref<9x32x50000xf32, #tpu.memory_space<hbm>> -> memref<1x16x848xf32, #tpu.memory_space<hbm>>
        %dma_wait3A_172 = tpu.memref_squeeze %dma_wait3A_171 : memref<1x16x848xf32, #tpu.memory_space<hbm>> -> memref<16x848xf32, #tpu.memory_space<hbm>>
        %dma_wait3A_173 = arith.constant 0 : i32
        %dma_wait3A_174 = arith.constant 0 : i32
        %dma_wait3A_175 = tpu.memref_slice %arg10[%dma_wait3A_173, %run_scoped3A, %dma_wait3A_174] : memref<16x9x1536xf32, #tpu.memory_space<vmem_shared>> -> memref<16x1x848xf32, #tpu.memory_space<vmem_shared>>
        %dma_wait3A_176 = tpu.memref_squeeze %dma_wait3A_175 : memref<16x1x848xf32, #tpu.memory_space<vmem_shared>> -> memref<16x848xf32, #tpu.memory_space<vmem_shared>>
        tpu.wait_dma2 semaphore(%run_scoped3A_164 : memref<!tpu.dma_semaphore, #tpu.memory_space<semaphore_mem>>) src(%dma_wait3A_176 : memref<16x848xf32, #tpu.memory_space<vmem_shared>>) dst(%dma_wait3A_172 : memref<16x848xf32, #tpu.memory_space<hbm>>)
        tpu.yield
      }) : () -> ()
    } else {
    }
    %eq3A_153 = arith.constant 7 : i32
    %eq3A_154 = arith.cmpi eq, %arg1, %eq3A_153 : i32
    %convert_element_type3A_155 = arith.extui %eq3A_154 : i1 to i32
    %cond3A_156 = arith.constant 0 : i32
    %cond3A_157 = arith.cmpi ne, %convert_element_type3A_155, %cond3A_156 : i32
    scf.if %cond3A_157 {
      %run_scoped3A = arith.constant 7 : i32
      %run_scoped3A_163 = arith.constant 7 : i32
      "tpu.region"() ({
        %run_scoped3A_164 = tpu.sem_alloc : memref<!tpu.dma_semaphore, #tpu.memory_space<semaphore_mem>>
        %dma_start3A = arith.constant 49152 : i32
        %dma_start3A_165 = tpu.memref_slice %arg4[%run_scoped3A_163, %mul3A_0, %dma_start3A] : memref<9x32x50000xf32, #tpu.memory_space<hbm>> -> memref<1x16x848xf32, #tpu.memory_space<hbm>>
        %dma_start3A_166 = tpu.memref_squeeze %dma_start3A_165 : memref<1x16x848xf32, #tpu.memory_space<hbm>> -> memref<16x848xf32, #tpu.memory_space<hbm>>
        %dma_start3A_167 = arith.constant 0 : i32
        %dma_start3A_168 = arith.constant 0 : i32
        %dma_start3A_169 = tpu.memref_slice %arg10[%dma_start3A_167, %run_scoped3A, %dma_start3A_168] : memref<16x9x1536xf32, #tpu.memory_space<vmem_shared>> -> memref<16x1x848xf32, #tpu.memory_space<vmem_shared>>
        %dma_start3A_170 = tpu.memref_squeeze %dma_start3A_169 : memref<16x1x848xf32, #tpu.memory_space<vmem_shared>> -> memref<16x848xf32, #tpu.memory_space<vmem_shared>>
        tpu.enqueue_dma source(%dma_start3A_170 : memref<16x848xf32, #tpu.memory_space<vmem_shared>>) target(%dma_start3A_166 : memref<16x848xf32, #tpu.memory_space<hbm>>) target_semaphore(%run_scoped3A_164 : memref<!tpu.dma_semaphore, #tpu.memory_space<semaphore_mem>>)
        %dma_wait3A = arith.constant 49152 : i32
        %dma_wait3A_171 = tpu.memref_slice %arg4[%run_scoped3A_163, %mul3A_0, %dma_wait3A] : memref<9x32x50000xf32, #tpu.memory_space<hbm>> -> memref<1x16x848xf32, #tpu.memory_space<hbm>>
        %dma_wait3A_172 = tpu.memref_squeeze %dma_wait3A_171 : memref<1x16x848xf32, #tpu.memory_space<hbm>> -> memref<16x848xf32, #tpu.memory_space<hbm>>
        %dma_wait3A_173 = arith.constant 0 : i32
        %dma_wait3A_174 = arith.constant 0 : i32
        %dma_wait3A_175 = tpu.memref_slice %arg10[%dma_wait3A_173, %run_scoped3A, %dma_wait3A_174] : memref<16x9x1536xf32, #tpu.memory_space<vmem_shared>> -> memref<16x1x848xf32, #tpu.memory_space<vmem_shared>>
        %dma_wait3A_176 = tpu.memref_squeeze %dma_wait3A_175 : memref<16x1x848xf32, #tpu.memory_space<vmem_shared>> -> memref<16x848xf32, #tpu.memory_space<vmem_shared>>
        tpu.wait_dma2 semaphore(%run_scoped3A_164 : memref<!tpu.dma_semaphore, #tpu.memory_space<semaphore_mem>>) src(%dma_wait3A_176 : memref<16x848xf32, #tpu.memory_space<vmem_shared>>) dst(%dma_wait3A_172 : memref<16x848xf32, #tpu.memory_space<hbm>>)
        tpu.yield
      }) : () -> ()
    } else {
    }
    %eq3A_158 = arith.constant 8 : i32
    %eq3A_159 = arith.cmpi eq, %arg1, %eq3A_158 : i32
    %convert_element_type3A_160 = arith.extui %eq3A_159 : i1 to i32
    %cond3A_161 = arith.constant 0 : i32
    %cond3A_162 = arith.cmpi ne, %convert_element_type3A_160, %cond3A_161 : i32
    scf.if %cond3A_162 {
      %run_scoped3A = arith.constant 8 : i32
      %run_scoped3A_163 = arith.constant 8 : i32
      "tpu.region"() ({
        %run_scoped3A_164 = tpu.sem_alloc : memref<!tpu.dma_semaphore, #tpu.memory_space<semaphore_mem>>
        %dma_start3A = arith.constant 49152 : i32
        %dma_start3A_165 = tpu.memref_slice %arg4[%run_scoped3A_163, %mul3A_0, %dma_start3A] : memref<9x32x50000xf32, #tpu.memory_space<hbm>> -> memref<1x16x848xf32, #tpu.memory_space<hbm>>
        %dma_start3A_166 = tpu.memref_squeeze %dma_start3A_165 : memref<1x16x848xf32, #tpu.memory_space<hbm>> -> memref<16x848xf32, #tpu.memory_space<hbm>>
        %dma_start3A_167 = arith.constant 0 : i32
        %dma_start3A_168 = arith.constant 0 : i32
        %dma_start3A_169 = tpu.memref_slice %arg10[%dma_start3A_167, %run_scoped3A, %dma_start3A_168] : memref<16x9x1536xf32, #tpu.memory_space<vmem_shared>> -> memref<16x1x848xf32, #tpu.memory_space<vmem_shared>>
        %dma_start3A_170 = tpu.memref_squeeze %dma_start3A_169 : memref<16x1x848xf32, #tpu.memory_space<vmem_shared>> -> memref<16x848xf32, #tpu.memory_space<vmem_shared>>
        tpu.enqueue_dma source(%dma_start3A_170 : memref<16x848xf32, #tpu.memory_space<vmem_shared>>) target(%dma_start3A_166 : memref<16x848xf32, #tpu.memory_space<hbm>>) target_semaphore(%run_scoped3A_164 : memref<!tpu.dma_semaphore, #tpu.memory_space<semaphore_mem>>)
        %dma_wait3A = arith.constant 49152 : i32
        %dma_wait3A_171 = tpu.memref_slice %arg4[%run_scoped3A_163, %mul3A_0, %dma_wait3A] : memref<9x32x50000xf32, #tpu.memory_space<hbm>> -> memref<1x16x848xf32, #tpu.memory_space<hbm>>
        %dma_wait3A_172 = tpu.memref_squeeze %dma_wait3A_171 : memref<1x16x848xf32, #tpu.memory_space<hbm>> -> memref<16x848xf32, #tpu.memory_space<hbm>>
        %dma_wait3A_173 = arith.constant 0 : i32
        %dma_wait3A_174 = arith.constant 0 : i32
        %dma_wait3A_175 = tpu.memref_slice %arg10[%dma_wait3A_173, %run_scoped3A, %dma_wait3A_174] : memref<16x9x1536xf32, #tpu.memory_space<vmem_shared>> -> memref<16x1x848xf32, #tpu.memory_space<vmem_shared>>
        %dma_wait3A_176 = tpu.memref_squeeze %dma_wait3A_175 : memref<16x1x848xf32, #tpu.memory_space<vmem_shared>> -> memref<16x848xf32, #tpu.memory_space<vmem_shared>>
        tpu.wait_dma2 semaphore(%run_scoped3A_164 : memref<!tpu.dma_semaphore, #tpu.memory_space<semaphore_mem>>) src(%dma_wait3A_176 : memref<16x848xf32, #tpu.memory_space<vmem_shared>>) dst(%dma_wait3A_172 : memref<16x848xf32, #tpu.memory_space<hbm>>)
        tpu.yield
      }) : () -> ()
    } else {
    }
    return
  }
}

</mosaic_0001>

<sc_bundles>
// kernel: kernel.3.cloned.1.call-start
scs
__scs_entry_jumppad:
0x0: {  	(pc) =	sbr.rel $0x88, $3  }
0x1: {  	(tag) =	ssettag $0x0;
	lr =	simm.s32 $0x1  }
0x2: {  	[smem:$0x3F9F] =	sst lr;
	_ =	strace $0xD0000000  }
0x3: {  	_ = 	snop  }
0x4: {  	_ = 	snop  }
0x5: {  	_ = 	snop  }
0x6: {  	_ = 	snop  }
0x7: {  	_ = 	snop  }
__scs_overlays_trampoline_lowered:
0x8: {  	[smem:$0x3FAE] =	sst s0  }
0x9: {  	[smem:$0x3FAF] =	sst s1  }
0xa: {  	[smem:$0x3FB0] =	sst s2  }
0xb: {  	[smem:$0x3FB1] =	sst s3  }
0xc: {  	[smem:$0x3FB2] =	sst s4  }
0xd: {  	[smem:$0x3FB3] =	sst s5  }
0xe: {  	[smem:$0x3FB4] =	sst s6  }
0xf: {  	[smem:$0x3FB5] =	sst s7  }
0x10: {  	[smem:$0x3FB6] =	sst s8  }
0x11: {  	[smem:$0x3FB7] =	sst s9;
	s0 =	simm.s32 @!p0 $0x0  }
0x12: {  	s1 =	sld [smem:$0x3F9D];
	s0 =	simm.s32 @p0 $0x1  }
0x13: {  	[smem:$0x3FB8] =	sst s0;
	s0 =	simm.s32 @!p1 $0x0  }
0x14: {  	s2 =	sld [smem:$0x3F9C];
	s0 =	simm.s32 @p1 $0x1  }
0x15: {  	[smem:$0x3FB9] =	sst s0;
	s0 =	simm.s32 @!p2 $0x0  }
0x16: {  	s3 =	sld [smem:$0x3FDB];
	s0 =	simm.s32 @p2 $0x1  }
0x17: {  	s4 =	simm.s32 $0x1BF5;
	[smem:$0x3FBB] =	sst s0  }
0x18: {  	s0 =	sld [smem:$0x3F9E];
	_ =	swait.ge [sflag:s4], $0x0  }
0x19: {  	s7 =	sld [smem:$0x3F9F]  }
0x1a: {  	s8 =	sadd.s32 $0xFFFFE003, lr  }
0x1b: {  	s9 =	sadd.s32 $0xFFFFFEF7, lr;
	s5 =	simm.s32 $0xFFFFFFFF;
	p2 =	slt.u32 s8, $0xFFFFF086  }
0x1c: {  	p1 =	slt.u32 s9, $0xF7A;
	s5 =	simm.s32 @!p2 $0x0  }
0x1d: {  	s5 =	simm.s32 @p1 $0x1;
	p0 =	seq.s32 s7, s2  }
0x1e: {  	s7 =	smul.u32 @!p0 $0xF7A, s2;
	p2 =	seq.s32 @!p0 s5, $0x0  }
0x1f: {  	s9 =	smul.u32 $0xF7A, s1;
	s8 =	simm.s32 @!p0 $0x1BF5;
	p2 =	por !p2, p0  }
0x20: {  	[sflag:s8] =	ssyncset.s32 @!p0 $0xFFFFF086;
	s6 =	sadd.s32 @!p0 s3, s7;
	s7 =	simm.s32 @!p0 $0x108  }
0x21: {  	s3 =	sadd.s32 s3, s9;
	s6 =	sadd.s32 @!p0 $0x88, s6;
	s7 =	simm.s32 @p2 $0x1082  }
0x22: {  	[simem:s7], [sflag:s8] =	dma.local @!p0 [hbm:s6], $0xF7A  }
0x23: {  	s9 =	sor.u32 $0xD0000000, s2;
	s6 =	simm.s32 $0x108;
	_ =	swait.ge @!p0 [sflag:s8], $0x0  }
0x24: {  	s3 =	sadd.s32 $0x88, s3;
	s6 =	simm.s32 @!p1 $0x1082;
	[sflag:s4] =	ssyncset.s32 $0xFFFFF086  }
0x25: {  	[simem:s6], [sflag:s4] =	dma.local [hbm:s3], $0xF7A  }
0x26: {  	[smem:$0x3F9F] =	sst s1;
	(tag) =	ssettag s2;
	_ =	strace s9  }
0x27: {  	s1 =	sld [smem:$0x3FAF]  }
0x28: {  	s2 =	sld [smem:$0x3FB0]  }
0x29: {  	s4 =	sld [smem:$0x3FB2]  }
0x2a: {  	p0 =	seq.s32 s5, $0x0;
	s5 =	sld [smem:$0x3FB3]  }
0x2b: {  	s6 =	sld [smem:$0x3FB4]  }
0x2c: {  	s7 =	sld [smem:$0x3FB5]  }
0x2d: {  	s3 =	simm.s32 $0x108;
	s8 =	sld [smem:$0x3FB6]  }
0x2e: {  	s3 =	simm.s32 @!p0 $0x1082;
	s9 =	sld [smem:$0x3FB7]  }
0x2f: {  	lr =	sadd.s32 s0, s3;
	s0 =	sld [smem:$0x3FAE]  }
0x30: {  	s3 =	sld [smem:$0x3FB1]  }
0x31: {  	[smem:$0x3FBA] =	sst s10  }
0x32: {  	s10 =	sld [smem:$0x3FB8];
	_ =	sdelay $0x3  }
0x33: {  	p0 =	seq.s32 s10, $0x1;
	s10 =	sld [smem:$0x3FBA];
	_ =	sdelay $0x3  }
0x34: {  	[smem:$0x3FBA] =	sst s10  }
0x35: {  	s10 =	sld [smem:$0x3FB9];
	_ =	sdelay $0x3  }
0x36: {  	p1 =	seq.s32 s10, $0x1;
	s10 =	sld [smem:$0x3FBA];
	_ =	sdelay $0x3  }
0x37: {  	[smem:$0x3FBA] =	sst s10  }
0x38: {  	s10 =	sld [smem:$0x3FBB]  }
0x39: {  	_ = 	snop;
	(pc) =	sbr.ind lr, $3  }
0x3a: {  	_ = 	snop  }
0x3b: {  	_ = 	snop  }
0x3c: {  	p2 =	seq.s32 s10, $0x1;
	s10 =	sld [smem:$0x3FBA]  }
0x3d: {  	_ =	shalt  }
0x3e: {  	_ =	shalt  }
0x3f: {  	_ =	shalt  }
0x40: {  	_ =	shalt  }
0x41: {  	_ =	shalt  }
0x42: {  	_ =	shalt  }
0x43: {  	_ =	shalt  }
0x44: {  	_ =	shalt  }
0x45: {  	_ =	shalt  }
0x46: {  	_ =	shalt  }
0x47: {  	_ =	shalt  }
0x48: {  	_ =	shalt  }
0x49: {  	_ =	shalt  }
0x4a: {  	_ =	shalt  }
0x4b: {  	_ =	shalt  }
0x4c: {  	_ =	shalt  }
0x4d: {  	_ =	shalt  }
0x4e: {  	_ =	shalt  }
0x4f: {  	_ =	shalt  }
0x50: {  	_ =	shalt  }
0x51: {  	_ =	shalt  }
0x52: {  	_ =	shalt  }
0x53: {  	_ =	shalt  }
0x54: {  	_ =	shalt  }
0x55: {  	_ =	shalt  }
0x56: {  	_ =	shalt  }
0x57: {  	_ =	shalt  }
0x58: {  	_ =	shalt  }
0x59: {  	_ =	shalt  }
0x5a: {  	_ =	shalt  }
0x5b: {  	_ =	shalt  }
0x5c: {  	_ =	shalt  }
0x5d: {  	_ =	shalt  }
0x5e: {  	_ =	shalt  }
0x5f: {  	_ =	shalt  }
0x60: {  	_ =	shalt  }
0x61: {  	_ =	shalt  }
0x62: {  	_ =	shalt  }
0x63: {  	_ =	shalt  }
0x64: {  	_ =	shalt  }
0x65: {  	_ =	shalt  }
0x66: {  	_ =	shalt  }
0x67: {  	_ =	shalt  }
0x68: {  	_ =	shalt  }
0x69: {  	_ =	shalt  }
0x6a: {  	_ =	shalt  }
0x6b: {  	_ =	shalt  }
0x6c: {  	_ =	shalt  }
0x6d: {  	_ =	shalt  }
0x6e: {  	_ =	shalt  }
0x6f: {  	_ =	shalt  }
0x70: {  	_ =	shalt  }
0x71: {  	_ =	shalt  }
0x72: {  	_ =	shalt  }
0x73: {  	_ =	shalt  }
0x74: {  	_ =	shalt  }
0x75: {  	_ =	shalt  }
0x76: {  	_ =	shalt  }
0x77: {  	_ =	shalt  }
0x78: {  	_ =	shalt  }
0x79: {  	_ =	shalt  }
0x7a: {  	_ =	shalt  }
0x7b: {  	_ =	shalt  }
0x7c: {  	_ =	shalt  }
0x7d: {  	_ =	shalt  }
0x7e: {  	_ =	shalt  }
0x7f: {  	_ =	shalt  }
0x80: {  	_ =	shalt  }
0x81: {  	_ =	shalt  }
0x82: {  	_ =	shalt  }
0x83: {  	_ =	shalt  }
0x84: {  	_ =	shalt  }
0x85: {  	_ =	shalt  }
0x86: {  	_ =	shalt  }
0x87: {  	_ =	shalt  }
.Lfunc_end0:
.L_simem_size_0:
called_computation_lowered:
.L_overlay_start_0:
0x88: {  	s2 =	sld [smem:$0x3FD9]  }
0x89: {  	s3 =	sld [smem:$0x3FFE];
	_ =	sdelay $0x1  }
0x8a: {  	s1 =	srdreg.scid  }
0x8b: {  	s0 =	sand.u32 $0x1, s1  }
0x8c: {  	s17 =	sshll.u32 s0, $0xA;
	s2 =	sadd.s32 s3, s2  }
0x8d: {  	s2 =	sadd.s32 s2, s17  }
0x8e: {  	[smem:$0x3FC6] =	sst s2  }
0x8f: {  	_ = 	snop  }
0x90: {  	s2 =	sld [smem:$0x3FD0];
	(tm) =	ssettm $0x1  }
0x91: {  	s18 =	sld [smem:$0x3FFB];
	_ =	sdelay $0x3  }
0x92: {  	_ =	strace s18  }
0x93: {  	s3 =	sld [smem:$0x3FFC];
	_ =	sdelay $0x3  }
0x94: {  	_ =	strace s3  }
0x95: {  	s3 =	sld [smem:$0x3FFD];
	_ =	sdelay $0x3  }
0x96: {  	_ =	strace s3  }
0x97: {  	_ =	strace $0x8FFFFFFF  }
0x98: {  	s19 =	sld [smem:$0x3FDB];
	_ =	sdelay $0x1  }
0x99: {  	s4 =	simm.s32 $_scs_section_size  }
0x9a: {  	s5 =	simm.s32 $_size__tile_overlayer_lowered;
	s6 =	simm.s32 $_tile_overlayer_lowered  }
0x9b: {  	s22 =	simm.s32 $0x1BFF;
	s21 =	sshll.u32 s6, $0x1;
	s3 =	sadd.s32 s4, s19  }
0x9c: {  	s7 =	simm.s32 $0x0;
	s20 =	sshll.u32 s5, $0x1;
	s5 =	sadd.s32 s21, s3  }
0x9d: {  	[timem:s7], [sflag:s22] =	dma.local [hbm:s5], s20  }
0x9e: {  	_ =	swait.ge [sflag:s22], s20  }
0x9f: {  	s4 =	ssub.s32 $0x0, s20;
	[sflag:s22] =	ssyncset.done $0x0  }
0xa0: {  	[sflag:s22] =	ssyncadd.s32 s4;
	_ =	sdelay $0x1  }
0xa1: {  	s23 =	simm.s32 $0x1B8B  }
0xa2: {  	_ =	swait.ge [sflag:s23], $0x1  }
0xa3: {  	[sflag:s23] =	ssyncset.done $0x0  }
0xa4: {  	s25 =	simm.s32 $0x1B8E;
	s24 =	sld [smem:$0x3FFE];
	[sflag:s23] =	ssyncadd.s32 $0xFFFFFFFF  }
0xa5: {  	s26 =	simm.s32 $execute0_lowered;
	[smem:$0x3FD2] =	sst s25  }
0xa6: {  	s5 =	sshll.u32 s26, $0x1;
	_ =	strace $0x80000046;
	[dreg:$0x1] =	wrdreg $0xFFFFFFFF  }
0xa7: {  	s28 =	simm.s32 $_size_execute0_lowered;
	s3 =	sadd.s32 s3, s5;
	[dreg:$0x0] =	wrdreg $0x0  }
0xa8: {  	s5 =	sshll.u32 s28, $0x1;
	[dreg:$0x2] =	wrdreg s3  }
0xa9: {  	[dreg:$0x3] =	wrdreg s5  }
0xaa: {  	[dreg:$0x4] =	wrdreg $0xC0  }
0xab: {  	_ =	task [dreg:s7], $0x5FFFF  }
0xac: {  	[dreg:$0x1] =	wrdreg $0xFFFFFFFF  }
0xad: {  	[dreg:$0x0] =	wrdreg $0x60  }
0xae: {  	[dreg:$0x2] =	wrdreg s24  }
0xaf: {  	[dreg:$0x3] =	wrdreg s2  }
0xb0: {  	[dreg:$0x4] =	wrdreg $0x16CF80  }
0xb1: {  	[dreg:$0x5] =	wrdreg $0x1B6380  }
0xb2: {  	[dreg:$0x6] =	wrdreg $0x1C8380  }
0xb3: {  	[dreg:$0x7] =	wrdreg $0x9  }
0xb4: {  	_ =	task.clear_ibuf [dreg:s7], $0x8FFFF;
	_ =	strace $0x90000046  }
0xb5: {  	s29 =	simm.s32 $0x9;
	_ =	strace $0x80000048  }
0xb6: {  	_ =	swait.ge [sflag:s29], $0x1  }
0xb7: {  	[sflag:s29] =	ssyncadd.s32 $0xFFFFFFFF  }
0xb8: {  	_ =	strace $0x90000048  }
0xb9: {  	_ =	sfence  }
0xba: {  	s30 =	sld [smem:$0x0];
	_ =	sdelay $0x2  }
0xbb: {  	s31 =	sshll.u32 s1, $0xD;
	s1 =	sshrl.u32 s1, $0x2  }
0xbc: {  	s3 =	sand.u32 $0x4000, s31;
	s1 =	sadd.s32 s1, s30  }
0xbd: {  	s0 =	sor.u32 s3, s0;
	s1 =	sshll.u32 s1, $0x11  }
0xbe: {  	s0 =	sor.u32 s1, s0  }
0xbf: {  	s0 =	sadd.s32 $0x8F2B, s0  }
0xc0: {  	[sflag:s0] =	ssyncadd.remote.s32 $0x1  }
0xc1: {  	_ =	sfence.sel $0xFFFF  }
0xc2: {  	[dreg:$0x0] =	wrdreg $0xFFFFFFFF;
	(pc) =	sbr.abs _section_cstart, $3  }
0xc3: {  	[dreg:$0x1] =	wrdreg $0xFFFFFFFF  }
0xc4: {  	_ =	task.clear_ibuf [dreg:s7], $0x2FFFF;
	_ =	strace $0x9FFFFFFF  }
0xc5: {  	(tm) =	ssettm $0x7FFFFFFF  }
tec
execute0_lowered:
.L_overlay_start_1:
0x0: {  	(tag) =	ssettag $0x1  }
0x1: {  	s0 =	rddreg [dreg:$0x0]  }
0x2: {  	s1 =	rddreg [dreg:$0x1]  }
0x3: {  	s7 =	rddreg [dreg:$0x2]  }
0x4: {  	s12 =	rddreg [dreg:$0x3]  }
0x5: {  	s13 =	rddreg [dreg:$0x4]  }
0x6: {  	s5 =	simm.s32 $0x0;
	s2 =	srdreg.scid;
	s14 =	stileid.u32  }
0x7: {  	[smem:$0x7FF] =	sst s5;
	s10 =	smul.u32 $0x186A0, s14  }
0x8: {  	s2 =	sand.u32 $0x1, s2;
	s4 =	sadd.s32 $0x600, s0;
	s31 =	smul.u32 $0x4800, s14  }
0x9: {  	s6 =	sadd.s32 $0x49A00, s0;
	p1 =	seq.s32 s14, $0x3;
	s3 =	smul.u32 $0x61A80, s2  }
0xa: {  	_ =	strace $0x80000047;
	s21 =	ssub.s32 $0x2, s2;
	s8 =	smul.u32 $0xC350, s2  }
0xb: {  	s11 =	smul.u32 $0xC3500, s2;
	s17 =	simm.s32 @!p1 $0x0;
	s9 =	sshrl.u32 s21, $0x1  }
0xc: {  	s24 =	sshrl.u32 s10, $0x2;
	s17 =	simm.s32 @p1 $0x1;
	s3 =	sshrl.u32 s3, $0x3  }
0xd: {  	s16 =	sadd.s32 s24, s7;
	s30 =	sshrl.u32 s11, $0x3;
	[smem:$0x7D9] =	sst s17  }
0xe: {  	s3 =	sadd.s32 s4, s3;
	s4 =	sadd.s32 s4, s8;
	[dreg:$0x9] =	wrdreg s16  }
0xf: {  	s0 =	ssub.s32 s21, s9;
	s2 =	sadd.s32 $0x188200, s30;
	[dreg:$0x8] =	wrdreg s4  }
0x10: {  	s0 =	smax.u32 s0, $0x1;
	[dreg:$0x1a] =	wrdreg s2  }
0x11: {  	s21 =	sshrl.u32 s31, $0x2;
	s31 =	sadd.s32 $0x186A0, s16;
	[dreg:$0x1b] =	wrdreg s0  }
0x12: {  	s24 =	sadd.s32 s21, s12;
	s21 =	sadd.s32 $0x927C00, s11;
	[dreg:$0x1f] =	wrdreg s31  }
0x13: {  	s22 =	sadd.s32 $0x30D40, s3;
	[smem:$0x7E9] =	sst s21  }
0x14: {  	p4 =	seq.s32 s14, $0x6;
	s23 =	sadd.s32 $0x186A0, s3;
	[dreg:$0x6] =	wrdreg s22  }
0x15: {  	p0 =	seq.s32 @!p1 s14, $0x4;
	s25 =	sadd.s32 $0x30D4, s3;
	[dreg:$0x7] =	wrdreg s23  }
0x16: {  	p2 =	por p1, p0;
	s26 =	sadd.s32 $0x1B774, s3;
	[dreg:$0xa] =	wrdreg s25  }
0x17: {  	s17 =	smul.u32 $0xD800, s14;
	s28 =	sadd.s32 $0x33E14, s3;
	[dreg:$0xb] =	wrdreg s26  }
0x18: {  	s10 =	sadd.s32 $0x1574C0, s30;
	s29 =	sadd.s32 $0x61A8, s3;
	[dreg:$0xc] =	wrdreg s28  }
0x19: {  	s8 =	sadd.s32 $0xC4D00, s30;
	s18 =	sadd.s32 $0x36EE8, s3;
	[dreg:$0xd] =	wrdreg s29  }
0x1a: {  	s9 =	sadd.s32 $0x93FC0, s30;
	s19 =	sadd.s32 $0x927C, s3;
	[dreg:$0x11] =	wrdreg s18  }
0x1b: {  	s15 =	sadd.s32 $0xF5A40, s30;
	s20 =	sadd.s32 $0x2191C, s3;
	[dreg:$0x12] =	wrdreg s19  }
0x1c: {  	s8 =	smov.u32 @p1 s9;
	s2 =	sadd.s32 $0x30D40, s16;
	[dreg:$0x13] =	wrdreg s20  }
0x1d: {  	s9 =	sadd.s32 $0x126780, s30;
	s31 =	sadd.s32 $0x1200, s13;
	[smem:$0x7E3] =	sst s2  }
0x1e: {  	s15 =	smov.u32 @p2 s8;
	s10 =	smov.u32 @p4 s9;
	[smem:$0x7F0] =	sst s31  }
0x1f: {  	s22 =	sshrl.u32 s17, $0x2;
	s17 =	sadd.s32 $0x30D40, s7;
	[dreg:$0xf] =	wrdreg s15  }
0x20: {  	s18 =	sadd.s32 $0x186A0, s7;
	s7 =	sadd.s32 $0xFFFE7960, s16;
	[dreg:$0xe] =	wrdreg s10  }
0x21: {  	s8 =	sadd.s32 $0xFFFCF2C0, s16;
	[smem:$0x7E4] =	sst s7  }
0x22: {  	s9 =	sadd.s32 $0xFFFB6C20, s16;
	[smem:$0x7E5] =	sst s8  }
0x23: {  	[smem:$0x7E6] =	sst s9  }
0x24: {  	[dreg:$0x1d] =	wrdreg s17  }
0x25: {  	s15 =	sadd.s32 $0x1E848, s3;
	[dreg:$0x1e] =	wrdreg s18  }
0x26: {  	s23 =	sadd.s32 $0x1800, s30;
	s3 =	sadd.s32 $0x39FBC, s3;
	[dreg:$0x10] =	wrdreg s15  }
0x27: {  	s28 =	sadd.s32 $0x32540, s30;
	s26 =	sadd.s32 s1, s23;
	[dreg:$0x14] =	wrdreg s3  }
0x28: {  	s29 =	sadd.s32 s1, s28;
	[dreg:$0x15] =	wrdreg s26  }
0x29: {  	s10 =	sadd.s32 $0xAAE600, s11;
	[dreg:$0x17] =	wrdreg s29  }
0x2a: {  	s25 =	sadd.s32 s22, s13;
	s22 =	sadd.s32 $0x7A1200, s11;
	[smem:$0x7E7] =	sst s10  }
0x2b: {  	s4 =	stileid.u32;
	s7 =	sadd.s32 $0xC35000, s11;
	[smem:$0x7EA] =	sst s22  }
0x2c: {  	p0 =	seq.s32 s4, $0x2;
	s8 =	sadd.s32 $0x3000, s13;
	[smem:$0x7F1] =	sst s7  }
0x2d: {  	s0 =	simm.s32 @!p0 $0x0;
	s3 =	sadd.s32 s6, s23;
	[smem:$0x7F2] =	sst s8  }
0x2e: {  	s20 =	sadd.s32 $0xC00, s12;
	s0 =	simm.s32 @p0 $0x1;
	[dreg:$0x16] =	wrdreg s3  }
0x2f: {  	s15 =	sadd.s32 $0x600, s12;
	s12 =	sadd.s32 $0x2A00, s13;
	[smem:$0x7DA] =	sst s0  }
0x30: {  	s23 =	sadd.s32 $0x2400, s13;
	[smem:$0x7E8] =	sst s12  }
0x31: {  	s26 =	sadd.s32 $0x1E00, s13;
	[smem:$0x7EB] =	sst s23  }
0x32: {  	s2 =	sadd.s32 $0x600, s13;
	s29 =	sadd.s32 $0x1800, s13;
	[smem:$0x7EC] =	sst s26  }
0x33: {  	s9 =	sadd.s32 $0xC00, s13;
	s13 =	sadd.s32 $0xC00, s24;
	[smem:$0x7EE] =	sst s29  }
0x34: {  	s21 =	sadd.s32 $0x600, s25;
	[smem:$0x7F5] =	sst s13  }
0x35: {  	s14 =	sadd.s32 $0x186A00, s11;
	s22 =	sadd.s32 $0xC00, s25;
	[smem:$0x7F6] =	sst s21  }
0x36: {  	p3 =	sne.s32 s4, $0x0;
	s31 =	sadd.s32 $0x3000, s25;
	[smem:$0x7F7] =	sst s22  }
0x37: {  	p1 =	seq.s32 @!p4 s4, $0x7;
	s3 =	sadd.s32 s6, s28;
	[smem:$0x7FD] =	sst s31  }
0x38: {  	p6 =	slt.u32 s4, $0xC;
	s28 =	sadd.s32 $0x61A800, s11;
	[dreg:$0x18] =	wrdreg s3  }
0x39: {  	s19 =	sadd.s32 $0x30D400, s11;
	s12 =	sadd.s32 $0x600, s24;
	[smem:$0x7ED] =	sst s28  }
0x3a: {  	p0 =	seq.s32 @!p2 s4, $0x5;
	s23 =	sadd.s32 $0x1200, s25;
	[smem:$0x7F4] =	sst s12  }
0x3b: {  	s0 =	simm.s32 @!p2 $0x0;
	s26 =	sadd.s32 $0x1800, s25;
	[smem:$0x7F8] =	sst s23  }
0x3c: {  	p0 =	por p2, p0;
	s29 =	sadd.s32 $0x2400, s25;
	[smem:$0x7F9] =	sst s26  }
0x3d: {  	s3 =	sadd.s32 $0x63280, s30;
	s0 =	simm.s32 @p2 $0x1;
	[smem:$0x7FB] =	sst s29  }
0x3e: {  	s30 =	sand.u32 $0xC, s4;
	[smem:$0x7DB] =	sst s0;
	s0 =	simm.s32 @!p0 $0x0  }
0x3f: {  	p5 =	sne.s32 s4, $0x8;
	[dreg:$0x1c] =	wrdreg s30;
	s0 =	simm.s32 @p0 $0x1  }
0x40: {  	s13 =	simm.s32 $0x1;
	[smem:$0x7DC] =	sst s0;
	s0 =	simm.s32 @!p4 $0x0  }
0x41: {  	[dreg:$0x19] =	wrdreg s3;
	p0 =	por p4, p1;
	s0 =	simm.s32 @p4 $0x1  }
0x42: {  	s28 =	sadd.s32 $0x1E00, s25;
	[smem:$0x7DD] =	sst s0;
	s0 =	simm.s32 @!p0 $0x0  }
0x43: {  	[smem:$0x7FA] =	sst s28;
	s0 =	simm.s32 @p0 $0x1;
	p0 =	seq.s32 s30, $0x4  }
0x44: {  	s10 =	sadd.s32 s1, s3;
	[smem:$0x7DE] =	sst s0;
	s0 =	simm.s32 @!p0 $0x0  }
0x45: {  	[smem:$0x7F3] =	sst s10;
	s0 =	simm.s32 @p0 $0x1;
	p0 =	seq.s32 s4, $0x4  }
0x46: {  	s22 =	simm.s32 $0x0;
	[smem:$0x7DF] =	sst s0;
	s0 =	simm.s32 @!p0 $0x0  }
0x47: {  	s30 =	sadd.s32 $0x493E00, s11;
	s0 =	simm.s32 @p0 $0x1;
	p0 =	sgt.s32 s4, $0x5  }
.Ltmp0:
0x48: {  	[smem:$0x7E0] =	sst s0;
	s0 =	simm.s32 @!p0 $0x0;
	(pc) =	sbr.rel .LBB2_1-.Ltmp0, $4  }
0x49: {  	[smem:$0x7EF] =	sst s30;
	s0 =	simm.s32 @p0 $0x1;
	p0 =	seq.s32 s4, $0x8  }
0x4a: {  	s30 =	sadd.s32 $0x2A00, s25;
	[smem:$0x7E1] =	sst s0;
	s0 =	simm.s32 @!p0 $0x0  }
0x4b: {  	s12 =	simm.s32 $0x2;
	[smem:$0x7FC] =	sst s30;
	s0 =	simm.s32 @p0 $0x1  }
0x4c: {  	p1 =	sgt.s32 s4, $0x4;
	s10 =	simm.s32 $0x136F8;
	[smem:$0x7E2] =	sst s0  }
.LBB2_49:
0x4d: {  	s3 =	sld [smem:$0x7DD];
	_ =	sdelay $0x1  }
0x4e: {  	s0 =	sld [smem:$0x7E8]  }
0x4f: {  	p0 =	seq.s32 s3, $0x1;
	s3 =	sld [smem:$0x7EB];
	_ =	sdelay $0x2  }
0x50: {  	s0 =	smov.u32 @p0 s3;
	s3 =	rddreg [dreg:$0xe]  }
.LBB2_52:
0x51: {  	s4 =	stileid.u32;
	s3 =	sadd.s32 s6, s3  }
0x52: {  	s0 =	sshrl.u32 s0, $0x3;
	s7 =	simm.s32 $0x186A;
	s4 =	sshll.u32 s4, $0x6  }
0x53: {  	s8 =	simm.s32 $0x6C0;
	s21 =	simm.s32 $0x35;
	s4 =	sor.u32 $0x1C01, s4  }
0x54: {  	[hbm:s3@s7], [sflag:s4] =	dma.strided [spmem:s0@s8], $0x6A0, s21, $0x2   }
0x55: {  	_ =	swait.ge [sflag:s13], $0x6A0  }
0x56: {  	[sflag:s13] =	ssyncset.done $0x0  }
0x57: {  	s4 =	stileid.u32;
	[sflag:s13] =	ssyncadd.s32 $0xFFFFF960  }
.LBB2_53:
0x58: {  	s22 =	sadd.s32 $0x1, s22;
	s0 =	rddreg [dreg:$0x1b]  }
0x59: {  	p0 =	sne.s32 s22, s0  }
.Ltmp1:
0x5a: {  	_ = 	snop;
	(pc) =	sbr.rel @!p0 .LBB2_54-.Ltmp1, $1  }
0x5b: {  	_ =	sdelay $0x3  }
.LBB2_1:
0x5c: {  	s0 =	sld [smem:$0x7DA];
	_ =	sdelay $0x2  }
0x5d: {  	p0 =	seq.s32 s0, $0x1  }
.Ltmp2:
0x5e: {  	_ = 	snop;
	(pc) =	sbr.rel @p0 .LBB2_6-.Ltmp2, $2  }
0x5f: {  	_ =	sdelay $0x2  }
0x60: {  	[smem:$0x7D8] =	sst s22  }
0x61: {  	p0 =	seq.s32 s4, $0x1  }
.Ltmp3:
0x62: {  	_ = 	snop;
	(pc) =	sbr.rel @p0 .LBB2_5-.Ltmp3, $1  }
0x63: {  	_ =	sdelay $0x3  }
.Ltmp4:
0x64: {  	(pc) =	sbr.rel @p3 .LBB2_8-.Ltmp4, $1  }
0x65: {  	_ =	sdelay $0x3  }
.Ltmp5:
0x66: {  	(pc) =	sbr.rel .LBB2_7-.Ltmp5, $4  }
0x67: {  	s0 =	rddreg [dreg:$0x2]  }
0x68: {  	s3 =	rddreg [dreg:$0x8];
	s7 =	simm.s32 $0x1C01  }
0x69: {  	p0 =	por $0x0, $0x0;
	p2 =	por $0x0, $0x0;
	s0 =	sshrl.u32 s0, $0x3  }
0x6a: {  	[spmem:s0], [sflag:s7] =	dma.local [hbm:s3], $0x30D4  }
.LBB2_5:
.Ltmp6:
0x6b: {  	(pc) =	sbr.rel .LBB2_7-.Ltmp6, $4  }
0x6c: {  	_ = 	snop  }
0x6d: {  	s0 =	sshrl.u32 s18, $0x3;
	s3 =	rddreg [dreg:$0x7]  }
0x6e: {  	s7 =	simm.s32 $0x1C41;
	p2 =	por $0x1, $0x1;
	p0 =	por $0x0, $0x0  }
0x6f: {  	[spmem:s0], [sflag:s7] =	dma.local [hbm:s3], $0x30D4  }
.LBB2_6:
0x70: {  	s0 =	sshrl.u32 s17, $0x3;
	s3 =	rddreg [dreg:$0x6]  }
0x71: {  	s7 =	simm.s32 $0x1C81;
	p2 =	por $0x0, $0x0;
	p0 =	por $0x1, $0x1  }
0x72: {  	[spmem:s0], [sflag:s7] =	dma.local [hbm:s3], $0x30D4  }
.LBB2_7:
0x73: {  	_ =	swait.ge [sflag:s13], $0x30D4  }
0x74: {  	[sflag:s13] =	ssyncset.done $0x0  }
0x75: {  	[sflag:s13] =	ssyncadd.s32 $0xFFFFCF2C  }
0x76: {  	[bflag:$0x0] =	sbarrier.arrive $0xFFFF  }
.LBB2_9:
0x77: {  	[tilespmem:s5], [sflag:$0x1] =	stream.linear.gather [spmem:s16], $0x61A8, $0x38;
	[tilespmem:$0x1FE38] =	vst v63  }
0x78: {  	_ =	swait.ge [sflag:s13], $0x61A8  }
0x79: {  	[sflag:s13] =	ssyncset.done $0x0  }
0x7a: {  	s3 =	simm.s32 $0x61A8;
	s0 =	rddreg [dreg:$0x1f];
	[sflag:s13] =	ssyncadd.s32 $0xFFFF9E58  }
0x7b: {  	[tilespmem:s3], [sflag:$0x1] =	stream.linear.gather [spmem:s0], $0x61A8, $0x38;
	[tilespmem:$0x1FE38] =	vst v63  }
0x7c: {  	_ =	swait.ge [sflag:s13], $0x61A8  }
0x7d: {  	s30 =	sld [smem:$0x7E3]  }
0x7e: {  	[sflag:s13] =	ssyncset.done $0x0  }
0x7f: {  	s31 =	simm.s32 $0xC350;
	[sflag:s13] =	ssyncadd.s32 $0xFFFF9E58  }
0x80: {  	[tilespmem:s31], [sflag:$0x1] =	stream.linear.gather [spmem:s30], $0x61A8, $0x38;
	[tilespmem:$0x1FE38] =	vst v63  }
.Ltmp7:
0x81: {  	_ =	swait.ge [sflag:s13], $0x61A8;
	(pc) =	sbr.rel @!p3 .LBB2_10-.Ltmp7, $3  }
0x82: {  	[sflag:s13] =	ssyncset.done $0x0  }
0x83: {  	[sflag:s13] =	ssyncadd.s32 $0xFFFF9E58  }
0x84: {  	[bflag:$0x0] =	sbarrier.arrive $0xFFFF;
	_ =	sdelay $0x1  }
.Ltmp8:
0x85: {  	(pc) =	sbr.rel @!p2 .LBB2_11-.Ltmp8, $1  }
0x86: {  	_ =	sdelay $0x3  }
.LBB2_13:
0x87: {  	s0 =	sshll.u32 s4, $0x6  }
0x88: {  	s3 =	sshrl.u32 s18, $0x3;
	s7 =	rddreg [dreg:$0xb];
	s0 =	sor.u32 $0x1C01, s0  }
0x89: {  	[spmem:s3], [sflag:s0] =	dma.local [hbm:s7], $0x30D4  }
.Ltmp9:
0x8a: {  	_ = 	snop;
	(pc) =	sbr.rel @!p0 .LBB2_15-.Ltmp9, $4  }
.Ltmp10:
0x8b: {  	_ = 	snop;
	(pc) =	sbr.rel @p0 .LBB2_14-.Ltmp10, $4  }
0x8c: {  	_ =	swait.ge [sflag:s13], $0x30D4  }
0x8d: {  	[sflag:s13] =	ssyncset.done $0x0  }
0x8e: {  	p2 =	por $0x0, $0x0;
	p4 =	por $0x1, $0x1;
	[sflag:s13] =	ssyncadd.s32 $0xFFFFCF2C  }
0x8f: {  	_ = 	snop  }
.LBB2_10:
0x90: {  	s0 =	rddreg [dreg:$0x2]  }
0x91: {  	s3 =	rddreg [dreg:$0xa]  }
.Ltmp11:
0x92: {  	s7 =	simm.s32 $0x1C01;
	s0 =	sshrl.u32 s0, $0x3;
	(pc) =	sbr.rel @p2 .LBB2_13-.Ltmp11, $4  }
0x93: {  	[spmem:s0], [sflag:s7] =	dma.local [hbm:s3], $0x30D4  }
0x94: {  	_ =	swait.ge [sflag:s13], $0x30D4  }
0x95: {  	[sflag:s13] =	ssyncset.done $0x0  }
0x96: {  	[sflag:s13] =	ssyncadd.s32 $0xFFFFCF2C  }
.LBB2_11:
.Ltmp12:
0x97: {  	(pc) =	sbr.rel @!p0 .LBB2_15-.Ltmp12, $2  }
0x98: {  	_ =	sdelay $0x2  }
0x99: {  	p4 =	por $0x0, $0x0;
	p2 =	por $0x0, $0x0  }
.LBB2_14:
0x9a: {  	s0 =	sshll.u32 s4, $0x6  }
0x9b: {  	s3 =	sshrl.u32 s17, $0x3;
	s7 =	rddreg [dreg:$0xc];
	s0 =	sor.u32 $0x1C01, s0  }
0x9c: {  	[spmem:s3], [sflag:s0] =	dma.local [hbm:s7], $0x30D4  }
0x9d: {  	_ =	swait.ge [sflag:s13], $0x30D4  }
0x9e: {  	[sflag:s13] =	ssyncset.done $0x0  }
0x9f: {  	p2 =	por $0x1, $0x1;
	[sflag:s13] =	ssyncadd.s32 $0xFFFFCF2C  }
.LBB2_15:
0xa0: {  	[bflag:$0x0] =	sbarrier.arrive $0xFFFF  }
0xa1: {  	s0 =	sld [smem:$0x7DF];
	_ =	sdelay $0x2  }
0xa2: {  	p0 =	seq.s32 s0, $0x1  }
.Ltmp13:
0xa3: {  	_ = 	snop;
	(pc) =	sbr.rel @!p0 .LBB2_20-.Ltmp13, $1  }
0xa4: {  	_ =	sdelay $0x3  }
.LBB2_16:
0xa5: {  	s0 =	sld [smem:$0x7E4];
	_ =	sdelay $0x2  }
0xa6: {  	[tilespmem:s5], [sflag:$0x1] =	stream.linear.gather [spmem:s0], $0x61A8, $0x38;
	[tilespmem:$0x1FE38] =	vst v63  }
0xa7: {  	_ =	swait.ge [sflag:s13], $0x61A8  }
0xa8: {  	[sflag:s13] =	ssyncset.done $0x0  }
0xa9: {  	s30 =	simm.s32 $0x61A8;
	[sflag:s13] =	ssyncadd.s32 $0xFFFF9E58  }
0xaa: {  	[tilespmem:s30], [sflag:$0x1] =	stream.linear.gather [spmem:s16], $0x61A8, $0x38;
	[tilespmem:$0x1FE38] =	vst v63  }
0xab: {  	_ =	swait.ge [sflag:s13], $0x61A8  }
0xac: {  	[sflag:s13] =	ssyncset.done $0x0  }
0xad: {  	s3 =	simm.s32 $0xC350;
	s31 =	rddreg [dreg:$0x1f];
	[sflag:s13] =	ssyncadd.s32 $0xFFFF9E58  }
0xae: {  	[tilespmem:s3], [sflag:$0x1] =	stream.linear.gather [spmem:s31], $0x61A8, $0x38;
	[tilespmem:$0x1FE38] =	vst v63  }
.Ltmp14:
0xaf: {  	_ =	swait.ge [sflag:s13], $0x61A8;
	(pc) =	sbr.rel @!p4 .LBB2_21-.Ltmp14, $4  }
0xb0: {  	[sflag:s13] =	ssyncset.done $0x0  }
0xb1: {  	[sflag:s13] =	ssyncadd.s32 $0xFFFF9E58  }
0xb2: {  	[bflag:$0x0] =	sbarrier.arrive $0xFFFF  }
0xb3: {  	s0 =	simm.s32 $0x4  }
.LBB2_17:
0xb4: {  	s3 =	sshll.u32 s4, $0x6  }
0xb5: {  	s31 =	sshrl.u32 s18, $0x3;
	s7 =	rddreg [dreg:$0x10];
	s3 =	sor.u32 $0x1C01, s3  }
0xb6: {  	[spmem:s31], [sflag:s3] =	dma.local [hbm:s7], $0x30D4  }
.Ltmp15:
0xb7: {  	_ = 	snop;
	(pc) =	sbr.rel @!p2 .LBB2_23-.Ltmp15, $4  }
.Ltmp16:
0xb8: {  	_ = 	snop;
	(pc) =	sbr.rel @p2 .LBB2_22-.Ltmp16, $4  }
0xb9: {  	_ =	swait.ge [sflag:s13], $0x30D4  }
0xba: {  	s4 =	stileid.u32;
	[sflag:s13] =	ssyncset.done $0x0  }
0xbb: {  	p0 =	por $0x0, $0x0;
	p4 =	por $0x1, $0x1;
	[sflag:s13] =	ssyncadd.s32 $0xFFFFCF2C  }
0xbc: {  	_ = 	snop  }
.LBB2_20:
0xbd: {  	[bflag:$0x0] =	sbarrier.arrive $0xFFFF  }
0xbe: {  	s0 =	rddreg @p3 [dreg:$0x1c]  }
0xbf: {  	s7 =	simm.s32 @!p3 $0x1C01;
	s0 =	rddreg @!p3 [dreg:$0x2]  }
.Ltmp17:
0xc0: {  	s3 =	rddreg @!p3 [dreg:$0xd];
	s0 =	sshrl.u32 @!p3 s0, $0x3;
	(pc) =	sbr.rel @p4 .LBB2_17-.Ltmp17, $4  }
0xc1: {  	[spmem:s0], [sflag:s7] =	dma.local @!p3 [hbm:s3], $0x30D4  }
0xc2: {  	_ =	swait.ge @!p3 [sflag:s13], $0x30D4  }
0xc3: {  	[sflag:s13] =	ssyncset.done @!p3 $0x0  }
0xc4: {  	s0 =	simm.s32 @!p3 $0x0;
	[sflag:s13] =	ssyncadd.s32 @!p3 $0xFFFFCF2C  }
.LBB2_21:
.Ltmp18:
0xc5: {  	(pc) =	sbr.rel @!p2 .LBB2_23-.Ltmp18, $2  }
0xc6: {  	_ =	sdelay $0x2  }
0xc7: {  	p4 =	por $0x0, $0x0;
	p0 =	por $0x0, $0x0  }
.LBB2_22:
0xc8: {  	s3 =	sshll.u32 s4, $0x6  }
0xc9: {  	s31 =	sshrl.u32 s17, $0x3;
	s7 =	rddreg [dreg:$0x11];
	s3 =	sor.u32 $0x1C01, s3  }
0xca: {  	[spmem:s31], [sflag:s3] =	dma.local [hbm:s7], $0x30D4  }
0xcb: {  	_ =	swait.ge [sflag:s13], $0x30D4  }
0xcc: {  	[sflag:s13] =	ssyncset.done $0x0  }
0xcd: {  	s4 =	stileid.u32;
	p0 =	por $0x1, $0x1;
	[sflag:s13] =	ssyncadd.s32 $0xFFFFCF2C  }
.LBB2_23:
0xce: {  	[bflag:$0x0] =	sbarrier.arrive $0xFFFF  }
0xcf: {  	s22 =	sld [smem:$0x7E5]  }
0xd0: {  	p2 =	sne.s32 s0, $0x8  }
0xd1: {  	s0 =	simm.s32 @!p2 $0x0  }
0xd2: {  	[tilespmem:s0], [sflag:$0x1] =	stream.linear.gather @!p2 [spmem:s22], $0x61A8, $0x38;
	[tilespmem:$0x1FE38] =	vst v63  }
0xd3: {  	s0 =	simm.s32 @!p2 $0x1  }
0xd4: {  	_ =	swait.ge @!p2 [sflag:s0], $0x61A8  }
0xd5: {  	s21 =	sld [smem:$0x7E4]  }
0xd6: {  	[sflag:s0] =	ssyncset.done @!p2 $0x0  }
0xd7: {  	s3 =	simm.s32 @!p2 $0x61A8;
	[sflag:s0] =	ssyncadd.s32 @!p2 $0xFFFF9E58  }
0xd8: {  	[tilespmem:s3], [sflag:$0x1] =	stream.linear.gather @!p2 [spmem:s21], $0x61A8, $0x38;
	[tilespmem:$0x1FE38] =	vst v63  }
0xd9: {  	_ =	swait.ge @!p2 [sflag:s0], $0x61A8  }
0xda: {  	[sflag:s0] =	ssyncset.done @!p2 $0x0  }
0xdb: {  	s3 =	simm.s32 @!p2 $0xC350;
	[sflag:s0] =	ssyncadd.s32 @!p2 $0xFFFF9E58  }
0xdc: {  	[tilespmem:s3], [sflag:$0x1] =	stream.linear.gather @!p2 [spmem:s16], $0x61A8, $0x38;
	[tilespmem:$0x1FE38] =	vst v63  }
0xdd: {  	_ =	swait.ge @!p2 [sflag:s0], $0x61A8  }
0xde: {  	[sflag:s0] =	ssyncset.done @!p2 $0x0  }
0xdf: {  	[sflag:s0] =	ssyncadd.s32 @!p2 $0xFFFF9E58  }
0xe0: {  	[bflag:$0x0] =	sbarrier.arrive $0xFFFF  }
0xe1: {  	s0 =	rddreg [dreg:$0x2]  }
0xe2: {  	s3 =	simm.s32 @!p3 $0x1C01;
	s7 =	rddreg [dreg:$0x12];
	s0 =	sshrl.u32 @!p3 s0, $0x3  }
0xe3: {  	[spmem:s0], [sflag:s3] =	dma.local @!p3 [hbm:s7], $0x30D4  }
0xe4: {  	s0 =	simm.s32 @!p3 $0x1  }
0xe5: {  	s8 =	sshll.u32 @p4 s4, $0x6;
	_ =	swait.ge @!p3 [sflag:s0], $0x30D4  }
0xe6: {  	s7 =	sor.u32 @p4 $0x1C01, s8;
	[sflag:s0] =	ssyncset.done @!p3 $0x0;
	s3 =	rddreg [dreg:$0x13]  }
0xe7: {  	[smem:$0x7D6] =	sst s7;
	[sflag:s0] =	ssyncadd.s32 @!p3 $0xFFFFCF2C;
	s0 =	sshrl.u32 @p4 s18, $0x3  }
0xe8: {  	[spmem:s0], [sflag:s7] =	dma.local @p4 [hbm:s3], $0x30D4  }
0xe9: {  	s0 =	simm.s32 @p4 $0x1  }
0xea: {  	s13 =	sshll.u32 @p0 s4, $0x6;
	_ =	swait.ge @p4 [sflag:s0], $0x30D4  }
0xeb: {  	s4 =	sor.u32 @p0 $0x1C01, s13;
	[sflag:s0] =	ssyncset.done @p4 $0x0;
	s3 =	rddreg [dreg:$0x14]  }
0xec: {  	[smem:$0x7D7] =	sst s4;
	[sflag:s0] =	ssyncadd.s32 @p4 $0xFFFFCF2C;
	s0 =	sshrl.u32 @p0 s17, $0x3  }
0xed: {  	[spmem:s0], [sflag:s4] =	dma.local @p0 [hbm:s3], $0x30D4  }
0xee: {  	s0 =	simm.s32 @p0 $0x1  }
0xef: {  	_ =	swait.ge @p0 [sflag:s0], $0x30D4  }
0xf0: {  	[sflag:s0] =	ssyncset.done @p0 $0x0  }
0xf1: {  	[sflag:s0] =	ssyncadd.s32 @p0 $0xFFFFCF2C  }
0xf2: {  	[bflag:$0x0] =	sbarrier.arrive $0xFFFF  }
0xf3: {  	s3 =	sld [smem:$0x7E6];
	_ =	sdelay $0x1  }
0xf4: {  	s0 =	simm.s32 @!p6 $0x0  }
0xf5: {  	[tilespmem:s0], [sflag:$0x1] =	stream.linear.gather @!p6 [spmem:s3], $0x61A8, $0x38;
	[tilespmem:$0x1FE38] =	vst v63  }
0xf6: {  	s0 =	simm.s32 @!p6 $0x1  }
0xf7: {  	_ =	swait.ge @!p6 [sflag:s0], $0x61A8  }
0xf8: {  	[sflag:s0] =	ssyncset.done @!p6 $0x0  }
0xf9: {  	s3 =	simm.s32 @!p6 $0x61A8;
	[sflag:s0] =	ssyncadd.s32 @!p6 $0xFFFF9E58  }
0xfa: {  	[tilespmem:s3], [sflag:$0x1] =	stream.linear.gather @!p6 [spmem:s22], $0x61A8, $0x38;
	[tilespmem:$0x1FE38] =	vst v63  }
0xfb: {  	_ =	swait.ge @!p6 [sflag:s0], $0x61A8  }
0xfc: {  	[sflag:s0] =	ssyncset.done @!p6 $0x0  }
0xfd: {  	s3 =	simm.s32 @!p6 $0xC350;
	[sflag:s0] =	ssyncadd.s32 @!p6 $0xFFFF9E58  }
0xfe: {  	[tilespmem:s3], [sflag:$0x1] =	stream.linear.gather @!p6 [spmem:s21], $0x61A8, $0x38;
	[tilespmem:$0x1FE38] =	vst v63  }
.Ltmp19:
0xff: {  	_ =	swait.ge @!p6 [sflag:s0], $0x61A8;
	(pc) =	sbr.rel .LBB2_24-.Ltmp19, $4  }
0x100: {  	[sflag:s0] =	ssyncset.done @!p6 $0x0  }
0x101: {  	[sflag:s0] =	ssyncadd.s32 @!p6 $0xFFFF9E58  }
0x102: {  	[bflag:$0x0] =	sbarrier.arrive $0xFFFF  }
0x103: {  	s31 =	simm.s32 $0x0  }
.LBB2_35:
0x104: {  	s3 =	sld [smem:$0x7EA];
	_ =	sdelay $0x1  }
0x105: {  	s4 =	sld [smem:$0x7EC]  }
0x106: {  	s7 =	simm.s32 $0xC;
	s3 =	sadd.s32 s30, s3  }
0x107: {  	s17 =	simm.s32 $0x186A;
	s18 =	simm.s32 $0x6C0;
	s3 =	sshrl.u32 s3, $0x3  }
0x108: {  	s21 =	simm.s32 $0x1D42;
	s4 =	sshrl.u32 s4, $0x3;
	s3 =	sadd.s32 s6, s3  }
0x109: {  	[hbm:s3@s17], [sflag:s21] =	dma.strided [spmem:s4@s18], $0xC00, s7, $0x10   }
.LBB2_37:
0x10a: {  	_ =	swait.ge [sflag:s12], $0xC00  }
0x10b: {  	[sflag:s12] =	ssyncset.done $0x0  }
0x10c: {  	[sflag:s12] =	ssyncadd.s32 $0xFFFFF400  }
.LBB2_39:
0x10d: {  	s31 =	sadd.s32 $0x1, s31  }
0x10e: {  	p2 =	sne.s32 s31, $0x20  }
.Ltmp20:
0x10f: {  	_ = 	snop;
	(pc) =	sbr.rel @!p2 .LBB2_40-.Ltmp20, $1  }
0x110: {  	_ =	sdelay $0x3  }
.LBB2_24:
0x111: {  	s30 =	smul.u32 $0x600, s31;
	_ =	sdelay $0x1  }
0x112: {  	s3 =	rddreg [dreg:$0x3];
	s4 =	simm.s32 @!p3 $0x240;
	s0 =	sadd.s32 @!p3 s11, s30  }
0x113: {  	s16 =	simm.s32 @!p3 $0x186A;
	s17 =	simm.s32 @!p3 $0x1C02;
	s22 =	sshrl.u32 @!p3 s0, $0x3  }
0x114: {  	s29 =	sshrl.u32 @!p3 s3, $0x3;
	s3 =	simm.s32 @!p3 $0xC;
	s0 =	sadd.s32 @!p3 s1, s22  }
0x115: {  	[spmem:s29@s4], [sflag:s17] =	dma.strided @!p3 [hbm:s0@s16], $0xC00, s3, $0x10   }
0x116: {  	s21 =	sor.u32 @p4 $0x1C02, s8;
	s0 =	simm.s32 @!p3 $0x2;
	s3 =	sadd.s32 @p4 s30, s14  }
0x117: {  	s4 =	simm.s32 @p4 $0xC;
	s16 =	simm.s32 @p4 $0x240;
	_ =	swait.ge @!p3 [sflag:s0], $0xC00  }
0x118: {  	s17 =	simm.s32 @p4 $0x186A;
	s23 =	sshrl.u32 @p4 s3, $0x3;
	[sflag:s0] =	ssyncset.done @!p3 $0x0  }
0x119: {  	s3 =	sadd.s32 @p4 s1, s23;
	[sflag:s0] =	ssyncadd.s32 @!p3 $0xFFFFF400;
	s0 =	sshrl.u32 @p4 s15, $0x3  }
0x11a: {  	[spmem:s0@s16], [sflag:s21] =	dma.strided @p4 [hbm:s3@s17], $0xC00, s4, $0x10   }
0x11b: {  	s3 =	simm.s32 @p4 $0x2  }
0x11c: {  	s26 =	sor.u32 @p0 $0x1C02, s13;
	_ =	swait.ge @p4 [sflag:s3], $0xC00  }
0x11d: {  	s28 =	simm.s32 @p0 $0x240;
	s4 =	sadd.s32 @p0 s30, s19;
	[sflag:s3] =	ssyncset.done @p4 $0x0  }
0x11e: {  	s7 =	simm.s32 @p0 $0x186A;
	[sflag:s3] =	ssyncadd.s32 @p4 $0xFFFFF400;
	s3 =	sshrl.u32 @p0 s4, $0x3  }
0x11f: {  	s16 =	sshrl.u32 @p0 s20, $0x3;
	s17 =	simm.s32 @p0 $0xC;
	s4 =	sadd.s32 @p0 s1, s3  }
0x120: {  	[spmem:s16@s28], [sflag:s26] =	dma.strided @p0 [hbm:s4@s7], $0xC00, s17, $0x10   }
0x121: {  	s4 =	simm.s32 @p0 $0x2  }
0x122: {  	_ =	swait.ge @p0 [sflag:s4], $0xC00  }
0x123: {  	[sflag:s4] =	ssyncset.done @p0 $0x0  }
0x124: {  	[sflag:s4] =	ssyncadd.s32 @p0 $0xFFFFF400  }
0x125: {  	s17 =	simm.s32 $0x124F8;
	[bflag:$0x0] =	sbarrier.arrive $0xFFFF  }
0x126: {  	[tilespmem:s17], [sflag:$0x2] =	stream.linear.gather [spmem:s24], $0x1200, $0x38;
	[tilespmem:$0x1FE38] =	vst v63  }
0x127: {  	_ =	swait.ge [sflag:s12], $0x1200  }
0x128: {  	[sflag:s12] =	ssyncset.done $0x0  }
0x129: {  	s18 =	simm.s32 $0x12B38;
	[sflag:s12] =	ssyncadd.s32 $0xFFFFEE00  }
0x12a: {  	v0 =	vld [tilespmem:s18+$0xFFFFFA30]  }
0x12b: {  	v1 =	vld [tilespmem:s18+$0xFFFFF9D0]  }
0x12c: {  	v2 =	vld [tilespmem:s18+$0xFFFFF9E0]  }
0x12d: {  	v3 =	vld [tilespmem:s18+$0xFFFFF9F0]  }
0x12e: {  	v4 =	vld [tilespmem:s18+$0xFFFFFA00]  }
0x12f: {  	v5 =	vld [tilespmem:s18+$0xFFFFFA10]  }
0x130: {  	v6 =	vld [tilespmem:s18+$0xFFFFFA20]  }
0x131: {  	v7 =	vld [tilespmem:s18+$0xFFFFF9C0]  }
0x132: {  	v8 =	vld.idx.msk [tilespmem:v0+s5+$0x0], $0xffff  }
0x133: {  	v9 =	vld.idx.msk [tilespmem:v1+s5+$0x0], $0xffff  }
0x134: {  	v10 =	vld.idx.msk [tilespmem:v2+s5+$0x0], $0xffff  }
0x135: {  	v11 =	vadd.s32 $0x61A8, v0;
	v12 =	vld.idx.msk [tilespmem:v3+s5+$0x0], $0xffff  }
0x136: {  	v13 =	vadd.s32 $0x61A8, v1;
	v14 =	vld.idx.msk [tilespmem:v4+s5+$0x0], $0xffff  }
0x137: {  	s28 =	simm.s32 $0x14F38;
	v15 =	vadd.s32 $0x61A8, v2;
	v16 =	vld.idx.msk [tilespmem:v5+s5+$0x0], $0xffff  }
0x138: {  	v17 =	vadd.s32 $0x61A8, v3;
	v18 =	vld.idx.msk [tilespmem:v6+s5+$0x0], $0xffff;
	[tilespmem:s28+$0xFFFFE830] =	vst v8  }
0x139: {  	v63 =	vadd.s32 $0x61A8, v4;
	v20 =	vld.idx.msk [tilespmem:v7+s5+$0x0], $0xffff;
	[tilespmem:s28+$0xFFFFE7D0] =	vst v9  }
0x13a: {  	v19 =	vadd.s32 $0x61A8, v5;
	[tilespmem:s28+$0xFFFFE7E0] =	vst v10;
	v11 =	vld.idx.msk [tilespmem:v11+s5+$0x0], $0xffff  }
0x13b: {  	v22 =	vadd.s32 $0x61A8, v7;
	[tilespmem:s28+$0xFFFFE7F0] =	vst v12;
	v21 =	vld.idx.msk [tilespmem:v13+s5+$0x0], $0xffff  }
0x13c: {  	v24 =	vadd.s32 $0x61A8, v6;
	[tilespmem:s28+$0xFFFFE800] =	vst v14;
	v23 =	vld.idx.msk [tilespmem:v15+s5+$0x0], $0xffff  }
0x13d: {  	v0 =	vadd.s32 $0xC350, v0;
	[tilespmem:s28+$0xFFFFE810] =	vst v16;
	v25 =	vld.idx.msk [tilespmem:v17+s5+$0x0], $0xffff  }
0x13e: {  	v1 =	vadd.s32 $0xC350, v1;
	[tilespmem:s28+$0xFFFFE7C0] =	vst v20;
	v8 =	vld.idx.msk [tilespmem:v63+s5+$0x0], $0xffff  }
0x13f: {  	v2 =	vadd.s32 $0xC350, v2;
	[tilespmem:s28+$0xFFFFE820] =	vst v18;
	v16 =	vld.idx.msk [tilespmem:v19+s5+$0x0], $0xffff  }
0x140: {  	v3 =	vadd.s32 $0xC350, v3;
	v9 =	vld.idx.msk [tilespmem:v22+s5+$0x0], $0xffff;
	[tilespmem:s28+$0xFFFFEE30] =	vst v11  }
0x141: {  	v4 =	vadd.s32 $0xC350, v4;
	v26 =	vld.idx.msk [tilespmem:v24+s5+$0x0], $0xffff;
	[tilespmem:s28+$0xFFFFEDD0] =	vst v21  }
0x142: {  	v7 =	vadd.s32 $0xC350, v7;
	[tilespmem:s28+$0xFFFFEDE0] =	vst v23;
	v0 =	vld.idx.msk [tilespmem:v0+s5+$0x0], $0xffff  }
0x143: {  	v5 =	vadd.s32 $0xC350, v5;
	[tilespmem:s28+$0xFFFFEDF0] =	vst v25;
	v1 =	vld.idx.msk [tilespmem:v1+s5+$0x0], $0xffff  }
0x144: {  	v6 =	vadd.s32 $0xC350, v6;
	[tilespmem:s28+$0xFFFFEE00] =	vst v8;
	v2 =	vld.idx.msk [tilespmem:v2+s5+$0x0], $0xffff  }
0x145: {  	[tilespmem:s28+$0xFFFFEDC0] =	vst v9;
	v3 =	vld.idx.msk [tilespmem:v3+s5+$0x0], $0xffff  }
0x146: {  	[tilespmem:s28+$0xFFFFEE10] =	vst v16;
	v4 =	vld.idx.msk [tilespmem:v4+s5+$0x0], $0xffff  }
0x147: {  	[tilespmem:s28+$0xFFFFEE20] =	vst v26;
	v7 =	vld.idx.msk [tilespmem:v7+s5+$0x0], $0xffff  }
0x148: {  	v5 =	vld.idx.msk [tilespmem:v5+s5+$0x0], $0xffff;
	[tilespmem:s28+$0xFFFFF430] =	vst v0  }
0x149: {  	[tilespmem:s28+$0xFFFFF3D0] =	vst v1;
	v1 =	vld.idx.msk [tilespmem:v6+s5+$0x0], $0xffff  }
0x14a: {  	v0 =	vld [tilespmem:s18+$0x30]  }
0x14b: {  	[tilespmem:s28+$0xFFFFF3E0] =	vst v2;
	v2 =	vld [tilespmem:s18+$0xFFFFFFD0]  }
0x14c: {  	[tilespmem:s28+$0xFFFFF3F0] =	vst v3;
	v3 =	vld [tilespmem:s18+$0xFFFFFFE0]  }
0x14d: {  	[tilespmem:s28+$0xFFFFF400] =	vst v4;
	v4 =	vld [tilespmem:s18+$0xFFFFFFF0]  }
0x14e: {  	[tilespmem:s28+$0xFFFFF3C0] =	vst v7;
	v6 =	vld [tilespmem:s18+$0x0]  }
0x14f: {  	[tilespmem:s28+$0xFFFFF410] =	vst v5;
	v5 =	vld [tilespmem:s18+$0xFFFFFFC0]  }
0x150: {  	[tilespmem:s28+$0xFFFFF420] =	vst v1;
	v1 =	vld [tilespmem:s18+$0x10]  }
0x151: {  	v28 =	vld [tilespmem:s18+$0x20]  }
0x152: {  	v7 =	vld.idx.msk [tilespmem:v0+s5+$0x0], $0xffff  }
0x153: {  	v29 =	vld.idx.msk [tilespmem:v2+s5+$0x0], $0xffff  }
0x154: {  	v30 =	vld.idx.msk [tilespmem:v3+s5+$0x0], $0xffff  }
0x155: {  	v27 =	vadd.s32 $0x61A8, v0;
	v31 =	vld.idx.msk [tilespmem:v4+s5+$0x0], $0xffff  }
0x156: {  	v32 =	vadd.s32 $0x61A8, v3;
	v33 =	vld.idx.msk [tilespmem:v6+s5+$0x0], $0xffff  }
0x157: {  	v35 =	vadd.s32 $0x61A8, v4;
	v34 =	vld.idx.msk [tilespmem:v5+s5+$0x0], $0xffff  }
0x158: {  	v37 =	vadd.s32 $0x61A8, v5;
	v36 =	vld.idx.msk [tilespmem:v1+s5+$0x0], $0xffff;
	[tilespmem:s28+$0xFFFFFA30] =	vst v7  }
0x159: {  	v39 =	vadd.s32 $0x61A8, v6;
	[tilespmem:s28+$0xFFFFF9D0] =	vst v29;
	v38 =	vld.idx.msk [tilespmem:v28+s5+$0x0], $0xffff  }
0x15a: {  	v7 =	vadd.s32 $0x61A8, v2;
	[tilespmem:s28+$0xFFFFF9E0] =	vst v30;
	v8 =	vld.idx.msk [tilespmem:v27+s5+$0x0], $0xffff  }
0x15b: {  	v40 =	vadd.s32 $0x61A8, v1;
	[tilespmem:s28+$0xFFFFF9F0] =	vst v31;
	v13 =	vld.idx.msk [tilespmem:v32+s5+$0x0], $0xffff  }
0x15c: {  	v0 =	vadd.s32 $0xC350, v0;
	[tilespmem:s28+$0xFFFFF9C0] =	vst v34;
	v12 =	vld.idx.msk [tilespmem:v35+s5+$0x0], $0xffff  }
0x15d: {  	v3 =	vadd.s32 $0xC350, v3;
	[tilespmem:s28+$0xFFFFFA00] =	vst v33;
	v42 =	vld.idx.msk [tilespmem:v37+s5+$0x0], $0xffff  }
0x15e: {  	v5 =	vadd.s32 $0xC350, v5;
	v43 =	vld.idx.msk [tilespmem:v39+s5+$0x0], $0xffff;
	[tilespmem:s28+$0xFFFFFA10] =	vst v36  }
0x15f: {  	v4 =	vadd.s32 $0xC350, v4;
	v7 =	vld.idx.msk [tilespmem:v7+s5+$0x0], $0xffff;
	[tilespmem:s28+$0xFFFFFA20] =	vst v38  }
0x160: {  	v6 =	vadd.s32 $0xC350, v6;
	v44 =	vld.idx.msk [tilespmem:v40+s5+$0x0], $0xffff;
	[tilespmem:s28+$0x30] =	vst v8  }
0x161: {  	v41 =	vadd.s32 $0x61A8, v28;
	[tilespmem:s28+$0xFFFFFFE0] =	vst v13;
	v0 =	vld.idx.msk [tilespmem:v0+s5+$0x0], $0xffff  }
0x162: {  	v2 =	vadd.s32 $0xC350, v2;
	[tilespmem:s28+$0xFFFFFFC0] =	vst v42;
	v3 =	vld.idx.msk [tilespmem:v3+s5+$0x0], $0xffff  }
0x163: {  	[tilespmem:s28+$0xFFFFFFF0] =	vst v12;
	v5 =	vld.idx.msk [tilespmem:v5+s5+$0x0], $0xffff  }
0x164: {  	[tilespmem:s28+$0x0] =	vst v43;
	v4 =	vld.idx.msk [tilespmem:v4+s5+$0x0], $0xffff  }
0x165: {  	v6 =	vld.idx.msk [tilespmem:v6+s5+$0x0], $0xffff;
	[tilespmem:s28+$0xFFFFFFD0] =	vst v7  }
0x166: {  	v7 =	vld.idx.msk [tilespmem:v41+s5+$0x0], $0xffff;
	[tilespmem:s28+$0x10] =	vst v44  }
0x167: {  	v2 =	vld.idx.msk [tilespmem:v2+s5+$0x0], $0xffff;
	[tilespmem:s28+$0x630] =	vst v0  }
0x168: {  	v45 =	vadd.s32 $0xC350, v28;
	v0 =	vadd.s32 $0xC350, v1;
	[tilespmem:s28+$0x5C0] =	vst v5;
	v1 =	vld [tilespmem:s18+$0x630]  }
0x169: {  	[tilespmem:s28+$0x5E0] =	vst v3;
	v3 =	vld [tilespmem:s18+$0x5C0]  }
0x16a: {  	[tilespmem:s28+$0x5F0] =	vst v4;
	v4 =	vld [tilespmem:s18+$0x5E0]  }
0x16b: {  	[tilespmem:s28+$0x600] =	vst v6  }
0x16c: {  	v6 =	vld [tilespmem:s18+$0x5F0];
	[tilespmem:s28+$0x20] =	vst v7  }
0x16d: {  	[tilespmem:s28+$0x5D0] =	vst v2;
	v2 =	vld.idx.msk [tilespmem:v45+s5+$0x0], $0xffff  }
0x16e: {  	v0 =	vld.idx.msk [tilespmem:v0+s5+$0x0], $0xffff  }
0x16f: {  	v7 =	vld [tilespmem:s18+$0x5D0]  }
0x170: {  	v5 =	vld.idx.msk [tilespmem:v1+s5+$0x0], $0xffff  }
0x171: {  	v49 =	vld.idx.msk [tilespmem:v3+s5+$0x0], $0xffff  }
0x172: {  	[tilespmem:s28+$0x620] =	vst v2;
	v50 =	vld.idx.msk [tilespmem:v4+s5+$0x0], $0xffff  }
0x173: {  	v46 =	vadd.s32 $0x61A8, v1;
	[tilespmem:s28+$0x610] =	vst v0;
	v0 =	vld [tilespmem:s18+$0x600]  }
0x174: {  	v51 =	vadd.s32 $0x61A8, v3;
	v47 =	vld [tilespmem:s18+$0x620]  }
0x175: {  	v54 =	vadd.s32 $0x61A8, v4;
	v2 =	vld [tilespmem:s18+$0x610]  }
0x176: {  	v52 =	vld.idx.msk [tilespmem:v6+s5+$0x0], $0xffff  }
0x177: {  	v48 =	vld.idx.msk [tilespmem:v7+s5+$0x0], $0xffff;
	[tilespmem:s28+$0xC30] =	vst v5  }
0x178: {  	[tilespmem:s28+$0xBC0] =	vst v49;
	v5 =	vld.idx.msk [tilespmem:v46+s5+$0x0], $0xffff  }
0x179: {  	v53 =	vadd.s32 $0x61A8, v7;
	[tilespmem:s28+$0xBE0] =	vst v50;
	v12 =	vld.idx.msk [tilespmem:v51+s5+$0x0], $0xffff  }
0x17a: {  	v1 =	vadd.s32 $0xC350, v1;
	v59 =	vld.idx.msk [tilespmem:v54+s5+$0x0], $0xffff  }
0x17b: {  	v3 =	vadd.s32 $0xC350, v3;
	v15 =	vld.idx.msk [tilespmem:v0+s5+$0x0], $0xffff  }
0x17c: {  	v55 =	vadd.s32 $0x61A8, v0;
	[tilespmem:s28+$0xBD0] =	vst v48;
	v56 =	vld.idx.msk [tilespmem:v47+s5+$0x0], $0xffff  }
0x17d: {  	v17 =	vld.idx.msk [tilespmem:v2+s5+$0x0], $0xffff;
	[tilespmem:s28+$0x1230] =	vst v5;
	v5 =	vadd.s32 $0x61A8, v6  }
0x17e: {  	[tilespmem:s28+$0xBF0] =	vst v52;
	v58 =	vadd.s32 $0x61A8, v47;
	v14 =	vld.idx.msk [tilespmem:v53+s5+$0x0], $0xffff  }
0x17f: {  	v57 =	vadd.s32 $0x61A8, v2;
	[tilespmem:s28+$0x11C0] =	vst v12;
	v1 =	vld.idx.msk [tilespmem:v1+s5+$0x0], $0xffff  }
0x180: {  	v7 =	vadd.s32 $0xC350, v7;
	v63 =	vld.idx.msk [tilespmem:v3+s5+$0x0], $0xffff;
	[tilespmem:s28+$0xC00] =	vst v15  }
0x181: {  	v4 =	vadd.s32 $0xC350, v4;
	[tilespmem:s28+$0x11E0] =	vst v59;
	v8 =	vld.idx.msk [tilespmem:v55+s5+$0x0], $0xffff  }
0x182: {  	v61 =	vadd.s32 $0xC350, v0;
	[tilespmem:s28+$0xC20] =	vst v56;
	v5 =	vld.idx.msk [tilespmem:v5+s5+$0x0], $0xffff  }
0x183: {  	v6 =	vadd.s32 $0xC350, v6;
	[tilespmem:s28+$0xC10] =	vst v17;
	v11 =	vld.idx.msk [tilespmem:v58+s5+$0x0], $0xffff  }
0x184: {  	v9 =	vadd.s32 $0xC350, v47;
	[tilespmem:s28+$0x11D0] =	vst v14;
	v60 =	vld.idx.msk [tilespmem:v57+s5+$0x0], $0xffff  }
0x185: {  	v62 =	vadd.s32 $0xC350, v2;
	v0 =	vld.idx.msk [tilespmem:v7+s5+$0x0], $0xffff;
	[tilespmem:s28+$0x1830] =	vst v1  }
0x186: {  	v1 =	vld.idx.msk [tilespmem:v4+s5+$0x0], $0xffff;
	[tilespmem:s28+$0x1200] =	vst v8  }
0x187: {  	[tilespmem:s28+$0x11F0] =	vst v5;
	v3 =	vld.idx.msk [tilespmem:v61+s5+$0x0], $0xffff  }
0x188: {  	[tilespmem:s28+$0x1220] =	vst v11;
	v2 =	vld.idx.msk [tilespmem:v6+s5+$0x0], $0xffff  }
0x189: {  	[tilespmem:s28+$0x1210] =	vst v60;
	v5 =	vld.idx.msk [tilespmem:v9+s5+$0x0], $0xffff  }
0x18a: {  	s4 =	simm.s32 $0x12BB8;
	s17 =	simm.s32 $0x0;
	[tilespmem:s28+$0x17C0] =	vst v63;
	v4 =	vld.idx.msk [tilespmem:v62+s5+$0x0], $0xffff  }
.LBB2_25:
0x18b: {  	v6 =	vld [tilespmem:s4+$0xFFFFFA30];
	s17 =	sadd.s32 $0x8, s17;
	[tilespmem:s28+$0x17D0] =	vst v0  }
0x18c: {  	v0 =	vld [tilespmem:s4+$0xFFFFF9D0];
	p2 =	slt.u32 s17, $0x58;
	[tilespmem:s28+$0x17E0] =	vst v1  }
0x18d: {  	v1 =	vld [tilespmem:s4+$0xFFFFF9E0];
	[tilespmem:s28+$0x17F0] =	vst v2  }
0x18e: {  	v2 =	vld [tilespmem:s4+$0xFFFFF9F0];
	[tilespmem:s28+$0x1800] =	vst v3  }
0x18f: {  	v3 =	vld [tilespmem:s4+$0xFFFFFA00];
	[tilespmem:s28+$0x1810] =	vst v4  }
0x190: {  	v4 =	vld [tilespmem:s4+$0xFFFFFA10];
	[tilespmem:s28+$0x1820] =	vst v5  }
0x191: {  	v5 =	vadd.s32 $0x61A8, v0;
	v7 =	vadd.s32 $0xC350, v0;
	v8 =	vld [tilespmem:s4+$0xFFFFFA20]  }
0x192: {  	v9 =	vld [tilespmem:s4+$0xFFFFF9C0];
	v10 =	vadd.s32 $0x61A8, v1;
	v11 =	vadd.s32 $0xC350, v1  }
0x193: {  	v12 =	vadd.s32 $0x61A8, v2;
	v13 =	vadd.s32 $0xC350, v2;
	v14 =	vld.idx.msk [tilespmem:v6+s5+$0x0], $0xffff  }
0x194: {  	v0 =	vld.idx.msk [tilespmem:v0+s5+$0x0], $0xffff;
	v15 =	vadd.s32 $0x61A8, v3;
	v16 =	vadd.s32 $0xC350, v3  }
0x195: {  	v19 =	vadd.s32 $0x61A8, v6;
	v1 =	vld.idx.msk [tilespmem:v1+s5+$0x0], $0xffff;
	v17 =	vadd.s32 $0x61A8, v4;
	v18 =	vadd.s32 $0xC350, v4  }
0x196: {  	v2 =	vld.idx.msk [tilespmem:v2+s5+$0x0], $0xffff;
	v20 =	vadd.s32 $0x61A8, v8;
	v21 =	vadd.s32 $0xC350, v8  }
0x197: {  	v22 =	vadd.s32 $0x61A8, v9;
	v23 =	vadd.s32 $0xC350, v9;
	v3 =	vld.idx.msk [tilespmem:v3+s5+$0x0], $0xffff  }
0x198: {  	s28 =	sadd.s32 $0x80, s28;
	v4 =	vld.idx.msk [tilespmem:v4+s5+$0x0], $0xffff  }
0x199: {  	v8 =	vld.idx.msk [tilespmem:v8+s5+$0x0], $0xffff;
	[tilespmem:s28+$0xFFFFE830] =	vst v14  }
0x19a: {  	[tilespmem:s28+$0xFFFFE7D0] =	vst v0;
	v0 =	vld.idx.msk [tilespmem:v19+s5+$0x0], $0xffff  }
0x19b: {  	v9 =	vld.idx.msk [tilespmem:v9+s5+$0x0], $0xffff;
	[tilespmem:s28+$0xFFFFE7E0] =	vst v1  }
0x19c: {  	v1 =	vld.idx.msk [tilespmem:v5+s5+$0x0], $0xffff;
	[tilespmem:s28+$0xFFFFE7F0] =	vst v2;
	v2 =	vadd.s32 $0xC350, v6  }
0x19d: {  	v5 =	vld.idx.msk [tilespmem:v10+s5+$0x0], $0xffff;
	[tilespmem:s28+$0xFFFFE800] =	vst v3  }
0x19e: {  	v3 =	vld.idx.msk [tilespmem:v12+s5+$0x0], $0xffff;
	[tilespmem:s28+$0xFFFFE810] =	vst v4  }
0x19f: {  	v4 =	vld.idx.msk [tilespmem:v15+s5+$0x0], $0xffff;
	[tilespmem:s28+$0xFFFFE820] =	vst v8  }
0x1a0: {  	v6 =	vld.idx.msk [tilespmem:v17+s5+$0x0], $0xffff;
	[tilespmem:s28+$0xFFFFEE30] =	vst v0  }
0x1a1: {  	[tilespmem:s28+$0xFFFFE7C0] =	vst v9;
	v0 =	vld.idx.msk [tilespmem:v2+s5+$0x0], $0xffff  }
0x1a2: {  	v2 =	vld.idx.msk [tilespmem:v22+s5+$0x0], $0xffff;
	[tilespmem:s28+$0xFFFFEDD0] =	vst v1  }
0x1a3: {  	[tilespmem:s28+$0xFFFFEDE0] =	vst v5;
	v1 =	vld.idx.msk [tilespmem:v20+s5+$0x0], $0xffff  }
0x1a4: {  	v5 =	vld.idx.msk [tilespmem:v7+s5+$0x0], $0xffff;
	[tilespmem:s28+$0xFFFFEDF0] =	vst v3  }
0x1a5: {  	v3 =	vld.idx.msk [tilespmem:v11+s5+$0x0], $0xffff;
	[tilespmem:s28+$0xFFFFEE00] =	vst v4  }
0x1a6: {  	v4 =	vld.idx.msk [tilespmem:v13+s5+$0x0], $0xffff;
	[tilespmem:s28+$0xFFFFEE10] =	vst v6  }
0x1a7: {  	v6 =	vld.idx.msk [tilespmem:v16+s5+$0x0], $0xffff;
	[tilespmem:s28+$0xFFFFF430] =	vst v0  }
0x1a8: {  	[tilespmem:s28+$0xFFFFEDC0] =	vst v2;
	v0 =	vld [tilespmem:s4+$0x30]  }
0x1a9: {  	v2 =	vld.idx.msk [tilespmem:v23+s5+$0x0], $0xffff;
	[tilespmem:s28+$0xFFFFEE20] =	vst v1  }
0x1aa: {  	[tilespmem:s28+$0xFFFFF3D0] =	vst v5;
	v1 =	vld.idx.msk [tilespmem:v18+s5+$0x0], $0xffff  }
0x1ab: {  	[tilespmem:s28+$0xFFFFF3E0] =	vst v3;
	v3 =	vld.idx.msk [tilespmem:v21+s5+$0x0], $0xffff  }
0x1ac: {  	v5 =	vld [tilespmem:s4+$0xFFFFFFD0];
	[tilespmem:s28+$0xFFFFF3F0] =	vst v4  }
0x1ad: {  	v4 =	vld [tilespmem:s4+$0xFFFFFFE0];
	[tilespmem:s28+$0xFFFFF400] =	vst v6  }
0x1ae: {  	v6 =	vld [tilespmem:s4+$0xFFFFFFF0]  }
0x1af: {  	[tilespmem:s28+$0xFFFFF3C0] =	vst v2;
	v2 =	vld [tilespmem:s4+$0x0]  }
0x1b0: {  	[tilespmem:s28+$0xFFFFF410] =	vst v1;
	v1 =	vld.idx.msk [tilespmem:v0+s5+$0x0], $0xffff  }
0x1b1: {  	v7 =	vld [tilespmem:s4+$0xFFFFFFC0];
	v8 =	vadd.s32 $0x61A8, v5;
	v9 =	vadd.s32 $0xC350, v5;
	[tilespmem:s28+$0xFFFFF420] =	vst v3  }
0x1b2: {  	v12 =	vadd.s32 $0x61A8, v0;
	v3 =	vadd.s32 $0x61A8, v4;
	v10 =	vadd.s32 $0xC350, v4;
	v11 =	vld [tilespmem:s4+$0x10]  }
0x1b3: {  	v13 =	vadd.s32 $0x61A8, v6;
	v14 =	vadd.s32 $0xC350, v6;
	v15 =	vld [tilespmem:s4+$0x20]  }
0x1b4: {  	v5 =	vld.idx.msk [tilespmem:v5+s5+$0x0], $0xffff;
	v16 =	vadd.s32 $0x61A8, v2;
	v17 =	vadd.s32 $0xC350, v2  }
0x1b5: {  	v4 =	vld.idx.msk [tilespmem:v4+s5+$0x0], $0xffff  }
0x1b6: {  	v18 =	vadd.s32 $0x61A8, v7;
	v19 =	vadd.s32 $0xC350, v7;
	v6 =	vld.idx.msk [tilespmem:v6+s5+$0x0], $0xffff;
	[tilespmem:s28+$0xFFFFFA30] =	vst v1  }
0x1b7: {  	v1 =	vadd.s32 $0x61A8, v11;
	v20 =	vadd.s32 $0xC350, v11;
	v12 =	vld.idx.msk [tilespmem:v12+s5+$0x0], $0xffff  }
0x1b8: {  	v2 =	vld.idx.msk [tilespmem:v2+s5+$0x0], $0xffff;
	v21 =	vadd.s32 $0x61A8, v15;
	v22 =	vadd.s32 $0xC350, v15  }
0x1b9: {  	v0 =	vadd.s32 $0xC350, v0;
	v7 =	vld.idx.msk [tilespmem:v7+s5+$0x0], $0xffff  }
0x1ba: {  	[tilespmem:s28+$0xFFFFF9D0] =	vst v5;
	v5 =	vld.idx.msk [tilespmem:v11+s5+$0x0], $0xffff  }
0x1bb: {  	[tilespmem:s28+$0xFFFFF9E0] =	vst v4;
	v4 =	vld.idx.msk [tilespmem:v15+s5+$0x0], $0xffff  }
0x1bc: {  	v8 =	vld.idx.msk [tilespmem:v8+s5+$0x0], $0xffff;
	[tilespmem:s28+$0xFFFFF9F0] =	vst v6  }
0x1bd: {  	v3 =	vld.idx.msk [tilespmem:v3+s5+$0x0], $0xffff;
	[tilespmem:s28+$0x30] =	vst v12  }
0x1be: {  	[tilespmem:s28+$0xFFFFFA00] =	vst v2;
	v0 =	vld.idx.msk [tilespmem:v0+s5+$0x0], $0xffff  }
0x1bf: {  	[tilespmem:s28+$0xFFFFF9C0] =	vst v7;
	v2 =	vld.idx.msk [tilespmem:v13+s5+$0x0], $0xffff  }
0x1c0: {  	v6 =	vld.idx.msk [tilespmem:v18+s5+$0x0], $0xffff;
	[tilespmem:s28+$0xFFFFFA10] =	vst v5  }
0x1c1: {  	v5 =	vld.idx.msk [tilespmem:v16+s5+$0x0], $0xffff;
	[tilespmem:s28+$0xFFFFFA20] =	vst v4  }
0x1c2: {  	[tilespmem:s28+$0xFFFFFFD0] =	vst v8;
	v1 =	vld.idx.msk [tilespmem:v1+s5+$0x0], $0xffff  }
0x1c3: {  	[tilespmem:s28+$0xFFFFFFE0] =	vst v3;
	v3 =	vld.idx.msk [tilespmem:v21+s5+$0x0], $0xffff  }
0x1c4: {  	v4 =	vld.idx.msk [tilespmem:v9+s5+$0x0], $0xffff;
	[tilespmem:s28+$0x630] =	vst v0  }
0x1c5: {  	[tilespmem:s28+$0xFFFFFFF0] =	vst v2;
	v0 =	vld [tilespmem:s4+$0x630]  }
0x1c6: {  	[tilespmem:s28+$0xFFFFFFC0] =	vst v6;
	v2 =	vld.idx.msk [tilespmem:v10+s5+$0x0], $0xffff  }
0x1c7: {  	v6 =	vld.idx.msk [tilespmem:v19+s5+$0x0], $0xffff;
	[tilespmem:s28+$0x0] =	vst v5  }
0x1c8: {  	v5 =	vld.idx.msk [tilespmem:v14+s5+$0x0], $0xffff;
	[tilespmem:s28+$0x10] =	vst v1  }
0x1c9: {  	v1 =	vld.idx.msk [tilespmem:v17+s5+$0x0], $0xffff;
	[tilespmem:s28+$0x20] =	vst v3  }
0x1ca: {  	[tilespmem:s28+$0x5D0] =	vst v4;
	v3 =	vld.idx.msk [tilespmem:v20+s5+$0x0], $0xffff  }
0x1cb: {  	v4 =	vld.idx.msk [tilespmem:v22+s5+$0x0], $0xffff  }
0x1cc: {  	v7 =	vld [tilespmem:s4+$0x5D0];
	[tilespmem:s28+$0x5E0] =	vst v2  }
0x1cd: {  	[tilespmem:s28+$0x5C0] =	vst v6;
	v2 =	vld.idx.msk [tilespmem:v0+s5+$0x0], $0xffff  }
0x1ce: {  	v6 =	vld [tilespmem:s4+$0x5C0];
	[tilespmem:s28+$0x5F0] =	vst v5  }
0x1cf: {  	v5 =	vld [tilespmem:s4+$0x5E0];
	[tilespmem:s28+$0x600] =	vst v1;
	v1 =	vadd.s32 $0x61A8, v0  }
0x1d0: {  	v8 =	vld [tilespmem:s4+$0x5F0];
	[tilespmem:s28+$0x610] =	vst v3  }
0x1d1: {  	v3 =	vadd.s32 $0x61A8, v7;
	v9 =	vadd.s32 $0xC350, v7;
	v10 =	vld [tilespmem:s4+$0x600];
	[tilespmem:s28+$0x620] =	vst v4  }
0x1d2: {  	v4 =	vld [tilespmem:s4+$0x610]  }
0x1d3: {  	v11 =	vadd.s32 $0x61A8, v6;
	v12 =	vadd.s32 $0xC350, v6;
	v13 =	vld [tilespmem:s4+$0x620];
	[tilespmem:s28+$0xC30] =	vst v2  }
0x1d4: {  	v2 =	vadd.s32 $0x61A8, v5;
	v14 =	vadd.s32 $0xC350, v5;
	v1 =	vld.idx.msk [tilespmem:v1+s5+$0x0], $0xffff  }
0x1d5: {  	v7 =	vld.idx.msk [tilespmem:v7+s5+$0x0], $0xffff;
	v15 =	vadd.s32 $0x61A8, v8;
	v16 =	vadd.s32 $0xC350, v8  }
0x1d6: {  	v0 =	vadd.s32 $0xC350, v0;
	v6 =	vld.idx.msk [tilespmem:v6+s5+$0x0], $0xffff;
	v17 =	vadd.s32 $0x61A8, v10;
	v18 =	vadd.s32 $0xC350, v10  }
0x1d7: {  	v5 =	vld.idx.msk [tilespmem:v5+s5+$0x0], $0xffff;
	v19 =	vadd.s32 $0x61A8, v4;
	v20 =	vadd.s32 $0xC350, v4  }
0x1d8: {  	v8 =	vld.idx.msk [tilespmem:v8+s5+$0x0], $0xffff;
	v21 =	vadd.s32 $0x61A8, v13;
	v22 =	vadd.s32 $0xC350, v13  }
0x1d9: {  	v10 =	vld.idx.msk [tilespmem:v10+s5+$0x0], $0xffff  }
0x1da: {  	v4 =	vld.idx.msk [tilespmem:v4+s5+$0x0], $0xffff;
	[tilespmem:s28+$0x1230] =	vst v1  }
0x1db: {  	[tilespmem:s28+$0xBD0] =	vst v7;
	v0 =	vld.idx.msk [tilespmem:v0+s5+$0x0], $0xffff  }
0x1dc: {  	[tilespmem:s28+$0xBC0] =	vst v6;
	v1 =	vld.idx.msk [tilespmem:v13+s5+$0x0], $0xffff  }
0x1dd: {  	v6 =	vld.idx.msk [tilespmem:v11+s5+$0x0], $0xffff;
	[tilespmem:s28+$0xBE0] =	vst v5  }
0x1de: {  	v3 =	vld.idx.msk [tilespmem:v3+s5+$0x0], $0xffff;
	[tilespmem:s28+$0xBF0] =	vst v8  }
0x1df: {  	v2 =	vld.idx.msk [tilespmem:v2+s5+$0x0], $0xffff;
	[tilespmem:s28+$0xC00] =	vst v10  }
0x1e0: {  	v5 =	vld.idx.msk [tilespmem:v15+s5+$0x0], $0xffff;
	[tilespmem:s28+$0xC10] =	vst v4  }
0x1e1: {  	v4 =	vld.idx.msk [tilespmem:v17+s5+$0x0], $0xffff;
	[tilespmem:s28+$0x1830] =	vst v0  }
0x1e2: {  	v7 =	vld.idx.msk [tilespmem:v19+s5+$0x0], $0xffff;
	[tilespmem:s28+$0xC20] =	vst v1  }
0x1e3: {  	[tilespmem:s28+$0x11C0] =	vst v6;
	v6 =	vld.idx.msk [tilespmem:v21+s5+$0x0], $0xffff  }
0x1e4: {  	v8 =	vld.idx.msk [tilespmem:v12+s5+$0x0], $0xffff;
	[tilespmem:s28+$0x11D0] =	vst v3  }
0x1e5: {  	v0 =	vld.idx.msk [tilespmem:v9+s5+$0x0], $0xffff;
	[tilespmem:s28+$0x11E0] =	vst v2  }
.Ltmp21:
0x1e6: {  	v1 =	vld.idx.msk [tilespmem:v14+s5+$0x0], $0xffff;
	[tilespmem:s28+$0x11F0] =	vst v5;
	(pc) =	sbr.rel @p2 .LBB2_25-.Ltmp21, $4  }
0x1e7: {  	v2 =	vld.idx.msk [tilespmem:v16+s5+$0x0], $0xffff;
	[tilespmem:s28+$0x1200] =	vst v4  }
0x1e8: {  	v3 =	vld.idx.msk [tilespmem:v18+s5+$0x0], $0xffff;
	[tilespmem:s28+$0x1210] =	vst v7  }
0x1e9: {  	v4 =	vld.idx.msk [tilespmem:v20+s5+$0x0], $0xffff;
	[tilespmem:s28+$0x1220] =	vst v6  }
0x1ea: {  	s4 =	sadd.s32 $0x80, s4;
	[tilespmem:s28+$0x17C0] =	vst v8;
	v5 =	vld.idx.msk [tilespmem:v22+s5+$0x0], $0xffff  }
0x1eb: {  	[tilespmem:s28+$0x17D0] =	vst v0  }
0x1ec: {  	[tilespmem:s28+$0x17E0] =	vst v1  }
0x1ed: {  	[tilespmem:s28+$0x17F0] =	vst v2  }
0x1ee: {  	[tilespmem:s28+$0x1800] =	vst v3  }
0x1ef: {  	[tilespmem:s28+$0x1810] =	vst v4  }
0x1f0: {  	[tilespmem:s28+$0x1820] =	vst v5  }
0x1f1: {  	[spmem:s25] =	stream.linear.scatter [tilespmem:s10], [sflag:$0x2], $0x3600, $0x38;
	[tilespmem:$0x1FE38] =	vst v63  }
0x1f2: {  	_ =	swait.ge [sflag:s12], $0x3600  }
0x1f3: {  	[sflag:s12] =	ssyncset.done $0x0  }
0x1f4: {  	[sflag:s12] =	ssyncadd.s32 $0xFFFFCA00  }
0x1f5: {  	s4 =	sadd.s32 @!p3 s6, s22;
	[bflag:$0x0] =	sbarrier.arrive $0xFFFF  }
0x1f6: {  	s17 =	simm.s32 @!p3 $0x186A;
	s22 =	simm.s32 @!p3 $0x6C0;
	s7 =	rddreg [dreg:$0x4]  }
0x1f7: {  	s18 =	simm.s32 @!p3 $0x1C02;
	s28 =	sshrl.u32 @!p3 s7, $0x3;
	s7 =	simm.s32 @!p3 $0xC  }
0x1f8: {  	[hbm:s4@s17], [sflag:s18] =	dma.strided @!p3 [spmem:s28@s22], $0xC00, s7, $0x10   }
0x1f9: {  	s4 =	simm.s32 @!p3 $0x2  }
0x1fa: {  	s22 =	sshrl.u32 @p4 s2, $0x3;
	_ =	swait.ge @!p3 [sflag:s4], $0xC00  }
0x1fb: {  	s7 =	simm.s32 @p4 $0xC;
	s17 =	simm.s32 @p4 $0x186A;
	[sflag:s4] =	ssyncset.done @!p3 $0x0  }
0x1fc: {  	s18 =	simm.s32 @p4 $0x6C0;
	[sflag:s4] =	ssyncadd.s32 @!p3 $0xFFFFF400;
	s4 =	sadd.s32 @p4 s6, s23  }
0x1fd: {  	[hbm:s4@s17], [sflag:s21] =	dma.strided @p4 [spmem:s22@s18], $0xC00, s7, $0x10   }
0x1fe: {  	s4 =	simm.s32 @p4 $0x2  }
0x1ff: {  	s3 =	sadd.s32 @p0 s6, s3;
	_ =	swait.ge @p4 [sflag:s4], $0xC00  }
0x200: {  	s7 =	simm.s32 @p0 $0xC;
	s17 =	simm.s32 @p0 $0x186A;
	[sflag:s4] =	ssyncset.done @p4 $0x0  }
0x201: {  	s18 =	simm.s32 @p0 $0x6C0;
	[sflag:s4] =	ssyncadd.s32 @p4 $0xFFFFF400;
	s4 =	sshrl.u32 @p0 s9, $0x3  }
0x202: {  	[hbm:s3@s17], [sflag:s26] =	dma.strided @p0 [spmem:s4@s18], $0xC00, s7, $0x10   }
.Ltmp22:
0x203: {  	_ = 	snop;
	(pc) =	sbr.rel @!p1 .LBB2_27-.Ltmp22, $4  }
0x204: {  	s3 =	simm.s32 @p0 $0x2  }
0x205: {  	_ =	swait.ge @p0 [sflag:s3], $0xC00  }
0x206: {  	[sflag:s3] =	ssyncset.done @p0 $0x0  }
0x207: {  	[sflag:s3] =	ssyncadd.s32 @p0 $0xFFFFF400  }
0x208: {  	s3 =	stileid.u32  }
0x209: {  	p2 =	seq.s32 s3, $0x5  }
.Ltmp23:
0x20a: {  	_ = 	snop;
	(pc) =	sbr.rel @p2 .LBB2_35-.Ltmp23, $1  }
0x20b: {  	_ =	sdelay $0x3  }
0x20c: {  	s4 =	sld [smem:$0x7DD];
	_ =	sdelay $0x2  }
0x20d: {  	p2 =	seq.s32 s4, $0x1  }
.Ltmp24:
0x20e: {  	_ = 	snop;
	(pc) =	sbr.rel @p2 .LBB2_36-.Ltmp24, $1  }
0x20f: {  	_ =	sdelay $0x3  }
0x210: {  	p2 =	seq.s32 s3, $0x7  }
.Ltmp25:
0x211: {  	_ = 	snop;
	(pc) =	sbr.rel @!p2 .LBB2_38-.Ltmp25, $1  }
0x212: {  	_ =	sdelay $0x3  }
0x213: {  	s3 =	sld [smem:$0x7E7];
	_ =	sdelay $0x1  }
.Ltmp26:
0x214: {  	s4 =	sld [smem:$0x7E8];
	(pc) =	sbr.rel .LBB2_37-.Ltmp26, $4  }
0x215: {  	s7 =	simm.s32 $0xC;
	s3 =	sadd.s32 s30, s3  }
0x216: {  	s17 =	simm.s32 $0x186A;
	s18 =	simm.s32 $0x6C0;
	s3 =	sshrl.u32 s3, $0x3  }
0x217: {  	s21 =	simm.s32 $0x1DC2;
	s4 =	sshrl.u32 s4, $0x3;
	s3 =	sadd.s32 s6, s3  }
0x218: {  	[hbm:s3@s17], [sflag:s21] =	dma.strided [spmem:s4@s18], $0xC00, s7, $0x10   }
.LBB2_27:
0x219: {  	s3 =	sld [smem:$0x7D9];
	_ =	sdelay $0x2  }
0x21a: {  	p2 =	seq.s32 s3, $0x1  }
.Ltmp27:
0x21b: {  	_ = 	snop;
	(pc) =	sbr.rel @p2 .LBB2_34-.Ltmp27, $1  }
0x21c: {  	_ =	sdelay $0x3  }
0x21d: {  	s3 =	sld [smem:$0x7E0];
	_ =	sdelay $0x2  }
0x21e: {  	p2 =	seq.s32 s3, $0x1  }
.Ltmp28:
0x21f: {  	_ = 	snop;
	(pc) =	sbr.rel @!p2 .LBB2_38-.Ltmp28, $1  }
0x220: {  	_ =	sdelay $0x3  }
0x221: {  	s3 =	sld [smem:$0x7ED];
	_ =	sdelay $0x1  }
.Ltmp29:
0x222: {  	s4 =	sld [smem:$0x7EE];
	(pc) =	sbr.rel .LBB2_37-.Ltmp29, $4  }
0x223: {  	s7 =	simm.s32 $0xC;
	s3 =	sadd.s32 s30, s3  }
0x224: {  	s17 =	simm.s32 $0x186A;
	s18 =	simm.s32 $0x6C0;
	s3 =	sshrl.u32 s3, $0x3  }
0x225: {  	s21 =	simm.s32 $0x1D02;
	s4 =	sshrl.u32 s4, $0x3;
	s3 =	sadd.s32 s6, s3  }
0x226: {  	[hbm:s3@s17], [sflag:s21] =	dma.strided [spmem:s4@s18], $0xC00, s7, $0x10   }
.LBB2_36:
0x227: {  	s3 =	sld [smem:$0x7E9];
	_ =	sdelay $0x1  }
.Ltmp30:
0x228: {  	s4 =	sld [smem:$0x7EB];
	(pc) =	sbr.rel .LBB2_37-.Ltmp30, $4  }
0x229: {  	s7 =	simm.s32 $0xC;
	s3 =	sadd.s32 s30, s3  }
0x22a: {  	s17 =	simm.s32 $0x186A;
	s18 =	simm.s32 $0x6C0;
	s3 =	sshrl.u32 s3, $0x3  }
0x22b: {  	s21 =	simm.s32 $0x1D82;
	s4 =	sshrl.u32 s4, $0x3;
	s3 =	sadd.s32 s6, s3  }
0x22c: {  	[hbm:s3@s17], [sflag:s21] =	dma.strided [spmem:s4@s18], $0xC00, s7, $0x10   }
.LBB2_34:
0x22d: {  	s3 =	sld [smem:$0x7EF];
	_ =	sdelay $0x1  }
.Ltmp31:
0x22e: {  	s4 =	sld [smem:$0x7F0];
	(pc) =	sbr.rel .LBB2_37-.Ltmp31, $4  }
0x22f: {  	s7 =	simm.s32 $0xC;
	s3 =	sadd.s32 s30, s3  }
0x230: {  	s17 =	simm.s32 $0x186A;
	s18 =	simm.s32 $0x6C0;
	s3 =	sshrl.u32 s3, $0x3  }
0x231: {  	s21 =	simm.s32 $0x1CC2;
	s4 =	sshrl.u32 s4, $0x3;
	s3 =	sadd.s32 s6, s3  }
0x232: {  	[hbm:s3@s17], [sflag:s21] =	dma.strided [spmem:s4@s18], $0xC00, s7, $0x10   }
.LBB2_38:
0x233: {  	s3 =	sld [smem:$0x7F1];
	_ =	sdelay $0x1  }
0x234: {  	s4 =	sld [smem:$0x7F2]  }
0x235: {  	s7 =	simm.s32 @!p5 $0xC;
	s3 =	sadd.s32 @!p5 s30, s3  }
0x236: {  	s17 =	simm.s32 @!p5 $0x186A;
	s18 =	simm.s32 @!p5 $0x6C0;
	s3 =	sshrl.u32 @!p5 s3, $0x3  }
0x237: {  	s21 =	simm.s32 @!p5 $0x1E01;
	s4 =	sshrl.u32 @!p5 s4, $0x3;
	s3 =	sadd.s32 @!p5 s6, s3  }
0x238: {  	[hbm:s3@s17], [sflag:s21] =	dma.strided @!p5 [spmem:s4@s18], $0xC00, s7, $0x10   }
.Ltmp32:
0x239: {  	_ = 	snop;
	(pc) =	sbr.rel .LBB2_39-.Ltmp32, $4  }
0x23a: {  	s3 =	simm.s32 @!p5 $0x1  }
0x23b: {  	_ =	swait.ge @!p5 [sflag:s3], $0xC00  }
0x23c: {  	[sflag:s3] =	ssyncset.done @!p5 $0x0  }
0x23d: {  	[sflag:s3] =	ssyncadd.s32 @!p5 $0xFFFFF400  }
.LBB2_40:
0x23e: {  	s3 =	simm.s32 @!p3 $0x35;
	s4 =	simm.s32 @!p3 $0x240  }
0x23f: {  	s7 =	simm.s32 @!p3 $0x186A;
	s8 =	simm.s32 @!p3 $0x1C01;
	s13 =	rddreg [dreg:$0x15]  }
0x240: {  	[spmem:s29@s4], [sflag:s8] =	dma.strided @!p3 [hbm:s13@s7], $0x6A0, s3, $0x2   }
0x241: {  	s3 =	simm.s32 @!p3 $0x1  }
0x242: {  	_ =	swait.ge @!p3 [sflag:s3], $0x6A0  }
0x243: {  	s17 =	sld [smem:$0x7D6]  }
0x244: {  	s4 =	simm.s32 @p4 $0x240;
	s7 =	simm.s32 @p4 $0x186A;
	[sflag:s3] =	ssyncset.done @!p3 $0x0  }
0x245: {  	s8 =	rddreg [dreg:$0x17];
	[sflag:s3] =	ssyncadd.s32 @!p3 $0xFFFFF960;
	s3 =	simm.s32 @p4 $0x35  }
0x246: {  	[spmem:s0@s4], [sflag:s17] =	dma.strided @p4 [hbm:s8@s7], $0x6A0, s3, $0x2   }
0x247: {  	s0 =	simm.s32 @p4 $0x1  }
0x248: {  	_ =	swait.ge @p4 [sflag:s0], $0x6A0  }
0x249: {  	s7 =	sld [smem:$0x7F3]  }
0x24a: {  	s8 =	sld [smem:$0x7D7]  }
0x24b: {  	s3 =	simm.s32 @p0 $0x240;
	[sflag:s0] =	ssyncset.done @p4 $0x0  }
0x24c: {  	s4 =	simm.s32 @p0 $0x186A;
	[sflag:s0] =	ssyncadd.s32 @p4 $0xFFFFF960;
	s0 =	simm.s32 @p0 $0x35  }
0x24d: {  	[spmem:s16@s3], [sflag:s8] =	dma.strided @p0 [hbm:s7@s4], $0x6A0, s0, $0x2   }
0x24e: {  	s0 =	simm.s32 @p0 $0x1  }
0x24f: {  	_ =	swait.ge @p0 [sflag:s0], $0x6A0  }
0x250: {  	[sflag:s0] =	ssyncset.done @p0 $0x0  }
0x251: {  	[sflag:s0] =	ssyncadd.s32 @p0 $0xFFFFF960  }
0x252: {  	[bflag:$0x0] =	sbarrier.arrive $0xFFFF  }
0x253: {  	s21 =	simm.s32 $0x124F8;
	s23 =	sld [smem:$0x7F4]  }
0x254: {  	[tilespmem:s21], [sflag:$0x1] =	stream.linear.gather [spmem:s24], $0x350, $0x38;
	[tilespmem:$0x1FE38] =	vst v63  }
0x255: {  	s26 =	simm.s32 $0x12AF8;
	s29 =	sld [smem:$0x7F5]  }
0x256: {  	[tilespmem:s26], [sflag:$0x1] =	stream.linear.gather [spmem:s23], $0x350, $0x38;
	[tilespmem:$0x1FE38] =	vst v63  }
0x257: {  	s30 =	simm.s32 $0x130F8;
	s13 =	simm.s32 $0x1  }
0x258: {  	[tilespmem:s30], [sflag:$0x1] =	stream.linear.gather [spmem:s29], $0x350, $0x38;
	[tilespmem:$0x1FE38] =	vst v63  }
0x259: {  	_ =	swait.ge [sflag:s13], $0x9F0  }
0x25a: {  	[sflag:s13] =	ssyncset.done $0x0  }
0x25b: {  	s31 =	simm.s32 $0x12B38;
	[sflag:s13] =	ssyncadd.s32 $0xFFFFF610  }
0x25c: {  	v0 =	vld [tilespmem:s31+$0xFFFFFA30]  }
0x25d: {  	v1 =	vld [tilespmem:s31+$0xFFFFF9D0]  }
0x25e: {  	v2 =	vld [tilespmem:s31+$0xFFFFF9E0]  }
0x25f: {  	v3 =	vld [tilespmem:s31+$0xFFFFF9F0]  }
0x260: {  	v4 =	vld [tilespmem:s31+$0xFFFFFA00]  }
0x261: {  	v5 =	vld [tilespmem:s31+$0xFFFFFA10]  }
0x262: {  	v6 =	vld [tilespmem:s31+$0xFFFFFA20]  }
0x263: {  	s0 =	simm.s32 $0x0;
	v7 =	vld [tilespmem:s31+$0xFFFFF9C0]  }
0x264: {  	v8 =	vld.idx.msk [tilespmem:v0+s0+$0x0], $0xffff  }
0x265: {  	v9 =	vld.idx.msk [tilespmem:v1+s0+$0x0], $0xffff  }
0x266: {  	v10 =	vld.idx.msk [tilespmem:v2+s0+$0x0], $0xffff  }
0x267: {  	v11 =	vadd.s32 $0x61A8, v0;
	v12 =	vld.idx.msk [tilespmem:v3+s0+$0x0], $0xffff  }
0x268: {  	v13 =	vadd.s32 $0x61A8, v1;
	v14 =	vld.idx.msk [tilespmem:v4+s0+$0x0], $0xffff  }
0x269: {  	s3 =	simm.s32 $0x14F38;
	v15 =	vadd.s32 $0x61A8, v2;
	v16 =	vld.idx.msk [tilespmem:v5+s0+$0x0], $0xffff  }
0x26a: {  	v17 =	vadd.s32 $0x61A8, v3;
	v18 =	vld.idx.msk [tilespmem:v6+s0+$0x0], $0xffff;
	[tilespmem:s3+$0xFFFFE830] =	vst v8  }
0x26b: {  	v63 =	vadd.s32 $0x61A8, v4;
	v20 =	vld.idx.msk [tilespmem:v7+s0+$0x0], $0xffff;
	[tilespmem:s3+$0xFFFFE7D0] =	vst v9  }
0x26c: {  	v19 =	vadd.s32 $0x61A8, v5;
	[tilespmem:s3+$0xFFFFE7E0] =	vst v10;
	v11 =	vld.idx.msk [tilespmem:v11+s0+$0x0], $0xffff  }
0x26d: {  	v22 =	vadd.s32 $0x61A8, v7;
	[tilespmem:s3+$0xFFFFE7F0] =	vst v12;
	v21 =	vld.idx.msk [tilespmem:v13+s0+$0x0], $0xffff  }
0x26e: {  	v24 =	vadd.s32 $0x61A8, v6;
	[tilespmem:s3+$0xFFFFE800] =	vst v14;
	v23 =	vld.idx.msk [tilespmem:v15+s0+$0x0], $0xffff  }
0x26f: {  	v0 =	vadd.s32 $0xC350, v0;
	[tilespmem:s3+$0xFFFFE810] =	vst v16;
	v25 =	vld.idx.msk [tilespmem:v17+s0+$0x0], $0xffff  }
0x270: {  	v1 =	vadd.s32 $0xC350, v1;
	[tilespmem:s3+$0xFFFFE7C0] =	vst v20;
	v8 =	vld.idx.msk [tilespmem:v63+s0+$0x0], $0xffff  }
0x271: {  	v2 =	vadd.s32 $0xC350, v2;
	[tilespmem:s3+$0xFFFFE820] =	vst v18;
	v16 =	vld.idx.msk [tilespmem:v19+s0+$0x0], $0xffff  }
0x272: {  	v3 =	vadd.s32 $0xC350, v3;
	v9 =	vld.idx.msk [tilespmem:v22+s0+$0x0], $0xffff;
	[tilespmem:s3+$0xFFFFEE30] =	vst v11  }
0x273: {  	v4 =	vadd.s32 $0xC350, v4;
	v26 =	vld.idx.msk [tilespmem:v24+s0+$0x0], $0xffff;
	[tilespmem:s3+$0xFFFFEDD0] =	vst v21  }
0x274: {  	v7 =	vadd.s32 $0xC350, v7;
	[tilespmem:s3+$0xFFFFEDE0] =	vst v23;
	v0 =	vld.idx.msk [tilespmem:v0+s0+$0x0], $0xffff  }
0x275: {  	v5 =	vadd.s32 $0xC350, v5;
	[tilespmem:s3+$0xFFFFEDF0] =	vst v25;
	v1 =	vld.idx.msk [tilespmem:v1+s0+$0x0], $0xffff  }
0x276: {  	v6 =	vadd.s32 $0xC350, v6;
	[tilespmem:s3+$0xFFFFEE00] =	vst v8;
	v2 =	vld.idx.msk [tilespmem:v2+s0+$0x0], $0xffff  }
0x277: {  	[tilespmem:s3+$0xFFFFEDC0] =	vst v9;
	v3 =	vld.idx.msk [tilespmem:v3+s0+$0x0], $0xffff  }
0x278: {  	[tilespmem:s3+$0xFFFFEE10] =	vst v16;
	v4 =	vld.idx.msk [tilespmem:v4+s0+$0x0], $0xffff  }
0x279: {  	[tilespmem:s3+$0xFFFFEE20] =	vst v26;
	v7 =	vld.idx.msk [tilespmem:v7+s0+$0x0], $0xffff  }
0x27a: {  	v5 =	vld.idx.msk [tilespmem:v5+s0+$0x0], $0xffff;
	[tilespmem:s3+$0xFFFFF430] =	vst v0  }
0x27b: {  	[tilespmem:s3+$0xFFFFF3D0] =	vst v1;
	v1 =	vld.idx.msk [tilespmem:v6+s0+$0x0], $0xffff  }
0x27c: {  	v0 =	vld [tilespmem:s31+$0x30]  }
0x27d: {  	[tilespmem:s3+$0xFFFFF3E0] =	vst v2;
	v2 =	vld [tilespmem:s31+$0xFFFFFFD0]  }
0x27e: {  	[tilespmem:s3+$0xFFFFF3F0] =	vst v3;
	v3 =	vld [tilespmem:s31+$0xFFFFFFE0]  }
0x27f: {  	[tilespmem:s3+$0xFFFFF400] =	vst v4;
	v4 =	vld [tilespmem:s31+$0xFFFFFFF0]  }
0x280: {  	[tilespmem:s3+$0xFFFFF3C0] =	vst v7;
	v6 =	vld [tilespmem:s31+$0x0]  }
0x281: {  	[tilespmem:s3+$0xFFFFF410] =	vst v5;
	v5 =	vld [tilespmem:s31+$0xFFFFFFC0]  }
0x282: {  	[tilespmem:s3+$0xFFFFF420] =	vst v1;
	v1 =	vld [tilespmem:s31+$0x10]  }
0x283: {  	v28 =	vld [tilespmem:s31+$0x20]  }
0x284: {  	v7 =	vld.idx.msk [tilespmem:v0+s0+$0x0], $0xffff  }
0x285: {  	v29 =	vld.idx.msk [tilespmem:v2+s0+$0x0], $0xffff  }
0x286: {  	v30 =	vld.idx.msk [tilespmem:v3+s0+$0x0], $0xffff  }
0x287: {  	v27 =	vadd.s32 $0x61A8, v0;
	v31 =	vld.idx.msk [tilespmem:v4+s0+$0x0], $0xffff  }
0x288: {  	v32 =	vadd.s32 $0x61A8, v3;
	v33 =	vld.idx.msk [tilespmem:v6+s0+$0x0], $0xffff  }
0x289: {  	v35 =	vadd.s32 $0x61A8, v4;
	v34 =	vld.idx.msk [tilespmem:v5+s0+$0x0], $0xffff  }
0x28a: {  	v37 =	vadd.s32 $0x61A8, v5;
	v36 =	vld.idx.msk [tilespmem:v1+s0+$0x0], $0xffff;
	[tilespmem:s3+$0xFFFFFA30] =	vst v7  }
0x28b: {  	v39 =	vadd.s32 $0x61A8, v6;
	[tilespmem:s3+$0xFFFFF9D0] =	vst v29;
	v38 =	vld.idx.msk [tilespmem:v28+s0+$0x0], $0xffff  }
0x28c: {  	v7 =	vadd.s32 $0x61A8, v2;
	[tilespmem:s3+$0xFFFFF9E0] =	vst v30;
	v8 =	vld.idx.msk [tilespmem:v27+s0+$0x0], $0xffff  }
0x28d: {  	v40 =	vadd.s32 $0x61A8, v1;
	[tilespmem:s3+$0xFFFFF9F0] =	vst v31;
	v13 =	vld.idx.msk [tilespmem:v32+s0+$0x0], $0xffff  }
0x28e: {  	v0 =	vadd.s32 $0xC350, v0;
	[tilespmem:s3+$0xFFFFF9C0] =	vst v34;
	v12 =	vld.idx.msk [tilespmem:v35+s0+$0x0], $0xffff  }
0x28f: {  	v3 =	vadd.s32 $0xC350, v3;
	[tilespmem:s3+$0xFFFFFA00] =	vst v33;
	v42 =	vld.idx.msk [tilespmem:v37+s0+$0x0], $0xffff  }
0x290: {  	v5 =	vadd.s32 $0xC350, v5;
	v43 =	vld.idx.msk [tilespmem:v39+s0+$0x0], $0xffff;
	[tilespmem:s3+$0xFFFFFA10] =	vst v36  }
0x291: {  	v4 =	vadd.s32 $0xC350, v4;
	v7 =	vld.idx.msk [tilespmem:v7+s0+$0x0], $0xffff;
	[tilespmem:s3+$0xFFFFFA20] =	vst v38  }
0x292: {  	v6 =	vadd.s32 $0xC350, v6;
	v44 =	vld.idx.msk [tilespmem:v40+s0+$0x0], $0xffff;
	[tilespmem:s3+$0x30] =	vst v8  }
0x293: {  	v41 =	vadd.s32 $0x61A8, v28;
	[tilespmem:s3+$0xFFFFFFE0] =	vst v13;
	v0 =	vld.idx.msk [tilespmem:v0+s0+$0x0], $0xffff  }
0x294: {  	v2 =	vadd.s32 $0xC350, v2;
	[tilespmem:s3+$0xFFFFFFC0] =	vst v42;
	v3 =	vld.idx.msk [tilespmem:v3+s0+$0x0], $0xffff  }
0x295: {  	[tilespmem:s3+$0xFFFFFFF0] =	vst v12;
	v5 =	vld.idx.msk [tilespmem:v5+s0+$0x0], $0xffff  }
0x296: {  	[tilespmem:s3+$0x0] =	vst v43;
	v4 =	vld.idx.msk [tilespmem:v4+s0+$0x0], $0xffff  }
0x297: {  	v6 =	vld.idx.msk [tilespmem:v6+s0+$0x0], $0xffff;
	[tilespmem:s3+$0xFFFFFFD0] =	vst v7  }
0x298: {  	v7 =	vld.idx.msk [tilespmem:v41+s0+$0x0], $0xffff;
	[tilespmem:s3+$0x10] =	vst v44  }
0x299: {  	v2 =	vld.idx.msk [tilespmem:v2+s0+$0x0], $0xffff;
	[tilespmem:s3+$0x630] =	vst v0  }
0x29a: {  	v45 =	vadd.s32 $0xC350, v28;
	v0 =	vadd.s32 $0xC350, v1;
	[tilespmem:s3+$0x5C0] =	vst v5;
	v1 =	vld [tilespmem:s31+$0x630]  }
0x29b: {  	[tilespmem:s3+$0x5E0] =	vst v3;
	v3 =	vld [tilespmem:s31+$0x5C0]  }
0x29c: {  	[tilespmem:s3+$0x5F0] =	vst v4;
	v4 =	vld [tilespmem:s31+$0x5E0]  }
0x29d: {  	[tilespmem:s3+$0x600] =	vst v6  }
0x29e: {  	v6 =	vld [tilespmem:s31+$0x5F0];
	[tilespmem:s3+$0x20] =	vst v7  }
0x29f: {  	[tilespmem:s3+$0x5D0] =	vst v2;
	v2 =	vld.idx.msk [tilespmem:v45+s0+$0x0], $0xffff  }
0x2a0: {  	v0 =	vld.idx.msk [tilespmem:v0+s0+$0x0], $0xffff  }
0x2a1: {  	v7 =	vld [tilespmem:s31+$0x5D0]  }
0x2a2: {  	v5 =	vld.idx.msk [tilespmem:v1+s0+$0x0], $0xffff  }
0x2a3: {  	v49 =	vld.idx.msk [tilespmem:v3+s0+$0x0], $0xffff  }
0x2a4: {  	[tilespmem:s3+$0x620] =	vst v2;
	v50 =	vld.idx.msk [tilespmem:v4+s0+$0x0], $0xffff  }
0x2a5: {  	v46 =	vadd.s32 $0x61A8, v1;
	[tilespmem:s3+$0x610] =	vst v0;
	v0 =	vld [tilespmem:s31+$0x600]  }
0x2a6: {  	v51 =	vadd.s32 $0x61A8, v3;
	v47 =	vld [tilespmem:s31+$0x620]  }
0x2a7: {  	v54 =	vadd.s32 $0x61A8, v4;
	v2 =	vld [tilespmem:s31+$0x610]  }
0x2a8: {  	v52 =	vld.idx.msk [tilespmem:v6+s0+$0x0], $0xffff  }
0x2a9: {  	v48 =	vld.idx.msk [tilespmem:v7+s0+$0x0], $0xffff;
	[tilespmem:s3+$0xC30] =	vst v5  }
0x2aa: {  	[tilespmem:s3+$0xBC0] =	vst v49;
	v5 =	vld.idx.msk [tilespmem:v46+s0+$0x0], $0xffff  }
0x2ab: {  	v53 =	vadd.s32 $0x61A8, v7;
	[tilespmem:s3+$0xBE0] =	vst v50;
	v12 =	vld.idx.msk [tilespmem:v51+s0+$0x0], $0xffff  }
0x2ac: {  	v1 =	vadd.s32 $0xC350, v1;
	v59 =	vld.idx.msk [tilespmem:v54+s0+$0x0], $0xffff  }
0x2ad: {  	v3 =	vadd.s32 $0xC350, v3;
	v15 =	vld.idx.msk [tilespmem:v0+s0+$0x0], $0xffff  }
0x2ae: {  	v55 =	vadd.s32 $0x61A8, v0;
	[tilespmem:s3+$0xBD0] =	vst v48;
	v56 =	vld.idx.msk [tilespmem:v47+s0+$0x0], $0xffff  }
0x2af: {  	v17 =	vld.idx.msk [tilespmem:v2+s0+$0x0], $0xffff;
	[tilespmem:s3+$0x1230] =	vst v5;
	v5 =	vadd.s32 $0x61A8, v6  }
0x2b0: {  	[tilespmem:s3+$0xBF0] =	vst v52;
	v58 =	vadd.s32 $0x61A8, v47;
	v14 =	vld.idx.msk [tilespmem:v53+s0+$0x0], $0xffff  }
0x2b1: {  	v57 =	vadd.s32 $0x61A8, v2;
	[tilespmem:s3+$0x11C0] =	vst v12;
	v1 =	vld.idx.msk [tilespmem:v1+s0+$0x0], $0xffff  }
0x2b2: {  	v7 =	vadd.s32 $0xC350, v7;
	v63 =	vld.idx.msk [tilespmem:v3+s0+$0x0], $0xffff;
	[tilespmem:s3+$0xC00] =	vst v15  }
0x2b3: {  	v4 =	vadd.s32 $0xC350, v4;
	[tilespmem:s3+$0x11E0] =	vst v59;
	v8 =	vld.idx.msk [tilespmem:v55+s0+$0x0], $0xffff  }
0x2b4: {  	v61 =	vadd.s32 $0xC350, v0;
	[tilespmem:s3+$0xC20] =	vst v56;
	v5 =	vld.idx.msk [tilespmem:v5+s0+$0x0], $0xffff  }
0x2b5: {  	v6 =	vadd.s32 $0xC350, v6;
	[tilespmem:s3+$0xC10] =	vst v17;
	v11 =	vld.idx.msk [tilespmem:v58+s0+$0x0], $0xffff  }
0x2b6: {  	v9 =	vadd.s32 $0xC350, v47;
	[tilespmem:s3+$0x11D0] =	vst v14;
	v60 =	vld.idx.msk [tilespmem:v57+s0+$0x0], $0xffff  }
0x2b7: {  	v62 =	vadd.s32 $0xC350, v2;
	v0 =	vld.idx.msk [tilespmem:v7+s0+$0x0], $0xffff;
	[tilespmem:s3+$0x1830] =	vst v1  }
0x2b8: {  	v1 =	vld.idx.msk [tilespmem:v4+s0+$0x0], $0xffff;
	[tilespmem:s3+$0x1200] =	vst v8  }
0x2b9: {  	[tilespmem:s3+$0x11F0] =	vst v5;
	v3 =	vld.idx.msk [tilespmem:v61+s0+$0x0], $0xffff  }
0x2ba: {  	[tilespmem:s3+$0x1220] =	vst v11;
	v2 =	vld.idx.msk [tilespmem:v6+s0+$0x0], $0xffff  }
0x2bb: {  	[tilespmem:s3+$0x1210] =	vst v60;
	v5 =	vld.idx.msk [tilespmem:v9+s0+$0x0], $0xffff  }
0x2bc: {  	s8 =	simm.s32 $0x0;
	s4 =	simm.s32 $0x12BB8;
	[tilespmem:s3+$0x17C0] =	vst v63;
	v4 =	vld.idx.msk [tilespmem:v62+s0+$0x0], $0xffff  }
.LBB2_41:
0x2bd: {  	v6 =	vld [tilespmem:s4+$0xFFFFFA30];
	s8 =	sadd.s32 $0x8, s8;
	[tilespmem:s3+$0x17D0] =	vst v0  }
0x2be: {  	v0 =	vld [tilespmem:s4+$0xFFFFF9D0];
	p2 =	slt.u32 s8, $0x28;
	[tilespmem:s3+$0x17E0] =	vst v1  }
0x2bf: {  	v1 =	vld [tilespmem:s4+$0xFFFFF9E0];
	[tilespmem:s3+$0x17F0] =	vst v2  }
0x2c0: {  	v2 =	vld [tilespmem:s4+$0xFFFFF9F0];
	[tilespmem:s3+$0x1800] =	vst v3  }
0x2c1: {  	v3 =	vld [tilespmem:s4+$0xFFFFFA00];
	[tilespmem:s3+$0x1810] =	vst v4  }
0x2c2: {  	v4 =	vld [tilespmem:s4+$0xFFFFFA10];
	[tilespmem:s3+$0x1820] =	vst v5  }
0x2c3: {  	v5 =	vadd.s32 $0x61A8, v0;
	v7 =	vadd.s32 $0xC350, v0;
	v8 =	vld [tilespmem:s4+$0xFFFFFA20]  }
0x2c4: {  	v9 =	vld [tilespmem:s4+$0xFFFFF9C0];
	v10 =	vadd.s32 $0x61A8, v1;
	v11 =	vadd.s32 $0xC350, v1  }
0x2c5: {  	v12 =	vadd.s32 $0x61A8, v2;
	v13 =	vadd.s32 $0xC350, v2;
	v14 =	vld.idx.msk [tilespmem:v6+s0+$0x0], $0xffff  }
0x2c6: {  	v0 =	vld.idx.msk [tilespmem:v0+s0+$0x0], $0xffff;
	v15 =	vadd.s32 $0x61A8, v3;
	v16 =	vadd.s32 $0xC350, v3  }
0x2c7: {  	v19 =	vadd.s32 $0x61A8, v6;
	v1 =	vld.idx.msk [tilespmem:v1+s0+$0x0], $0xffff;
	v17 =	vadd.s32 $0x61A8, v4;
	v18 =	vadd.s32 $0xC350, v4  }
0x2c8: {  	v2 =	vld.idx.msk [tilespmem:v2+s0+$0x0], $0xffff;
	v20 =	vadd.s32 $0x61A8, v8;
	v21 =	vadd.s32 $0xC350, v8  }
0x2c9: {  	v22 =	vadd.s32 $0x61A8, v9;
	v23 =	vadd.s32 $0xC350, v9;
	v3 =	vld.idx.msk [tilespmem:v3+s0+$0x0], $0xffff  }
0x2ca: {  	s3 =	sadd.s32 $0x80, s3;
	v4 =	vld.idx.msk [tilespmem:v4+s0+$0x0], $0xffff  }
0x2cb: {  	v8 =	vld.idx.msk [tilespmem:v8+s0+$0x0], $0xffff;
	[tilespmem:s3+$0xFFFFE830] =	vst v14  }
0x2cc: {  	[tilespmem:s3+$0xFFFFE7D0] =	vst v0;
	v0 =	vld.idx.msk [tilespmem:v19+s0+$0x0], $0xffff  }
0x2cd: {  	v9 =	vld.idx.msk [tilespmem:v9+s0+$0x0], $0xffff;
	[tilespmem:s3+$0xFFFFE7E0] =	vst v1  }
0x2ce: {  	v1 =	vld.idx.msk [tilespmem:v5+s0+$0x0], $0xffff;
	[tilespmem:s3+$0xFFFFE7F0] =	vst v2;
	v2 =	vadd.s32 $0xC350, v6  }
0x2cf: {  	v5 =	vld.idx.msk [tilespmem:v10+s0+$0x0], $0xffff;
	[tilespmem:s3+$0xFFFFE800] =	vst v3  }
0x2d0: {  	v3 =	vld.idx.msk [tilespmem:v12+s0+$0x0], $0xffff;
	[tilespmem:s3+$0xFFFFE810] =	vst v4  }
0x2d1: {  	v4 =	vld.idx.msk [tilespmem:v15+s0+$0x0], $0xffff;
	[tilespmem:s3+$0xFFFFE820] =	vst v8  }
0x2d2: {  	v6 =	vld.idx.msk [tilespmem:v17+s0+$0x0], $0xffff;
	[tilespmem:s3+$0xFFFFEE30] =	vst v0  }
0x2d3: {  	[tilespmem:s3+$0xFFFFE7C0] =	vst v9;
	v0 =	vld.idx.msk [tilespmem:v2+s0+$0x0], $0xffff  }
0x2d4: {  	v2 =	vld.idx.msk [tilespmem:v22+s0+$0x0], $0xffff;
	[tilespmem:s3+$0xFFFFEDD0] =	vst v1  }
0x2d5: {  	[tilespmem:s3+$0xFFFFEDE0] =	vst v5;
	v1 =	vld.idx.msk [tilespmem:v20+s0+$0x0], $0xffff  }
0x2d6: {  	v5 =	vld.idx.msk [tilespmem:v7+s0+$0x0], $0xffff;
	[tilespmem:s3+$0xFFFFEDF0] =	vst v3  }
0x2d7: {  	v3 =	vld.idx.msk [tilespmem:v11+s0+$0x0], $0xffff;
	[tilespmem:s3+$0xFFFFEE00] =	vst v4  }
0x2d8: {  	v4 =	vld.idx.msk [tilespmem:v13+s0+$0x0], $0xffff;
	[tilespmem:s3+$0xFFFFEE10] =	vst v6  }
0x2d9: {  	v6 =	vld.idx.msk [tilespmem:v16+s0+$0x0], $0xffff;
	[tilespmem:s3+$0xFFFFF430] =	vst v0  }
0x2da: {  	[tilespmem:s3+$0xFFFFEDC0] =	vst v2;
	v0 =	vld [tilespmem:s4+$0x30]  }
0x2db: {  	v2 =	vld.idx.msk [tilespmem:v23+s0+$0x0], $0xffff;
	[tilespmem:s3+$0xFFFFEE20] =	vst v1  }
0x2dc: {  	[tilespmem:s3+$0xFFFFF3D0] =	vst v5;
	v1 =	vld.idx.msk [tilespmem:v18+s0+$0x0], $0xffff  }
0x2dd: {  	[tilespmem:s3+$0xFFFFF3E0] =	vst v3;
	v3 =	vld.idx.msk [tilespmem:v21+s0+$0x0], $0xffff  }
0x2de: {  	v5 =	vld [tilespmem:s4+$0xFFFFFFD0];
	[tilespmem:s3+$0xFFFFF3F0] =	vst v4  }
0x2df: {  	v4 =	vld [tilespmem:s4+$0xFFFFFFE0];
	[tilespmem:s3+$0xFFFFF400] =	vst v6  }
0x2e0: {  	v6 =	vld [tilespmem:s4+$0xFFFFFFF0]  }
0x2e1: {  	[tilespmem:s3+$0xFFFFF3C0] =	vst v2;
	v2 =	vld [tilespmem:s4+$0x0]  }
0x2e2: {  	[tilespmem:s3+$0xFFFFF410] =	vst v1;
	v1 =	vld.idx.msk [tilespmem:v0+s0+$0x0], $0xffff  }
0x2e3: {  	v7 =	vld [tilespmem:s4+$0xFFFFFFC0];
	v8 =	vadd.s32 $0x61A8, v5;
	v9 =	vadd.s32 $0xC350, v5;
	[tilespmem:s3+$0xFFFFF420] =	vst v3  }
0x2e4: {  	v12 =	vadd.s32 $0x61A8, v0;
	v3 =	vadd.s32 $0x61A8, v4;
	v10 =	vadd.s32 $0xC350, v4;
	v11 =	vld [tilespmem:s4+$0x10]  }
0x2e5: {  	v13 =	vadd.s32 $0x61A8, v6;
	v14 =	vadd.s32 $0xC350, v6;
	v15 =	vld [tilespmem:s4+$0x20]  }
0x2e6: {  	v5 =	vld.idx.msk [tilespmem:v5+s0+$0x0], $0xffff;
	v16 =	vadd.s32 $0x61A8, v2;
	v17 =	vadd.s32 $0xC350, v2  }
0x2e7: {  	v4 =	vld.idx.msk [tilespmem:v4+s0+$0x0], $0xffff  }
0x2e8: {  	v18 =	vadd.s32 $0x61A8, v7;
	v19 =	vadd.s32 $0xC350, v7;
	v6 =	vld.idx.msk [tilespmem:v6+s0+$0x0], $0xffff;
	[tilespmem:s3+$0xFFFFFA30] =	vst v1  }
0x2e9: {  	v1 =	vadd.s32 $0x61A8, v11;
	v20 =	vadd.s32 $0xC350, v11;
	v12 =	vld.idx.msk [tilespmem:v12+s0+$0x0], $0xffff  }
0x2ea: {  	v2 =	vld.idx.msk [tilespmem:v2+s0+$0x0], $0xffff;
	v21 =	vadd.s32 $0x61A8, v15;
	v22 =	vadd.s32 $0xC350, v15  }
0x2eb: {  	v0 =	vadd.s32 $0xC350, v0;
	v7 =	vld.idx.msk [tilespmem:v7+s0+$0x0], $0xffff  }
0x2ec: {  	[tilespmem:s3+$0xFFFFF9D0] =	vst v5;
	v5 =	vld.idx.msk [tilespmem:v11+s0+$0x0], $0xffff  }
0x2ed: {  	[tilespmem:s3+$0xFFFFF9E0] =	vst v4;
	v4 =	vld.idx.msk [tilespmem:v15+s0+$0x0], $0xffff  }
0x2ee: {  	v8 =	vld.idx.msk [tilespmem:v8+s0+$0x0], $0xffff;
	[tilespmem:s3+$0xFFFFF9F0] =	vst v6  }
0x2ef: {  	v3 =	vld.idx.msk [tilespmem:v3+s0+$0x0], $0xffff;
	[tilespmem:s3+$0x30] =	vst v12  }
0x2f0: {  	[tilespmem:s3+$0xFFFFFA00] =	vst v2;
	v0 =	vld.idx.msk [tilespmem:v0+s0+$0x0], $0xffff  }
0x2f1: {  	[tilespmem:s3+$0xFFFFF9C0] =	vst v7;
	v2 =	vld.idx.msk [tilespmem:v13+s0+$0x0], $0xffff  }
0x2f2: {  	v6 =	vld.idx.msk [tilespmem:v18+s0+$0x0], $0xffff;
	[tilespmem:s3+$0xFFFFFA10] =	vst v5  }
0x2f3: {  	v5 =	vld.idx.msk [tilespmem:v16+s0+$0x0], $0xffff;
	[tilespmem:s3+$0xFFFFFA20] =	vst v4  }
0x2f4: {  	[tilespmem:s3+$0xFFFFFFD0] =	vst v8;
	v1 =	vld.idx.msk [tilespmem:v1+s0+$0x0], $0xffff  }
0x2f5: {  	[tilespmem:s3+$0xFFFFFFE0] =	vst v3;
	v3 =	vld.idx.msk [tilespmem:v21+s0+$0x0], $0xffff  }
0x2f6: {  	v4 =	vld.idx.msk [tilespmem:v9+s0+$0x0], $0xffff;
	[tilespmem:s3+$0x630] =	vst v0  }
0x2f7: {  	[tilespmem:s3+$0xFFFFFFF0] =	vst v2;
	v0 =	vld [tilespmem:s4+$0x630]  }
0x2f8: {  	[tilespmem:s3+$0xFFFFFFC0] =	vst v6;
	v2 =	vld.idx.msk [tilespmem:v10+s0+$0x0], $0xffff  }
0x2f9: {  	v6 =	vld.idx.msk [tilespmem:v19+s0+$0x0], $0xffff;
	[tilespmem:s3+$0x0] =	vst v5  }
0x2fa: {  	v5 =	vld.idx.msk [tilespmem:v14+s0+$0x0], $0xffff;
	[tilespmem:s3+$0x10] =	vst v1  }
0x2fb: {  	v1 =	vld.idx.msk [tilespmem:v17+s0+$0x0], $0xffff;
	[tilespmem:s3+$0x20] =	vst v3  }
0x2fc: {  	[tilespmem:s3+$0x5D0] =	vst v4;
	v3 =	vld.idx.msk [tilespmem:v20+s0+$0x0], $0xffff  }
0x2fd: {  	v4 =	vld.idx.msk [tilespmem:v22+s0+$0x0], $0xffff  }
0x2fe: {  	v7 =	vld [tilespmem:s4+$0x5D0];
	[tilespmem:s3+$0x5E0] =	vst v2  }
0x2ff: {  	[tilespmem:s3+$0x5C0] =	vst v6;
	v2 =	vld.idx.msk [tilespmem:v0+s0+$0x0], $0xffff  }
0x300: {  	v6 =	vld [tilespmem:s4+$0x5C0];
	[tilespmem:s3+$0x5F0] =	vst v5  }
0x301: {  	v5 =	vld [tilespmem:s4+$0x5E0];
	[tilespmem:s3+$0x600] =	vst v1;
	v1 =	vadd.s32 $0x61A8, v0  }
0x302: {  	v8 =	vld [tilespmem:s4+$0x5F0];
	[tilespmem:s3+$0x610] =	vst v3  }
0x303: {  	v3 =	vadd.s32 $0x61A8, v7;
	v9 =	vadd.s32 $0xC350, v7;
	v10 =	vld [tilespmem:s4+$0x600];
	[tilespmem:s3+$0x620] =	vst v4  }
0x304: {  	v4 =	vld [tilespmem:s4+$0x610]  }
0x305: {  	v11 =	vadd.s32 $0x61A8, v6;
	v12 =	vadd.s32 $0xC350, v6;
	v13 =	vld [tilespmem:s4+$0x620];
	[tilespmem:s3+$0xC30] =	vst v2  }
0x306: {  	v2 =	vadd.s32 $0x61A8, v5;
	v14 =	vadd.s32 $0xC350, v5;
	v1 =	vld.idx.msk [tilespmem:v1+s0+$0x0], $0xffff  }
0x307: {  	v7 =	vld.idx.msk [tilespmem:v7+s0+$0x0], $0xffff;
	v15 =	vadd.s32 $0x61A8, v8;
	v16 =	vadd.s32 $0xC350, v8  }
0x308: {  	v0 =	vadd.s32 $0xC350, v0;
	v6 =	vld.idx.msk [tilespmem:v6+s0+$0x0], $0xffff;
	v17 =	vadd.s32 $0x61A8, v10;
	v18 =	vadd.s32 $0xC350, v10  }
0x309: {  	v5 =	vld.idx.msk [tilespmem:v5+s0+$0x0], $0xffff;
	v19 =	vadd.s32 $0x61A8, v4;
	v20 =	vadd.s32 $0xC350, v4  }
0x30a: {  	v8 =	vld.idx.msk [tilespmem:v8+s0+$0x0], $0xffff;
	v21 =	vadd.s32 $0x61A8, v13;
	v22 =	vadd.s32 $0xC350, v13  }
0x30b: {  	v10 =	vld.idx.msk [tilespmem:v10+s0+$0x0], $0xffff  }
0x30c: {  	v4 =	vld.idx.msk [tilespmem:v4+s0+$0x0], $0xffff;
	[tilespmem:s3+$0x1230] =	vst v1  }
0x30d: {  	[tilespmem:s3+$0xBD0] =	vst v7;
	v0 =	vld.idx.msk [tilespmem:v0+s0+$0x0], $0xffff  }
0x30e: {  	[tilespmem:s3+$0xBC0] =	vst v6;
	v1 =	vld.idx.msk [tilespmem:v13+s0+$0x0], $0xffff  }
0x30f: {  	v6 =	vld.idx.msk [tilespmem:v11+s0+$0x0], $0xffff;
	[tilespmem:s3+$0xBE0] =	vst v5  }
0x310: {  	v3 =	vld.idx.msk [tilespmem:v3+s0+$0x0], $0xffff;
	[tilespmem:s3+$0xBF0] =	vst v8  }
0x311: {  	v2 =	vld.idx.msk [tilespmem:v2+s0+$0x0], $0xffff;
	[tilespmem:s3+$0xC00] =	vst v10  }
0x312: {  	v5 =	vld.idx.msk [tilespmem:v15+s0+$0x0], $0xffff;
	[tilespmem:s3+$0xC10] =	vst v4  }
0x313: {  	v4 =	vld.idx.msk [tilespmem:v17+s0+$0x0], $0xffff;
	[tilespmem:s3+$0x1830] =	vst v0  }
0x314: {  	v7 =	vld.idx.msk [tilespmem:v19+s0+$0x0], $0xffff;
	[tilespmem:s3+$0xC20] =	vst v1  }
0x315: {  	[tilespmem:s3+$0x11C0] =	vst v6;
	v6 =	vld.idx.msk [tilespmem:v21+s0+$0x0], $0xffff  }
0x316: {  	v8 =	vld.idx.msk [tilespmem:v12+s0+$0x0], $0xffff;
	[tilespmem:s3+$0x11D0] =	vst v3  }
0x317: {  	v0 =	vld.idx.msk [tilespmem:v9+s0+$0x0], $0xffff;
	[tilespmem:s3+$0x11E0] =	vst v2  }
.Ltmp33:
0x318: {  	v1 =	vld.idx.msk [tilespmem:v14+s0+$0x0], $0xffff;
	[tilespmem:s3+$0x11F0] =	vst v5;
	(pc) =	sbr.rel @p2 .LBB2_41-.Ltmp33, $4  }
0x319: {  	v2 =	vld.idx.msk [tilespmem:v16+s0+$0x0], $0xffff;
	[tilespmem:s3+$0x1200] =	vst v4  }
0x31a: {  	v3 =	vld.idx.msk [tilespmem:v18+s0+$0x0], $0xffff;
	[tilespmem:s3+$0x1210] =	vst v7  }
0x31b: {  	v4 =	vld.idx.msk [tilespmem:v20+s0+$0x0], $0xffff;
	[tilespmem:s3+$0x1220] =	vst v6  }
0x31c: {  	s4 =	sadd.s32 $0x80, s4;
	[tilespmem:s3+$0x17C0] =	vst v8;
	v5 =	vld.idx.msk [tilespmem:v22+s0+$0x0], $0xffff  }
0x31d: {  	[tilespmem:s3+$0x17D0] =	vst v0  }
0x31e: {  	[tilespmem:s3+$0x17E0] =	vst v1  }
0x31f: {  	[tilespmem:s3+$0x17F0] =	vst v2  }
0x320: {  	[tilespmem:s3+$0x1800] =	vst v3  }
0x321: {  	[tilespmem:s3+$0x1810] =	vst v4  }
0x322: {  	[tilespmem:s3+$0x1820] =	vst v5  }
.LBB2_43:
0x323: {  	s3 =	sshra.s32 s0, $0x2  }
0x324: {  	v0 =	vld [tilespmem:s3+$0x127F8];
	_ =	sdelay $0x7  }
0x325: {  	v1 =	vld.idx.msk [tilespmem:v0+s5+$0x0], $0xffff  }
0x326: {  	v2 =	vadd.s32 $0x61A8, v0;
	_ =	sdelay $0x3  }
0x327: {  	[tilespmem:s3+$0x139F8] =	vst v1  }
0x328: {  	v1 =	vld.idx.msk [tilespmem:v2+s5+$0x0], $0xffff  }
0x329: {  	v0 =	vadd.s32 $0xC350, v0;
	_ =	sdelay $0x2  }
0x32a: {  	v58 =	vld [tilespmem:s3+$0x12DF8]  }
0x32b: {  	[tilespmem:s3+$0x13FF8] =	vst v1  }
0x32c: {  	v0 =	vld.idx.msk [tilespmem:v0+s5+$0x0], $0xffff;
	_ =	sdelay $0x4  }
0x32d: {  	[tilespmem:s3+$0x145F8] =	vst v0  }
0x32e: {  	v0 =	vld.idx.msk [tilespmem:v58+s5+$0x0], $0xffff  }
0x32f: {  	v59 =	vadd.s32 $0x61A8, v58;
	_ =	sdelay $0x3  }
0x330: {  	[tilespmem:s3+$0x14BF8] =	vst v0  }
0x331: {  	v0 =	vld.idx.msk [tilespmem:v59+s5+$0x0], $0xffff  }
0x332: {  	v60 =	vadd.s32 $0xC350, v58;
	_ =	sdelay $0x2  }
0x333: {  	v61 =	vld [tilespmem:s3+$0x133F8]  }
0x334: {  	[tilespmem:s3+$0x151F8] =	vst v0  }
0x335: {  	v0 =	vld.idx.msk [tilespmem:v60+s5+$0x0], $0xffff;
	_ =	sdelay $0x4  }
0x336: {  	[tilespmem:s3+$0x157F8] =	vst v0  }
0x337: {  	v0 =	vld.idx.msk [tilespmem:v61+s5+$0x0], $0xffff  }
0x338: {  	v62 =	vadd.s32 $0x61A8, v61;
	_ =	sdelay $0x3  }
0x339: {  	[tilespmem:s3+$0x15DF8] =	vst v0  }
0x33a: {  	v0 =	vld.idx.msk [tilespmem:v62+s5+$0x0], $0xffff  }
0x33b: {  	v63 =	vadd.s32 $0xC350, v61;
	_ =	sdelay $0x3  }
0x33c: {  	[tilespmem:s3+$0x163F8] =	vst v0  }
0x33d: {  	p2 =	sne.s32 s0, $0x100;
	v0 =	vld.idx.msk [tilespmem:v63+s5+$0x0], $0xffff  }
.Ltmp34:
0x33e: {  	_ = 	snop;
	(pc) =	sbr.rel @p2 .LBB2_43-.Ltmp34, $2  }
0x33f: {  	_ =	sdelay $0x2  }
0x340: {  	s0 =	sadd.s32 $0x40, s0;
	[tilespmem:s3+$0x169F8] =	vst v0  }
0x341: {  	s0 =	sld [smem:$0x7F6]  }
0x342: {  	[spmem:s25] =	stream.linear.scatter [tilespmem:s10], [sflag:$0x1], $0x350, $0x38;
	[tilespmem:$0x1FE38] =	vst v63  }
0x343: {  	s3 =	simm.s32 $0x13CF8;
	s30 =	sld [smem:$0x7F7]  }
0x344: {  	[spmem:s0] =	stream.linear.scatter [tilespmem:s3], [sflag:$0x1], $0x350, $0x38;
	[tilespmem:$0x1FE38] =	vst v63  }
0x345: {  	s31 =	simm.s32 $0x142F8;
	s3 =	sld [smem:$0x7F8]  }
0x346: {  	[spmem:s30] =	stream.linear.scatter [tilespmem:s31], [sflag:$0x1], $0x350, $0x38;
	[tilespmem:$0x1FE38] =	vst v63  }
0x347: {  	s4 =	simm.s32 $0x148F8;
	s7 =	sld [smem:$0x7F9]  }
0x348: {  	[spmem:s3] =	stream.linear.scatter [tilespmem:s4], [sflag:$0x1], $0x350, $0x38;
	[tilespmem:$0x1FE38] =	vst v63  }
0x349: {  	s8 =	simm.s32 $0x14EF8;
	s16 =	sld [smem:$0x7FA]  }
0x34a: {  	[spmem:s7] =	stream.linear.scatter [tilespmem:s8], [sflag:$0x1], $0x350, $0x38;
	[tilespmem:$0x1FE38] =	vst v63  }
0x34b: {  	s18 =	simm.s32 $0x154F8;
	s21 =	sld [smem:$0x7FB]  }
0x34c: {  	[spmem:s16] =	stream.linear.scatter [tilespmem:s18], [sflag:$0x1], $0x350, $0x38;
	[tilespmem:$0x1FE38] =	vst v63  }
0x34d: {  	s23 =	simm.s32 $0x15AF8;
	s26 =	sld [smem:$0x7FC]  }
0x34e: {  	[spmem:s21] =	stream.linear.scatter [tilespmem:s23], [sflag:$0x1], $0x350, $0x38;
	[tilespmem:$0x1FE38] =	vst v63  }
0x34f: {  	s29 =	simm.s32 $0x160F8;
	s30 =	sld [smem:$0x7FD]  }
0x350: {  	[spmem:s26] =	stream.linear.scatter [tilespmem:s29], [sflag:$0x1], $0x350, $0x38;
	[tilespmem:$0x1FE38] =	vst v63  }
0x351: {  	s31 =	simm.s32 $0x166F8  }
0x352: {  	[spmem:s30] =	stream.linear.scatter [tilespmem:s31], [sflag:$0x1], $0x350, $0x38;
	[tilespmem:$0x1FE38] =	vst v63  }
0x353: {  	_ =	swait.ge [sflag:s13], $0x1DD0  }
0x354: {  	[sflag:s13] =	ssyncset.done $0x0  }
0x355: {  	[sflag:s13] =	ssyncadd.s32 $0xFFFFE230  }
0x356: {  	s0 =	simm.s32 @!p3 $0x35;
	s3 =	simm.s32 @!p3 $0x186A;
	[bflag:$0x0] =	sbarrier.arrive $0xFFFF  }
0x357: {  	s4 =	simm.s32 @!p3 $0x6C0;
	s7 =	simm.s32 @!p3 $0x1C01;
	s8 =	rddreg [dreg:$0x16]  }
0x358: {  	[hbm:s8@s3], [sflag:s7] =	dma.strided @!p3 [spmem:s28@s4], $0x6A0, s0, $0x2   }
0x359: {  	s0 =	simm.s32 @!p3 $0x1  }
0x35a: {  	_ =	swait.ge @!p3 [sflag:s0], $0x6A0  }
0x35b: {  	s3 =	simm.s32 @p4 $0x186A;
	s4 =	simm.s32 @p4 $0x6C0;
	[sflag:s0] =	ssyncset.done @!p3 $0x0  }
0x35c: {  	s7 =	rddreg [dreg:$0x18];
	[sflag:s0] =	ssyncadd.s32 @!p3 $0xFFFFF960;
	s0 =	simm.s32 @p4 $0x35  }
0x35d: {  	[hbm:s7@s3], [sflag:s17] =	dma.strided @p4 [spmem:s22@s4], $0x6A0, s0, $0x2   }
0x35e: {  	s0 =	simm.s32 @p4 $0x1  }
0x35f: {  	_ =	swait.ge @p4 [sflag:s0], $0x6A0  }
.Ltmp35:
0x360: {  	s3 =	rddreg [dreg:$0x19];
	(pc) =	sbr.rel @p0 .LBB2_52-.Ltmp35, $4  }
0x361: {  	s16 =	rddreg [dreg:$0x9]  }
0x362: {  	s17 =	rddreg [dreg:$0x1d]  }
0x363: {  	s4 =	stileid.u32;
	[sflag:s0] =	ssyncset.done @p4 $0x0;
	s18 =	rddreg [dreg:$0x1e]  }
0x364: {  	s22 =	sld [smem:$0x7D8];
	[sflag:s0] =	ssyncadd.s32 @p4 $0xFFFFF960;
	s0 =	smov.u32 s9  }
0x365: {  	s0 =	sld [smem:$0x7E1];
	_ =	sdelay $0x2  }
0x366: {  	p0 =	seq.s32 s0, $0x1  }
.Ltmp36:
0x367: {  	_ = 	snop;
	(pc) =	sbr.rel @p0 .LBB2_48-.Ltmp36, $1  }
0x368: {  	_ =	sdelay $0x3  }
0x369: {  	s0 =	sld [smem:$0x7DC];
	_ =	sdelay $0x2  }
0x36a: {  	p0 =	seq.s32 s0, $0x1  }
.Ltmp37:
0x36b: {  	_ = 	snop;
	(pc) =	sbr.rel @!p0 .LBB2_53-.Ltmp37, $1  }
0x36c: {  	_ =	sdelay $0x3  }
0x36d: {  	s0 =	sld [smem:$0x7D9];
	_ =	sdelay $0x1  }
0x36e: {  	s3 =	sld [smem:$0x7EE]  }
0x36f: {  	p0 =	seq.s32 s0, $0x1;
	s0 =	sld [smem:$0x7F0];
	_ =	sdelay $0x1  }
.Ltmp38:
0x370: {  	s4 =	sld [smem:$0x7DB];
	(pc) =	sbr.rel .LBB2_52-.Ltmp38, $3  }
0x371: {  	s3 =	smov.u32 @p0 s0;
	s0 =	sld [smem:$0x7EC];
	_ =	sdelay $0x1  }
0x372: {  	p0 =	seq.s32 s4, $0x1  }
0x373: {  	s0 =	smov.u32 @p0 s3;
	s3 =	rddreg [dreg:$0xf]  }
.LBB2_48:
0x374: {  	s0 =	sld [smem:$0x7DE];
	_ =	sdelay $0x2  }
0x375: {  	p0 =	seq.s32 s0, $0x1  }
.Ltmp39:
0x376: {  	_ = 	snop;
	(pc) =	sbr.rel @p0 .LBB2_49-.Ltmp39, $1  }
0x377: {  	_ =	sdelay $0x3  }
0x378: {  	s0 =	sld [smem:$0x7E2];
	_ =	sdelay $0x2  }
0x379: {  	p0 =	seq.s32 s0, $0x1  }
.Ltmp40:
0x37a: {  	_ = 	snop;
	(pc) =	sbr.rel @!p0 .LBB2_53-.Ltmp40, $1  }
0x37b: {  	_ =	sdelay $0x3  }
.Ltmp41:
0x37c: {  	(pc) =	sbr.rel .LBB2_52-.Ltmp41, $3  }
0x37d: {  	_ =	sdelay $0x1  }
0x37e: {  	s0 =	sld [smem:$0x7F2]  }
0x37f: {  	s3 =	rddreg [dreg:$0x1a]  }
.LBB2_8:
0x380: {  	p4 =	sgt.u32 s4, $0x3  }
.Ltmp42:
0x381: {  	_ = 	snop;
	(pc) =	sbr.rel @!p4 .LBB2_9-.Ltmp42, $3  }
0x382: {  	_ =	sdelay $0x1  }
0x383: {  	[bflag:$0x0] =	sbarrier.arrive $0xFFFF  }
0x384: {  	p2 =	por $0x0, $0x0;
	p0 =	por $0x0, $0x0  }
0x385: {  	[bflag:$0x0] =	sbarrier.arrive $0xFFFF  }
0x386: {  	[bflag:$0x0] =	sbarrier.arrive $0xFFFF  }
0x387: {  	s0 =	sld [smem:$0x7DF];
	_ =	sdelay $0x2  }
0x388: {  	p0 =	seq.s32 s0, $0x1  }
.Ltmp43:
0x389: {  	_ = 	snop;
	(pc) =	sbr.rel @p0 .LBB2_16-.Ltmp43, $2  }
0x38a: {  	_ =	sdelay $0x2  }
0x38b: {  	p4 =	por $0x0, $0x0;
	p2 =	por $0x0, $0x0  }
.Ltmp44:
0x38c: {  	(pc) =	sbr.rel .LBB2_23-.Ltmp44, $3  }
0x38d: {  	_ =	sdelay $0x1  }
0x38e: {  	[bflag:$0x0] =	sbarrier.arrive $0xFFFF  }
0x38f: {  	p4 =	por $0x0, $0x0;
	p0 =	por $0x0, $0x0;
	s0 =	rddreg [dreg:$0x1c]  }
.LBB2_54:
0x390: {  	_ =	sfence.sel $0x180000  }
0x391: {  	[bflag:$0x0] =	sbarrier.arrive $0xFFFF  }
0x392: {  	_ =	strace $0x90000047  }
0x393: {  	[bflag:$0x2] =	sbarrier.arrive $0xFFFF  }
0x394: {  	s0 =	rddreg [dreg:$0x5]  }
0x395: {  	s0 =	sadd.s32 @!p3 $0x100000, s0  }
0x396: {  	[sflag:s0] =	ssyncadd.tile.s32 @!p3 $0x1;
	_ =	shalt  }
.Lfunc_end2:
_tile_overlayer_lowered:
.L_overlay_start_2:
0x397: {  	(tag) =	ssettag $0x2  }
0x398: {  	s0 =	rddreg [dreg:$0x0];
	s2 =	stileid.u32  }
0x399: {  	s1 =	rddreg [dreg:$0x1];
	p0 =	sne.s32 s2, $0x0  }
0x39a: {  	s3 =	rddreg [dreg:$0x2];
	[bflag:$0x3] =	sbarrier.arrive $0xFFFF;
	s2 =	simm.s32 @!p0 $0x1C01  }
0x39b: {  	[timem:s3], [sflag:s2] =	dma.local @!p0 [hbm:s0], s1  }
0x39c: {  	s0 =	simm.s32 @!p0 $0x1  }
0x39d: {  	_ =	swait.ge @!p0 [sflag:s0], s1  }
0x39e: {  	s1 =	ssub.s32 @!p0 $0x0, s1;
	[sflag:s0] =	ssyncset.done @!p0 $0x0  }
0x39f: {  	[sflag:s0] =	ssyncadd.s32 @!p0 s1  }
0x3a0: {  	[bflag:$0x3] =	sbarrier.arrive $0xFFFF  }
0x3a1: {  	_ =	shalt  }

</sc_bundles>
